<compile_context>
chip_gen: v7x
topology: tpu7x:2x2x1
jax: 0.10.2.dev20260603
libtpu: 0.0.44.dev20260713+nightly
codegen_flags: <defaults>
</compile_context>

<pallas_src>
import functools

import jax
import jax.numpy as jnp
import numpy as np
from jax import lax
from jax.experimental import pallas as pl
from jax.experimental.pallas import tpu as pltpu
from jax.experimental.pallas import tpu_sc as plsc

N_NODES = 10000
E_EDGES = 160000
D_FEAT = 256
D_EDGE = 16
D_OUT = D_FEAT + D_EDGE
_DW = D_FEAT // 2

_M = np.arange(_DW)
_P_LO = (32 * (_M // 16) + (_M % 16)).astype(np.int32)
_P_HI = _P_LO + 16



def _node_matmul_body(x_ref, wlo_ref, whi_ref, blo_ref, bhi_ref, o_ref):
    acc_lo = lax.dot_general(x_ref[...], wlo_ref[...], (((1,), (1,)), ((), ())),
                             preferred_element_type=jnp.float32)
    acc_hi = lax.dot_general(x_ref[...], whi_ref[...], (((1,), (1,)), ((), ())),
                             preferred_element_type=jnp.float32)
    lo = (acc_lo + 0.5 * blo_ref[...]).astype(jnp.bfloat16).astype(jnp.float32)
    hi = (acc_hi + 0.5 * bhi_ref[...]).astype(jnp.bfloat16).astype(jnp.float32)
    lo_bits = lax.shift_right_logical(
        lax.bitcast_convert_type(lo, jnp.int32), 16)
    hi_bits = lax.bitcast_convert_type(hi, jnp.int32)
    o_ref[...] = hi_bits | lo_bits


def _node_matmul_packed(x, Wx, bx):
    blk = 1000
    plo, phi = jnp.asarray(_P_LO), jnp.asarray(_P_HI)
    return pl.pallas_call(
        _node_matmul_body,
        grid=(N_NODES // blk,),
        in_specs=[
            pl.BlockSpec((blk, D_FEAT), lambda i: (i, 0)),
            pl.BlockSpec((_DW, D_FEAT), lambda i: (0, 0)),
            pl.BlockSpec((_DW, D_FEAT), lambda i: (0, 0)),
            pl.BlockSpec((1, _DW), lambda i: (0, 0)),
            pl.BlockSpec((1, _DW), lambda i: (0, 0)),
        ],
        out_specs=pl.BlockSpec((blk, _DW), lambda i: (i, 0)),
        out_shape=jax.ShapeDtypeStruct((N_NODES, _DW), jnp.int32),
    )(x, Wx[plo, :], Wx[phi, :], bx[plo].reshape(1, _DW),
      bx[phi].reshape(1, _DW))


def _edge_matmul_body(a_ref, w_ref, b_ref, o_ref):
    acc = lax.dot_general(a_ref[...], w_ref[...], (((1,), (1,)), ((), ())),
                          preferred_element_type=jnp.float32)
    o_ref[...] = acc + b_ref[...]


def _edge_matmul(edge_attr, We, be):
    blk = 8000
    return pl.pallas_call(
        _edge_matmul_body,
        grid=(E_EDGES // blk,),
        in_specs=[
            pl.BlockSpec((blk, D_EDGE), lambda i: (i, 0)),
            pl.BlockSpec((D_EDGE, D_EDGE), lambda i: (0, 0)),
            pl.BlockSpec((1, D_EDGE), lambda i: (0, 0)),
        ],
        out_specs=pl.BlockSpec((blk, D_EDGE), lambda i: (i, 0)),
        out_shape=jax.ShapeDtypeStruct((E_EDGES, D_EDGE), jnp.float32),
    )(edge_attr, We, be.reshape(1, D_EDGE))



_NC, _NS, _LANES = 2, 16, 16
_NW = _NC * _NS
_EPW = E_EDGES // _NW
_C = 104
_NFULL = _EPW // _C
_TAIL = _EPW - _NFULL * _C


def _sc_gather_sum(y_packed, idx_i, idx_j):
    mesh = plsc.VectorSubcoreMesh(core_axis_name="c", subcore_axis_name="s")

    @functools.partial(
        pl.kernel,
        mesh=mesh,
        compiler_params=pltpu.CompilerParams(needs_layout_passes=False),
        out_type=jax.ShapeDtypeStruct((E_EDGES, D_FEAT), jnp.float32),
        scratch_types=[
            pltpu.VMEM((_EPW,), jnp.int32),
            pltpu.VMEM((_EPW,), jnp.int32),
            pltpu.VMEM((_C, _DW), jnp.int32),
            pltpu.VMEM((_C, _DW), jnp.int32),
            pltpu.VMEM((_C, _DW), jnp.int32),
            pltpu.VMEM((_C, _DW), jnp.int32),
            pltpu.VMEM((_C, D_FEAT), jnp.float32),
            pltpu.VMEM((_C, D_FEAT), jnp.float32),
            pltpu.SemaphoreType.DMA,
            pltpu.SemaphoreType.DMA,
            pltpu.SemaphoreType.DMA,
            pltpu.SemaphoreType.DMA,
        ],
    )
    def body(y_hbm, ii_hbm, jj_hbm, out_hbm, ii_v, jj_v,
             a0, a1, b0, b1, o0, o1, si0, si1, so0, so1):
        a_v, b_v = (a0, a1), (b0, b1)
        o_v = (o0, o1)
        si, so = (si0, si1), (so0, so1)
        wid = lax.axis_index("s") * _NC + lax.axis_index("c")
        base = wid * _EPW
        pltpu.sync_copy(ii_hbm.at[pl.ds(base, _EPW)], ii_v)
        pltpu.sync_copy(jj_hbm.at[pl.ds(base, _EPW)], jj_v)

        def start(c, p):
            off = c * _C
            pltpu.async_copy(y_hbm.at[ii_v.at[pl.ds(off, _C)]], a_v[p], si[p])
            pltpu.async_copy(y_hbm.at[jj_v.at[pl.ds(off, _C)]], b_v[p], si[p])

        def wait_gather(p):
            pltpu.make_async_copy(y_hbm.at[pl.ds(0, _C)], a_v[p], si[p]).wait()
            pltpu.make_async_copy(y_hbm.at[pl.ds(0, _C)], b_v[p], si[p]).wait()

        def store(c, p):
            pltpu.async_copy(o_v[p], out_hbm.at[pl.ds(base + c * _C, _C)],
                             so[p])

        def wait_store(p):
            pltpu.make_async_copy(o_v[p], out_hbm.at[pl.ds(base, _C)],
                                  so[p]).wait()

        def assemble_row(dst, dr, aref, ra, bref, rb):
            for g in range(D_FEAT // 32):
                wa = plsc.bitcast(aref[ra, pl.ds(16 * g, 16)], jnp.bfloat16)
                wb = plsc.bitcast(bref[rb, pl.ds(16 * g, 16)], jnp.bfloat16)
                a_even, a_odd = plsc.unpack(
                    wa, format=plsc.PackFormat.INTERLEAVED,
                    preferred_element_type=jnp.float32)
                b_even, b_odd = plsc.unpack(
                    wb, format=plsc.PackFormat.INTERLEAVED,
                    preferred_element_type=jnp.float32)
                dst[dr, pl.ds(32 * g, _LANES)] = a_even + b_even
                dst[dr, pl.ds(32 * g + _LANES, _LANES)] = a_odd + b_odd

        def process(p):
            def row_body(r, rcarry):
                assemble_row(o_v[p], r, a_v[p], r, b_v[p], r)
                return rcarry

            lax.fori_loop(0, _C, row_body, 0)

        start(0, 0)

        def outer(i, carry):
            c0 = 2 * i

            @pl.when(i > 0)
            def _():
                wait_store(1)
            start(c0 + 1, 1)
            wait_gather(0)
            process(0)
            store(c0, 0)

            wait_store(0)

            @pl.when(c0 + 2 < _NFULL)
            def _():
                start(c0 + 2, 0)
            wait_gather(1)
            process(1)
            store(c0 + 1, 1)
            return carry

        lax.fori_loop(0, _NFULL // 2, outer, 0)
        wait_store(1)

        toff = _NFULL * _C
        pltpu.async_copy(y_hbm.at[ii_v.at[pl.ds(toff, _TAIL)]],
                         a0.at[pl.ds(0, _TAIL)], si0)
        pltpu.async_copy(y_hbm.at[jj_v.at[pl.ds(toff, _TAIL)]],
                         b0.at[pl.ds(0, _TAIL)], si0)
        pltpu.make_async_copy(y_hbm.at[pl.ds(0, _TAIL)],
                              a0.at[pl.ds(0, _TAIL)], si0).wait()
        pltpu.make_async_copy(y_hbm.at[pl.ds(0, _TAIL)],
                              b0.at[pl.ds(0, _TAIL)], si0).wait()
        for r in range(_TAIL):
            assemble_row(o0, r, a0, r, b0, r)
        pltpu.sync_copy(o0.at[pl.ds(0, _TAIL)],
                        out_hbm.at[pl.ds(base + toff, _TAIL)])

    return body(y_packed, idx_i, idx_j)


def kernel(x, edge_index, edge_attr, Wx, bx, We, be):
    ei = edge_index.astype(jnp.int32)
    y_packed = _node_matmul_packed(x, Wx, bx)
    h = _sc_gather_sum(y_packed, ei[0], ei[1])
    e_lin = _edge_matmul(edge_attr, We, be)
    return jnp.concatenate((h, e_lin), axis=1)

# --- scband reference (transcript-rebuilt; emitter-appended) ---
"""Pipeline reference for scband-edge-centric-2482491097662 (READ-ONLY COPY).

The authoritative reference and input builder live on the scoring server;
editing this copy changes nothing except your own understanding.
"""

import jax, jax.numpy as jnp
import numpy as np


def setup_inputs(seed: int = 0) -> dict:
    key = jax.random.key(seed)
    k1, k2, k3, k4, k5, k6, k7 = jax.random.split(key, 7)
    N, E = 10000, 160000
    d_feat, d_edge = 256, 16
    out_x, out_e = 256, 16
    x = jax.random.normal(k1, (N, d_feat), dtype=jnp.float32)
    edge_index = jax.random.randint(k2, (2, E), 0, N, dtype=jnp.int64)
    edge_attr = jax.random.normal(k3, (E, d_edge), dtype=jnp.float32)
    # Linear params (torch nn.Linear: y = x @ W.T + b)
    Wx = jax.random.normal(k4, (out_x, d_feat), dtype=jnp.float32) / np.sqrt(d_feat)
    bx = jax.random.normal(k5, (out_x,), dtype=jnp.float32) * 0.01
    We = jax.random.normal(k6, (out_e, d_edge), dtype=jnp.float32) / np.sqrt(d_edge)
    be = jax.random.normal(k7, (out_e,), dtype=jnp.float32) * 0.01
    return {"x": x, "edge_index": edge_index, "edge_attr": edge_attr,
            "Wx": Wx, "bx": bx, "We": We, "be": be}


def reference(x, edge_index, edge_attr, Wx, bx, We, be):
    x_i = jnp.take(x, edge_index[0], axis=0)
    x_j = jnp.take(x, edge_index[1], axis=0)
    h = x_i + x_j
    h = h @ Wx.T + bx
    e = edge_attr @ We.T + be
    return jnp.concatenate((h, e), axis=1)

if __name__ == "__main__":
    import jax
    _d = setup_inputs()
    print(jax.jit(kernel)(*tuple(_d.values())))

</pallas_src>

<mosaic_0001>
#map = affine_map<(d0, d1) -> (0, 0)>
#map1 = affine_map<(d0, d1) -> (0)>
module attributes {stable_mosaic.version = 14 : i64} {
  func.func @body(%arg0: i32, %arg1: i32, %arg2: memref<10000x128xi32, #tpu.memory_space<hbm>>, %arg3: memref<160000xi32, #tpu.memory_space<hbm>>, %arg4: memref<160000xi32, #tpu.memory_space<hbm>>, %arg5: memref<160000x256xf32, #tpu.memory_space<hbm>>, %arg6: memref<5000xi32, #tpu.memory_space<vmem>>, %arg7: memref<5000xi32, #tpu.memory_space<vmem>>, %arg8: memref<104x128xi32, #tpu.memory_space<vmem>>, %arg9: memref<104x128xi32, #tpu.memory_space<vmem>>, %arg10: memref<104x128xi32, #tpu.memory_space<vmem>>, %arg11: memref<104x128xi32, #tpu.memory_space<vmem>>, %arg12: memref<104x256xf32, #tpu.memory_space<vmem>>, %arg13: memref<104x256xf32, #tpu.memory_space<vmem>>, %arg14: memref<!tpu.dma_semaphore, #tpu.memory_space<semaphore_mem>>, %arg15: memref<!tpu.dma_semaphore, #tpu.memory_space<semaphore_mem>>, %arg16: memref<!tpu.dma_semaphore, #tpu.memory_space<semaphore_mem>>, %arg17: memref<!tpu.dma_semaphore, #tpu.memory_space<semaphore_mem>>) attributes {dimension_semantics = [#tpu.dimension_semantics<core_parallel>, #tpu.dimension_semantics<subcore_parallel>], iteration_bounds = array<i64: 2, 16>, scalar_prefetch = 0 : i64, scratch_operands = 12 : i64, tpu.core_type = #tpu.core_type<sc_vector_subcore>, window_params = [{transform_indices = #map}, {transform_indices = #map1}, {transform_indices = #map1}, {transform_indices = #map}]} {
    %mul3A = arith.constant 2 : i32
    %mul3A_0 = arith.muli %arg1, %mul3A : i32
    %add3A = arith.addi %mul3A_0, %arg0 : i32
    %mul3A_1 = arith.constant 5000 : i32
    %mul3A_2 = arith.muli %add3A, %mul3A_1 : i32
    "tpu.region"() ({
      %run_scoped3A = tpu.sem_alloc : memref<!tpu.dma_semaphore, #tpu.memory_space<semaphore_mem>>
      %dma_start3A_1594 = tpu.memref_slice %arg3[%mul3A_2] : memref<160000xi32, #tpu.memory_space<hbm>> -> memref<5000xi32, #tpu.memory_space<hbm>>
      %dma_start3A_1595 = tpu.memref_slice %arg3[%mul3A_2] : memref<160000xi32, #tpu.memory_space<hbm>> -> memref<5000xi32, #tpu.memory_space<hbm>>
      tpu.enqueue_dma source(%dma_start3A_1595 : memref<5000xi32, #tpu.memory_space<hbm>>) target(%arg6 : memref<5000xi32, #tpu.memory_space<vmem>>) target_semaphore(%run_scoped3A : memref<!tpu.dma_semaphore, #tpu.memory_space<semaphore_mem>>)
      %dma_wait3A_1596 = tpu.memref_slice %arg3[%mul3A_2] : memref<160000xi32, #tpu.memory_space<hbm>> -> memref<5000xi32, #tpu.memory_space<hbm>>
      %dma_wait3A_1597 = tpu.memref_slice %arg3[%mul3A_2] : memref<160000xi32, #tpu.memory_space<hbm>> -> memref<5000xi32, #tpu.memory_space<hbm>>
      tpu.wait_dma2 semaphore(%run_scoped3A : memref<!tpu.dma_semaphore, #tpu.memory_space<semaphore_mem>>) src(%dma_wait3A_1597 : memref<5000xi32, #tpu.memory_space<hbm>>) dst(%arg6 : memref<5000xi32, #tpu.memory_space<vmem>>)
      tpu.yield
    }) : () -> ()
    "tpu.region"() ({
      %run_scoped3A = tpu.sem_alloc : memref<!tpu.dma_semaphore, #tpu.memory_space<semaphore_mem>>
      %dma_start3A_1594 = tpu.memref_slice %arg4[%mul3A_2] : memref<160000xi32, #tpu.memory_space<hbm>> -> memref<5000xi32, #tpu.memory_space<hbm>>
      %dma_start3A_1595 = tpu.memref_slice %arg4[%mul3A_2] : memref<160000xi32, #tpu.memory_space<hbm>> -> memref<5000xi32, #tpu.memory_space<hbm>>
      tpu.enqueue_dma source(%dma_start3A_1595 : memref<5000xi32, #tpu.memory_space<hbm>>) target(%arg7 : memref<5000xi32, #tpu.memory_space<vmem>>) target_semaphore(%run_scoped3A : memref<!tpu.dma_semaphore, #tpu.memory_space<semaphore_mem>>)
      %dma_wait3A_1596 = tpu.memref_slice %arg4[%mul3A_2] : memref<160000xi32, #tpu.memory_space<hbm>> -> memref<5000xi32, #tpu.memory_space<hbm>>
      %dma_wait3A_1597 = tpu.memref_slice %arg4[%mul3A_2] : memref<160000xi32, #tpu.memory_space<hbm>> -> memref<5000xi32, #tpu.memory_space<hbm>>
      tpu.wait_dma2 semaphore(%run_scoped3A : memref<!tpu.dma_semaphore, #tpu.memory_space<semaphore_mem>>) src(%dma_wait3A_1597 : memref<5000xi32, #tpu.memory_space<hbm>>) dst(%arg7 : memref<5000xi32, #tpu.memory_space<vmem>>)
      tpu.yield
    }) : () -> ()
    %dma_start3A = arith.constant 0 : i32
    %dma_start3A_3 = tpu.memref_slice %arg6[%dma_start3A] : memref<5000xi32, #tpu.memory_space<vmem>> -> memref<104xi32, #tpu.memory_space<vmem>>
    %dma_start3A_4 = arith.constant 0 : i32
    %dma_start3A_5 = arith.constant 0 : i32
    %dma_start3A_6 = tpu.memref_slice %arg2[%dma_start3A_4, %dma_start3A_5] : memref<10000x128xi32, #tpu.memory_space<hbm>> -> memref<10000x128xi32, #tpu.memory_space<hbm>>
    tpu.enqueue_indirect_dma source(%dma_start3A_6 : memref<10000x128xi32, #tpu.memory_space<hbm>>) target(%arg8 : memref<104x128xi32, #tpu.memory_space<vmem>>) offsets(%dma_start3A_3 : memref<104xi32, #tpu.memory_space<vmem>>) semaphore(%arg14 : memref<!tpu.dma_semaphore, #tpu.memory_space<semaphore_mem>>)
    %dma_start3A_7 = arith.constant 0 : i32
    %dma_start3A_8 = tpu.memref_slice %arg7[%dma_start3A_7] : memref<5000xi32, #tpu.memory_space<vmem>> -> memref<104xi32, #tpu.memory_space<vmem>>
    %dma_start3A_9 = arith.constant 0 : i32
    %dma_start3A_10 = arith.constant 0 : i32
    %dma_start3A_11 = tpu.memref_slice %arg2[%dma_start3A_9, %dma_start3A_10] : memref<10000x128xi32, #tpu.memory_space<hbm>> -> memref<10000x128xi32, #tpu.memory_space<hbm>>
    tpu.enqueue_indirect_dma source(%dma_start3A_11 : memref<10000x128xi32, #tpu.memory_space<hbm>>) target(%arg10 : memref<104x128xi32, #tpu.memory_space<vmem>>) offsets(%dma_start3A_8 : memref<104xi32, #tpu.memory_space<vmem>>) semaphore(%arg14 : memref<!tpu.dma_semaphore, #tpu.memory_space<semaphore_mem>>)
    %scan3A = arith.constant 0 : i32
    %scan3A_12 = arith.constant 0 : i32
    %scan3A_13 = arith.constant 24 : i32
    %scan3A_14 = arith.addi %scan3A_12, %scan3A_13 : i32
    %scan3A_15 = arith.constant 1 : i32
    scf.for %scan3A_1594 = %scan3A_12 to %scan3A_14 step %scan3A_15  : i32 {
      %mul3A_1595 = arith.constant 2 : i32
      %mul3A_1596 = arith.muli %mul3A_1595, %scan3A_1594 : i32
      %gt3A = arith.constant 0 : i32
      %gt3A_1597 = arith.cmpi sgt, %scan3A_1594, %gt3A : i32
      %convert_element_type3A = arith.extui %gt3A_1597 : i1 to i32
      %cond3A = arith.constant 0 : i32
      %cond3A_1598 = arith.cmpi ne, %convert_element_type3A, %cond3A : i32
      scf.if %cond3A_1598 {
        %dma_wait3A_1673 = arith.constant 0 : i32
        %dma_wait3A_1674 = tpu.memref_slice %arg5[%mul3A_2, %dma_wait3A_1673] : memref<160000x256xf32, #tpu.memory_space<hbm>> -> memref<104x256xf32, #tpu.memory_space<hbm>>
        %dma_wait3A_1675 = arith.constant 0 : i32
        %dma_wait3A_1676 = tpu.memref_slice %arg5[%mul3A_2, %dma_wait3A_1675] : memref<160000x256xf32, #tpu.memory_space<hbm>> -> memref<104x256xf32, #tpu.memory_space<hbm>>
        tpu.wait_dma2 semaphore(%arg17 : memref<!tpu.dma_semaphore, #tpu.memory_space<semaphore_mem>>) src(%arg13 : memref<104x256xf32, #tpu.memory_space<vmem>>) dst(%dma_wait3A_1676 : memref<104x256xf32, #tpu.memory_space<hbm>>)
      } else {
      }
      %add3A_1599 = arith.constant 1 : i32
      %add3A_1600 = arith.addi %mul3A_1596, %add3A_1599 : i32
      %mul3A_1601 = arith.constant 104 : i32
      %mul3A_1602 = arith.muli %add3A_1600, %mul3A_1601 : i32
      %dma_start3A_1603 = tpu.memref_slice %arg6[%mul3A_1602] : memref<5000xi32, #tpu.memory_space<vmem>> -> memref<104xi32, #tpu.memory_space<vmem>>
      %dma_start3A_1604 = arith.constant 0 : i32
      %dma_start3A_1605 = arith.constant 0 : i32
      %dma_start3A_1606 = tpu.memref_slice %arg2[%dma_start3A_1604, %dma_start3A_1605] : memref<10000x128xi32, #tpu.memory_space<hbm>> -> memref<10000x128xi32, #tpu.memory_space<hbm>>
      tpu.enqueue_indirect_dma source(%dma_start3A_1606 : memref<10000x128xi32, #tpu.memory_space<hbm>>) target(%arg9 : memref<104x128xi32, #tpu.memory_space<vmem>>) offsets(%dma_start3A_1603 : memref<104xi32, #tpu.memory_space<vmem>>) semaphore(%arg15 : memref<!tpu.dma_semaphore, #tpu.memory_space<semaphore_mem>>)
      %dma_start3A_1607 = tpu.memref_slice %arg7[%mul3A_1602] : memref<5000xi32, #tpu.memory_space<vmem>> -> memref<104xi32, #tpu.memory_space<vmem>>
      %dma_start3A_1608 = arith.constant 0 : i32
      %dma_start3A_1609 = arith.constant 0 : i32
      %dma_start3A_1610 = tpu.memref_slice %arg2[%dma_start3A_1608, %dma_start3A_1609] : memref<10000x128xi32, #tpu.memory_space<hbm>> -> memref<10000x128xi32, #tpu.memory_space<hbm>>
      tpu.enqueue_indirect_dma source(%dma_start3A_1610 : memref<10000x128xi32, #tpu.memory_space<hbm>>) target(%arg11 : memref<104x128xi32, #tpu.memory_space<vmem>>) offsets(%dma_start3A_1607 : memref<104xi32, #tpu.memory_space<vmem>>) semaphore(%arg15 : memref<!tpu.dma_semaphore, #tpu.memory_space<semaphore_mem>>)
      %dma_wait3A_1611 = arith.constant 0 : i32
      %dma_wait3A_1612 = arith.constant 0 : i32
      %dma_wait3A_1613 = tpu.memref_slice %arg2[%dma_wait3A_1611, %dma_wait3A_1612] : memref<10000x128xi32, #tpu.memory_space<hbm>> -> memref<104x128xi32, #tpu.memory_space<hbm>>
      %dma_wait3A_1614 = arith.constant 0 : i32
      %dma_wait3A_1615 = arith.constant 0 : i32
      %dma_wait3A_1616 = tpu.memref_slice %arg2[%dma_wait3A_1614, %dma_wait3A_1615] : memref<10000x128xi32, #tpu.memory_space<hbm>> -> memref<104x128xi32, #tpu.memory_space<hbm>>
      tpu.wait_dma2 semaphore(%arg14 : memref<!tpu.dma_semaphore, #tpu.memory_space<semaphore_mem>>) src(%dma_wait3A_1616 : memref<104x128xi32, #tpu.memory_space<hbm>>) dst(%arg8 : memref<104x128xi32, #tpu.memory_space<vmem>>)
      %dma_wait3A_1617 = arith.constant 0 : i32
      %dma_wait3A_1618 = arith.constant 0 : i32
      %dma_wait3A_1619 = tpu.memref_slice %arg2[%dma_wait3A_1617, %dma_wait3A_1618] : memref<10000x128xi32, #tpu.memory_space<hbm>> -> memref<104x128xi32, #tpu.memory_space<hbm>>
      %dma_wait3A_1620 = arith.constant 0 : i32
      %dma_wait3A_1621 = arith.constant 0 : i32
      %dma_wait3A_1622 = tpu.memref_slice %arg2[%dma_wait3A_1620, %dma_wait3A_1621] : memref<10000x128xi32, #tpu.memory_space<hbm>> -> memref<104x128xi32, #tpu.memory_space<hbm>>
      tpu.wait_dma2 semaphore(%arg14 : memref<!tpu.dma_semaphore, #tpu.memory_space<semaphore_mem>>) src(%dma_wait3A_1622 : memref<104x128xi32, #tpu.memory_space<hbm>>) dst(%arg10 : memref<104x128xi32, #tpu.memory_space<vmem>>)
      %scan3A_1623 = arith.constant 0 : i32
      %scan3A_1624 = arith.constant 0 : i32
      %scan3A_1625 = arith.constant 104 : i32
      %scan3A_1626 = arith.addi %scan3A_1624, %scan3A_1625 : i32
      %scan3A_1627 = arith.constant 1 : i32
      scf.for %scan3A_1673 = %scan3A_1624 to %scan3A_1626 step %scan3A_1627  : i32 {
        %get3A_1674 = arith.index_cast %scan3A_1673 : i32 to index
        %get3A_1675 = arith.constant 0 : index
        %get3A_1676 = tpu.vector_load %arg8[%get3A_1674, %get3A_1675] {strides = array<i32>} : memref<104x128xi32, #tpu.memory_space<vmem>>, vector<16xi32>,
        %bitcast3A_1677 = vector.bitcast %get3A_1676 : vector<16xi32> to vector<32xbf16>
        %get3A_1678 = arith.index_cast %scan3A_1673 : i32 to index
        %get3A_1679 = arith.constant 0 : index
        %get3A_1680 = tpu.vector_load %arg10[%get3A_1678, %get3A_1679] {strides = array<i32>} : memref<104x128xi32, #tpu.memory_space<vmem>>, vector<16xi32>,
        %bitcast3A_1681 = vector.bitcast %get3A_1680 : vector<16xi32> to vector<32xbf16>
        %unpack3A_1682 = tpu.unpack_subelements %bitcast3A_1677, 0 {pack_format = #tpu.pack_format<interleaved>} : vector<32xbf16> -> vector<16xf32>
        %unpack3A_1683 = tpu.unpack_subelements %bitcast3A_1677, 1 {pack_format = #tpu.pack_format<interleaved>} : vector<32xbf16> -> vector<16xf32>
        %unpack3A_1684 = tpu.unpack_subelements %bitcast3A_1681, 0 {pack_format = #tpu.pack_format<interleaved>} : vector<32xbf16> -> vector<16xf32>
        %unpack3A_1685 = tpu.unpack_subelements %bitcast3A_1681, 1 {pack_format = #tpu.pack_format<interleaved>} : vector<32xbf16> -> vector<16xf32>
        %add3A_1686 = arith.addf %unpack3A_1682, %unpack3A_1684 : vector<16xf32>
        %swap3A_1687 = arith.index_cast %scan3A_1673 : i32 to index
        %swap3A_1688 = arith.constant 0 : index
        %swap3A_1689 = tpu.vector_load %arg12[%swap3A_1687, %swap3A_1688] {strides = array<i32>} : memref<104x256xf32, #tpu.memory_space<vmem>>, vector<16xf32>,
        tpu.vector_store %arg12[%swap3A_1687, %swap3A_1688], %add3A_1686 {strides = array<i32>} : memref<104x256xf32, #tpu.memory_space<vmem>>, vector<16xf32>,
        %add3A_1690 = arith.addf %unpack3A_1683, %unpack3A_1685 : vector<16xf32>
        %swap3A_1691 = arith.index_cast %scan3A_1673 : i32 to index
        %swap3A_1692 = arith.constant 16 : index
        %swap3A_1693 = tpu.vector_load %arg12[%swap3A_1691, %swap3A_1692] {strides = array<i32>} : memref<104x256xf32, #tpu.memory_space<vmem>>, vector<16xf32>,
        tpu.vector_store %arg12[%swap3A_1691, %swap3A_1692], %add3A_1690 {strides = array<i32>} : memref<104x256xf32, #tpu.memory_space<vmem>>, vector<16xf32>,
        %get3A_1694 = arith.index_cast %scan3A_1673 : i32 to index
        %get3A_1695 = arith.constant 16 : index
        %get3A_1696 = tpu.vector_load %arg8[%get3A_1694, %get3A_1695] {strides = array<i32>} : memref<104x128xi32, #tpu.memory_space<vmem>>, vector<16xi32>,
        %bitcast3A_1697 = vector.bitcast %get3A_1696 : vector<16xi32> to vector<32xbf16>
        %get3A_1698 = arith.index_cast %scan3A_1673 : i32 to index
        %get3A_1699 = arith.constant 16 : index
        %get3A_1700 = tpu.vector_load %arg10[%get3A_1698, %get3A_1699] {strides = array<i32>} : memref<104x128xi32, #tpu.memory_space<vmem>>, vector<16xi32>,
        %bitcast3A_1701 = vector.bitcast %get3A_1700 : vector<16xi32> to vector<32xbf16>
        %unpack3A_1702 = tpu.unpack_subelements %bitcast3A_1697, 0 {pack_format = #tpu.pack_format<interleaved>} : vector<32xbf16> -> vector<16xf32>
        %unpack3A_1703 = tpu.unpack_subelements %bitcast3A_1697, 1 {pack_format = #tpu.pack_format<interleaved>} : vector<32xbf16> -> vector<16xf32>
        %unpack3A_1704 = tpu.unpack_subelements %bitcast3A_1701, 0 {pack_format = #tpu.pack_format<interleaved>} : vector<32xbf16> -> vector<16xf32>
        %unpack3A_1705 = tpu.unpack_subelements %bitcast3A_1701, 1 {pack_format = #tpu.pack_format<interleaved>} : vector<32xbf16> -> vector<16xf32>
        %add3A_1706 = arith.addf %unpack3A_1702, %unpack3A_1704 : vector<16xf32>
        %swap3A_1707 = arith.index_cast %scan3A_1673 : i32 to index
        %swap3A_1708 = arith.constant 32 : index
        %swap3A_1709 = tpu.vector_load %arg12[%swap3A_1707, %swap3A_1708] {strides = array<i32>} : memref<104x256xf32, #tpu.memory_space<vmem>>, vector<16xf32>,
        tpu.vector_store %arg12[%swap3A_1707, %swap3A_1708], %add3A_1706 {strides = array<i32>} : memref<104x256xf32, #tpu.memory_space<vmem>>, vector<16xf32>,
        %add3A_1710 = arith.addf %unpack3A_1703, %unpack3A_1705 : vector<16xf32>
        %swap3A_1711 = arith.index_cast %scan3A_1673 : i32 to index
        %swap3A_1712 = arith.constant 48 : index
        %swap3A_1713 = tpu.vector_load %arg12[%swap3A_1711, %swap3A_1712] {strides = array<i32>} : memref<104x256xf32, #tpu.memory_space<vmem>>, vector<16xf32>,
        tpu.vector_store %arg12[%swap3A_1711, %swap3A_1712], %add3A_1710 {strides = array<i32>} : memref<104x256xf32, #tpu.memory_space<vmem>>, vector<16xf32>,
        %get3A_1714 = arith.index_cast %scan3A_1673 : i32 to index
        %get3A_1715 = arith.constant 32 : index
        %get3A_1716 = tpu.vector_load %arg8[%get3A_1714, %get3A_1715] {strides = array<i32>} : memref<104x128xi32, #tpu.memory_space<vmem>>, vector<16xi32>,
        %bitcast3A_1717 = vector.bitcast %get3A_1716 : vector<16xi32> to vector<32xbf16>
        %get3A_1718 = arith.index_cast %scan3A_1673 : i32 to index
        %get3A_1719 = arith.constant 32 : index
        %get3A_1720 = tpu.vector_load %arg10[%get3A_1718, %get3A_1719] {strides = array<i32>} : memref<104x128xi32, #tpu.memory_space<vmem>>, vector<16xi32>,
        %bitcast3A_1721 = vector.bitcast %get3A_1720 : vector<16xi32> to vector<32xbf16>
        %unpack3A_1722 = tpu.unpack_subelements %bitcast3A_1717, 0 {pack_format = #tpu.pack_format<interleaved>} : vector<32xbf16> -> vector<16xf32>
        %unpack3A_1723 = tpu.unpack_subelements %bitcast3A_1717, 1 {pack_format = #tpu.pack_format<interleaved>} : vector<32xbf16> -> vector<16xf32>
        %unpack3A_1724 = tpu.unpack_subelements %bitcast3A_1721, 0 {pack_format = #tpu.pack_format<interleaved>} : vector<32xbf16> -> vector<16xf32>
        %unpack3A_1725 = tpu.unpack_subelements %bitcast3A_1721, 1 {pack_format = #tpu.pack_format<interleaved>} : vector<32xbf16> -> vector<16xf32>
        %add3A_1726 = arith.addf %unpack3A_1722, %unpack3A_1724 : vector<16xf32>
        %swap3A_1727 = arith.index_cast %scan3A_1673 : i32 to index
        %swap3A_1728 = arith.constant 64 : index
        %swap3A_1729 = tpu.vector_load %arg12[%swap3A_1727, %swap3A_1728] {strides = array<i32>} : memref<104x256xf32, #tpu.memory_space<vmem>>, vector<16xf32>,
        tpu.vector_store %arg12[%swap3A_1727, %swap3A_1728], %add3A_1726 {strides = array<i32>} : memref<104x256xf32, #tpu.memory_space<vmem>>, vector<16xf32>,
        %add3A_1730 = arith.addf %unpack3A_1723, %unpack3A_1725 : vector<16xf32>
        %swap3A_1731 = arith.index_cast %scan3A_1673 : i32 to index
        %swap3A_1732 = arith.constant 80 : index
        %swap3A_1733 = tpu.vector_load %arg12[%swap3A_1731, %swap3A_1732] {strides = array<i32>} : memref<104x256xf32, #tpu.memory_space<vmem>>, vector<16xf32>,
        tpu.vector_store %arg12[%swap3A_1731, %swap3A_1732], %add3A_1730 {strides = array<i32>} : memref<104x256xf32, #tpu.memory_space<vmem>>, vector<16xf32>,
        %get3A_1734 = arith.index_cast %scan3A_1673 : i32 to index
        %get3A_1735 = arith.constant 48 : index
        %get3A_1736 = tpu.vector_load %arg8[%get3A_1734, %get3A_1735] {strides = array<i32>} : memref<104x128xi32, #tpu.memory_space<vmem>>, vector<16xi32>,
        %bitcast3A_1737 = vector.bitcast %get3A_1736 : vector<16xi32> to vector<32xbf16>
        %get3A_1738 = arith.index_cast %scan3A_1673 : i32 to index
        %get3A_1739 = arith.constant 48 : index
        %get3A_1740 = tpu.vector_load %arg10[%get3A_1738, %get3A_1739] {strides = array<i32>} : memref<104x128xi32, #tpu.memory_space<vmem>>, vector<16xi32>,
        %bitcast3A_1741 = vector.bitcast %get3A_1740 : vector<16xi32> to vector<32xbf16>
        %unpack3A_1742 = tpu.unpack_subelements %bitcast3A_1737, 0 {pack_format = #tpu.pack_format<interleaved>} : vector<32xbf16> -> vector<16xf32>
        %unpack3A_1743 = tpu.unpack_subelements %bitcast3A_1737, 1 {pack_format = #tpu.pack_format<interleaved>} : vector<32xbf16> -> vector<16xf32>
        %unpack3A_1744 = tpu.unpack_subelements %bitcast3A_1741, 0 {pack_format = #tpu.pack_format<interleaved>} : vector<32xbf16> -> vector<16xf32>
        %unpack3A_1745 = tpu.unpack_subelements %bitcast3A_1741, 1 {pack_format = #tpu.pack_format<interleaved>} : vector<32xbf16> -> vector<16xf32>
        %add3A_1746 = arith.addf %unpack3A_1742, %unpack3A_1744 : vector<16xf32>
        %swap3A_1747 = arith.index_cast %scan3A_1673 : i32 to index
        %swap3A_1748 = arith.constant 96 : index
        %swap3A_1749 = tpu.vector_load %arg12[%swap3A_1747, %swap3A_1748] {strides = array<i32>} : memref<104x256xf32, #tpu.memory_space<vmem>>, vector<16xf32>,
        tpu.vector_store %arg12[%swap3A_1747, %swap3A_1748], %add3A_1746 {strides = array<i32>} : memref<104x256xf32, #tpu.memory_space<vmem>>, vector<16xf32>,
        %add3A_1750 = arith.addf %unpack3A_1743, %unpack3A_1745 : vector<16xf32>
        %swap3A_1751 = arith.index_cast %scan3A_1673 : i32 to index
        %swap3A_1752 = arith.constant 112 : index
        %swap3A_1753 = tpu.vector_load %arg12[%swap3A_1751, %swap3A_1752] {strides = array<i32>} : memref<104x256xf32, #tpu.memory_space<vmem>>, vector<16xf32>,
        tpu.vector_store %arg12[%swap3A_1751, %swap3A_1752], %add3A_1750 {strides = array<i32>} : memref<104x256xf32, #tpu.memory_space<vmem>>, vector<16xf32>,
        %get3A_1754 = arith.index_cast %scan3A_1673 : i32 to index
        %get3A_1755 = arith.constant 64 : index
        %get3A_1756 = tpu.vector_load %arg8[%get3A_1754, %get3A_1755] {strides = array<i32>} : memref<104x128xi32, #tpu.memory_space<vmem>>, vector<16xi32>,
        %bitcast3A_1757 = vector.bitcast %get3A_1756 : vector<16xi32> to vector<32xbf16>
        %get3A_1758 = arith.index_cast %scan3A_1673 : i32 to index
        %get3A_1759 = arith.constant 64 : index
        %get3A_1760 = tpu.vector_load %arg10[%get3A_1758, %get3A_1759] {strides = array<i32>} : memref<104x128xi32, #tpu.memory_space<vmem>>, vector<16xi32>,
        %bitcast3A_1761 = vector.bitcast %get3A_1760 : vector<16xi32> to vector<32xbf16>
        %unpack3A_1762 = tpu.unpack_subelements %bitcast3A_1757, 0 {pack_format = #tpu.pack_format<interleaved>} : vector<32xbf16> -> vector<16xf32>
        %unpack3A_1763 = tpu.unpack_subelements %bitcast3A_1757, 1 {pack_format = #tpu.pack_format<interleaved>} : vector<32xbf16> -> vector<16xf32>
        %unpack3A_1764 = tpu.unpack_subelements %bitcast3A_1761, 0 {pack_format = #tpu.pack_format<interleaved>} : vector<32xbf16> -> vector<16xf32>
        %unpack3A_1765 = tpu.unpack_subelements %bitcast3A_1761, 1 {pack_format = #tpu.pack_format<interleaved>} : vector<32xbf16> -> vector<16xf32>
        %add3A_1766 = arith.addf %unpack3A_1762, %unpack3A_1764 : vector<16xf32>
        %swap3A_1767 = arith.index_cast %scan3A_1673 : i32 to index
        %swap3A_1768 = arith.constant 128 : index
        %swap3A_1769 = tpu.vector_load %arg12[%swap3A_1767, %swap3A_1768] {strides = array<i32>} : memref<104x256xf32, #tpu.memory_space<vmem>>, vector<16xf32>,
        tpu.vector_store %arg12[%swap3A_1767, %swap3A_1768], %add3A_1766 {strides = array<i32>} : memref<104x256xf32, #tpu.memory_space<vmem>>, vector<16xf32>,
        %add3A_1770 = arith.addf %unpack3A_1763, %unpack3A_1765 : vector<16xf32>
        %swap3A_1771 = arith.index_cast %scan3A_1673 : i32 to index
        %swap3A_1772 = arith.constant 144 : index
        %swap3A_1773 = tpu.vector_load %arg12[%swap3A_1771, %swap3A_1772] {strides = array<i32>} : memref<104x256xf32, #tpu.memory_space<vmem>>, vector<16xf32>,
        tpu.vector_store %arg12[%swap3A_1771, %swap3A_1772], %add3A_1770 {strides = array<i32>} : memref<104x256xf32, #tpu.memory_space<vmem>>, vector<16xf32>,
        %get3A_1774 = arith.index_cast %scan3A_1673 : i32 to index
        %get3A_1775 = arith.constant 80 : index
        %get3A_1776 = tpu.vector_load %arg8[%get3A_1774, %get3A_1775] {strides = array<i32>} : memref<104x128xi32, #tpu.memory_space<vmem>>, vector<16xi32>,
        %bitcast3A_1777 = vector.bitcast %get3A_1776 : vector<16xi32> to vector<32xbf16>
        %get3A_1778 = arith.index_cast %scan3A_1673 : i32 to index
        %get3A_1779 = arith.constant 80 : index
        %get3A_1780 = tpu.vector_load %arg10[%get3A_1778, %get3A_1779] {strides = array<i32>} : memref<104x128xi32, #tpu.memory_space<vmem>>, vector<16xi32>,
        %bitcast3A_1781 = vector.bitcast %get3A_1780 : vector<16xi32> to vector<32xbf16>
        %unpack3A_1782 = tpu.unpack_subelements %bitcast3A_1777, 0 {pack_format = #tpu.pack_format<interleaved>} : vector<32xbf16> -> vector<16xf32>
        %unpack3A_1783 = tpu.unpack_subelements %bitcast3A_1777, 1 {pack_format = #tpu.pack_format<interleaved>} : vector<32xbf16> -> vector<16xf32>
        %unpack3A_1784 = tpu.unpack_subelements %bitcast3A_1781, 0 {pack_format = #tpu.pack_format<interleaved>} : vector<32xbf16> -> vector<16xf32>
        %unpack3A_1785 = tpu.unpack_subelements %bitcast3A_1781, 1 {pack_format = #tpu.pack_format<interleaved>} : vector<32xbf16> -> vector<16xf32>
        %add3A_1786 = arith.addf %unpack3A_1782, %unpack3A_1784 : vector<16xf32>
        %swap3A_1787 = arith.index_cast %scan3A_1673 : i32 to index
        %swap3A_1788 = arith.constant 160 : index
        %swap3A_1789 = tpu.vector_load %arg12[%swap3A_1787, %swap3A_1788] {strides = array<i32>} : memref<104x256xf32, #tpu.memory_space<vmem>>, vector<16xf32>,
        tpu.vector_store %arg12[%swap3A_1787, %swap3A_1788], %add3A_1786 {strides = array<i32>} : memref<104x256xf32, #tpu.memory_space<vmem>>, vector<16xf32>,
        %add3A_1790 = arith.addf %unpack3A_1783, %unpack3A_1785 : vector<16xf32>
        %swap3A_1791 = arith.index_cast %scan3A_1673 : i32 to index
        %swap3A_1792 = arith.constant 176 : index
        %swap3A_1793 = tpu.vector_load %arg12[%swap3A_1791, %swap3A_1792] {strides = array<i32>} : memref<104x256xf32, #tpu.memory_space<vmem>>, vector<16xf32>,
        tpu.vector_store %arg12[%swap3A_1791, %swap3A_1792], %add3A_1790 {strides = array<i32>} : memref<104x256xf32, #tpu.memory_space<vmem>>, vector<16xf32>,
        %get3A_1794 = arith.index_cast %scan3A_1673 : i32 to index
        %get3A_1795 = arith.constant 96 : index
        %get3A_1796 = tpu.vector_load %arg8[%get3A_1794, %get3A_1795] {strides = array<i32>} : memref<104x128xi32, #tpu.memory_space<vmem>>, vector<16xi32>,
        %bitcast3A_1797 = vector.bitcast %get3A_1796 : vector<16xi32> to vector<32xbf16>
        %get3A_1798 = arith.index_cast %scan3A_1673 : i32 to index
        %get3A_1799 = arith.constant 96 : index
        %get3A_1800 = tpu.vector_load %arg10[%get3A_1798, %get3A_1799] {strides = array<i32>} : memref<104x128xi32, #tpu.memory_space<vmem>>, vector<16xi32>,
        %bitcast3A_1801 = vector.bitcast %get3A_1800 : vector<16xi32> to vector<32xbf16>
        %unpack3A_1802 = tpu.unpack_subelements %bitcast3A_1797, 0 {pack_format = #tpu.pack_format<interleaved>} : vector<32xbf16> -> vector<16xf32>
        %unpack3A_1803 = tpu.unpack_subelements %bitcast3A_1797, 1 {pack_format = #tpu.pack_format<interleaved>} : vector<32xbf16> -> vector<16xf32>
        %unpack3A_1804 = tpu.unpack_subelements %bitcast3A_1801, 0 {pack_format = #tpu.pack_format<interleaved>} : vector<32xbf16> -> vector<16xf32>
        %unpack3A_1805 = tpu.unpack_subelements %bitcast3A_1801, 1 {pack_format = #tpu.pack_format<interleaved>} : vector<32xbf16> -> vector<16xf32>
        %add3A_1806 = arith.addf %unpack3A_1802, %unpack3A_1804 : vector<16xf32>
        %swap3A_1807 = arith.index_cast %scan3A_1673 : i32 to index
        %swap3A_1808 = arith.constant 192 : index
        %swap3A_1809 = tpu.vector_load %arg12[%swap3A_1807, %swap3A_1808] {strides = array<i32>} : memref<104x256xf32, #tpu.memory_space<vmem>>, vector<16xf32>,
        tpu.vector_store %arg12[%swap3A_1807, %swap3A_1808], %add3A_1806 {strides = array<i32>} : memref<104x256xf32, #tpu.memory_space<vmem>>, vector<16xf32>,
        %add3A_1810 = arith.addf %unpack3A_1803, %unpack3A_1805 : vector<16xf32>
        %swap3A_1811 = arith.index_cast %scan3A_1673 : i32 to index
        %swap3A_1812 = arith.constant 208 : index
        %swap3A_1813 = tpu.vector_load %arg12[%swap3A_1811, %swap3A_1812] {strides = array<i32>} : memref<104x256xf32, #tpu.memory_space<vmem>>, vector<16xf32>,
        tpu.vector_store %arg12[%swap3A_1811, %swap3A_1812], %add3A_1810 {strides = array<i32>} : memref<104x256xf32, #tpu.memory_space<vmem>>, vector<16xf32>,
        %get3A_1814 = arith.index_cast %scan3A_1673 : i32 to index
        %get3A_1815 = arith.constant 112 : index
        %get3A_1816 = tpu.vector_load %arg8[%get3A_1814, %get3A_1815] {strides = array<i32>} : memref<104x128xi32, #tpu.memory_space<vmem>>, vector<16xi32>,
        %bitcast3A_1817 = vector.bitcast %get3A_1816 : vector<16xi32> to vector<32xbf16>
        %get3A_1818 = arith.index_cast %scan3A_1673 : i32 to index
        %get3A_1819 = arith.constant 112 : index
        %get3A_1820 = tpu.vector_load %arg10[%get3A_1818, %get3A_1819] {strides = array<i32>} : memref<104x128xi32, #tpu.memory_space<vmem>>, vector<16xi32>,
        %bitcast3A_1821 = vector.bitcast %get3A_1820 : vector<16xi32> to vector<32xbf16>
        %unpack3A_1822 = tpu.unpack_subelements %bitcast3A_1817, 0 {pack_format = #tpu.pack_format<interleaved>} : vector<32xbf16> -> vector<16xf32>
        %unpack3A_1823 = tpu.unpack_subelements %bitcast3A_1817, 1 {pack_format = #tpu.pack_format<interleaved>} : vector<32xbf16> -> vector<16xf32>
        %unpack3A_1824 = tpu.unpack_subelements %bitcast3A_1821, 0 {pack_format = #tpu.pack_format<interleaved>} : vector<32xbf16> -> vector<16xf32>
        %unpack3A_1825 = tpu.unpack_subelements %bitcast3A_1821, 1 {pack_format = #tpu.pack_format<interleaved>} : vector<32xbf16> -> vector<16xf32>
        %add3A_1826 = arith.addf %unpack3A_1822, %unpack3A_1824 : vector<16xf32>
        %swap3A_1827 = arith.index_cast %scan3A_1673 : i32 to index
        %swap3A_1828 = arith.constant 224 : index
        %swap3A_1829 = tpu.vector_load %arg12[%swap3A_1827, %swap3A_1828] {strides = array<i32>} : memref<104x256xf32, #tpu.memory_space<vmem>>, vector<16xf32>,
        tpu.vector_store %arg12[%swap3A_1827, %swap3A_1828], %add3A_1826 {strides = array<i32>} : memref<104x256xf32, #tpu.memory_space<vmem>>, vector<16xf32>,
        %add3A_1830 = arith.addf %unpack3A_1823, %unpack3A_1825 : vector<16xf32>
        %swap3A_1831 = arith.index_cast %scan3A_1673 : i32 to index
        %swap3A_1832 = arith.constant 240 : index
        %swap3A_1833 = tpu.vector_load %arg12[%swap3A_1831, %swap3A_1832] {strides = array<i32>} : memref<104x256xf32, #tpu.memory_space<vmem>>, vector<16xf32>,
        tpu.vector_store %arg12[%swap3A_1831, %swap3A_1832], %add3A_1830 {strides = array<i32>} : memref<104x256xf32, #tpu.memory_space<vmem>>, vector<16xf32>,
      }
      %scan3A_1628 = arith.constant 104 : i32
      %mul3A_1629 = arith.constant 104 : i32
      %mul3A_1630 = arith.muli %mul3A_1596, %mul3A_1629 : i32
      %add3A_1631 = arith.addi %mul3A_2, %mul3A_1630 : i32
      %dma_start3A_1632 = arith.constant 0 : i32
      %dma_start3A_1633 = tpu.memref_slice %arg5[%add3A_1631, %dma_start3A_1632] : memref<160000x256xf32, #tpu.memory_space<hbm>> -> memref<104x256xf32, #tpu.memory_space<hbm>>
      %dma_start3A_1634 = arith.constant 0 : i32
      %dma_start3A_1635 = tpu.memref_slice %arg5[%add3A_1631, %dma_start3A_1634] : memref<160000x256xf32, #tpu.memory_space<hbm>> -> memref<104x256xf32, #tpu.memory_space<hbm>>
      tpu.enqueue_dma source(%arg12 : memref<104x256xf32, #tpu.memory_space<vmem>>) target(%dma_start3A_1635 : memref<104x256xf32, #tpu.memory_space<hbm>>) target_semaphore(%arg16 : memref<!tpu.dma_semaphore, #tpu.memory_space<semaphore_mem>>)
      %dma_wait3A_1636 = arith.constant 0 : i32
      %dma_wait3A_1637 = tpu.memref_slice %arg5[%mul3A_2, %dma_wait3A_1636] : memref<160000x256xf32, #tpu.memory_space<hbm>> -> memref<104x256xf32, #tpu.memory_space<hbm>>
      %dma_wait3A_1638 = arith.constant 0 : i32
      %dma_wait3A_1639 = tpu.memref_slice %arg5[%mul3A_2, %dma_wait3A_1638] : memref<160000x256xf32, #tpu.memory_space<hbm>> -> memref<104x256xf32, #tpu.memory_space<hbm>>
      tpu.wait_dma2 semaphore(%arg16 : memref<!tpu.dma_semaphore, #tpu.memory_space<semaphore_mem>>) src(%arg12 : memref<104x256xf32, #tpu.memory_space<vmem>>) dst(%dma_wait3A_1639 : memref<104x256xf32, #tpu.memory_space<hbm>>)
      %add3A_1640 = arith.constant 2 : i32
      %add3A_1641 = arith.addi %mul3A_1596, %add3A_1640 : i32
      %lt3A = arith.constant 48 : i32
      %lt3A_1642 = arith.cmpi slt, %add3A_1641, %lt3A : i32
      %convert_element_type3A_1643 = arith.extui %lt3A_1642 : i1 to i32
      %cond3A_1644 = arith.constant 0 : i32
      %cond3A_1645 = arith.cmpi ne, %convert_element_type3A_1643, %cond3A_1644 : i32
      scf.if %cond3A_1645 {
        %add3A_1673 = arith.constant 2 : i32
        %add3A_1674 = arith.addi %mul3A_1596, %add3A_1673 : i32
        %mul3A_1675 = arith.constant 104 : i32
        %mul3A_1676 = arith.muli %add3A_1674, %mul3A_1675 : i32
        %dma_start3A_1677 = tpu.memref_slice %arg6[%mul3A_1676] : memref<5000xi32, #tpu.memory_space<vmem>> -> memref<104xi32, #tpu.memory_space<vmem>>
        %dma_start3A_1678 = arith.constant 0 : i32
        %dma_start3A_1679 = arith.constant 0 : i32
        %dma_start3A_1680 = tpu.memref_slice %arg2[%dma_start3A_1678, %dma_start3A_1679] : memref<10000x128xi32, #tpu.memory_space<hbm>> -> memref<10000x128xi32, #tpu.memory_space<hbm>>
        tpu.enqueue_indirect_dma source(%dma_start3A_1680 : memref<10000x128xi32, #tpu.memory_space<hbm>>) target(%arg8 : memref<104x128xi32, #tpu.memory_space<vmem>>) offsets(%dma_start3A_1677 : memref<104xi32, #tpu.memory_space<vmem>>) semaphore(%arg14 : memref<!tpu.dma_semaphore, #tpu.memory_space<semaphore_mem>>)
        %dma_start3A_1681 = tpu.memref_slice %arg7[%mul3A_1676] : memref<5000xi32, #tpu.memory_space<vmem>> -> memref<104xi32, #tpu.memory_space<vmem>>
        %dma_start3A_1682 = arith.constant 0 : i32
        %dma_start3A_1683 = arith.constant 0 : i32
        %dma_start3A_1684 = tpu.memref_slice %arg2[%dma_start3A_1682, %dma_start3A_1683] : memref<10000x128xi32, #tpu.memory_space<hbm>> -> memref<10000x128xi32, #tpu.memory_space<hbm>>
        tpu.enqueue_indirect_dma source(%dma_start3A_1684 : memref<10000x128xi32, #tpu.memory_space<hbm>>) target(%arg10 : memref<104x128xi32, #tpu.memory_space<vmem>>) offsets(%dma_start3A_1681 : memref<104xi32, #tpu.memory_space<vmem>>) semaphore(%arg14 : memref<!tpu.dma_semaphore, #tpu.memory_space<semaphore_mem>>)
      } else {
      }
      %dma_wait3A_1646 = arith.constant 0 : i32
      %dma_wait3A_1647 = arith.constant 0 : i32
      %dma_wait3A_1648 = tpu.memref_slice %arg2[%dma_wait3A_1646, %dma_wait3A_1647] : memref<10000x128xi32, #tpu.memory_space<hbm>> -> memref<104x128xi32, #tpu.memory_space<hbm>>
      %dma_wait3A_1649 = arith.constant 0 : i32
      %dma_wait3A_1650 = arith.constant 0 : i32
      %dma_wait3A_1651 = tpu.memref_slice %arg2[%dma_wait3A_1649, %dma_wait3A_1650] : memref<10000x128xi32, #tpu.memory_space<hbm>> -> memref<104x128xi32, #tpu.memory_space<hbm>>
      tpu.wait_dma2 semaphore(%arg15 : memref<!tpu.dma_semaphore, #tpu.memory_space<semaphore_mem>>) src(%dma_wait3A_1651 : memref<104x128xi32, #tpu.memory_space<hbm>>) dst(%arg9 : memref<104x128xi32, #tpu.memory_space<vmem>>)
      %dma_wait3A_1652 = arith.constant 0 : i32
      %dma_wait3A_1653 = arith.constant 0 : i32
      %dma_wait3A_1654 = tpu.memref_slice %arg2[%dma_wait3A_1652, %dma_wait3A_1653] : memref<10000x128xi32, #tpu.memory_space<hbm>> -> memref<104x128xi32, #tpu.memory_space<hbm>>
      %dma_wait3A_1655 = arith.constant 0 : i32
      %dma_wait3A_1656 = arith.constant 0 : i32
      %dma_wait3A_1657 = tpu.memref_slice %arg2[%dma_wait3A_1655, %dma_wait3A_1656] : memref<10000x128xi32, #tpu.memory_space<hbm>> -> memref<104x128xi32, #tpu.memory_space<hbm>>
      tpu.wait_dma2 semaphore(%arg15 : memref<!tpu.dma_semaphore, #tpu.memory_space<semaphore_mem>>) src(%dma_wait3A_1657 : memref<104x128xi32, #tpu.memory_space<hbm>>) dst(%arg11 : memref<104x128xi32, #tpu.memory_space<vmem>>)
      %scan3A_1658 = arith.constant 0 : i32
      %scan3A_1659 = arith.constant 0 : i32
      %scan3A_1660 = arith.constant 104 : i32
      %scan3A_1661 = arith.addi %scan3A_1659, %scan3A_1660 : i32
      %scan3A_1662 = arith.constant 1 : i32
      scf.for %scan3A_1673 = %scan3A_1659 to %scan3A_1661 step %scan3A_1662  : i32 {
        %get3A_1674 = arith.index_cast %scan3A_1673 : i32 to index
        %get3A_1675 = arith.constant 0 : index
        %get3A_1676 = tpu.vector_load %arg9[%get3A_1674, %get3A_1675] {strides = array<i32>} : memref<104x128xi32, #tpu.memory_space<vmem>>, vector<16xi32>,
        %bitcast3A_1677 = vector.bitcast %get3A_1676 : vector<16xi32> to vector<32xbf16>
        %get3A_1678 = arith.index_cast %scan3A_1673 : i32 to index
        %get3A_1679 = arith.constant 0 : index
        %get3A_1680 = tpu.vector_load %arg11[%get3A_1678, %get3A_1679] {strides = array<i32>} : memref<104x128xi32, #tpu.memory_space<vmem>>, vector<16xi32>,
        %bitcast3A_1681 = vector.bitcast %get3A_1680 : vector<16xi32> to vector<32xbf16>
        %unpack3A_1682 = tpu.unpack_subelements %bitcast3A_1677, 0 {pack_format = #tpu.pack_format<interleaved>} : vector<32xbf16> -> vector<16xf32>
        %unpack3A_1683 = tpu.unpack_subelements %bitcast3A_1677, 1 {pack_format = #tpu.pack_format<interleaved>} : vector<32xbf16> -> vector<16xf32>
        %unpack3A_1684 = tpu.unpack_subelements %bitcast3A_1681, 0 {pack_format = #tpu.pack_format<interleaved>} : vector<32xbf16> -> vector<16xf32>
        %unpack3A_1685 = tpu.unpack_subelements %bitcast3A_1681, 1 {pack_format = #tpu.pack_format<interleaved>} : vector<32xbf16> -> vector<16xf32>
        %add3A_1686 = arith.addf %unpack3A_1682, %unpack3A_1684 : vector<16xf32>
        %swap3A_1687 = arith.index_cast %scan3A_1673 : i32 to index
        %swap3A_1688 = arith.constant 0 : index
        %swap3A_1689 = tpu.vector_load %arg13[%swap3A_1687, %swap3A_1688] {strides = array<i32>} : memref<104x256xf32, #tpu.memory_space<vmem>>, vector<16xf32>,
        tpu.vector_store %arg13[%swap3A_1687, %swap3A_1688], %add3A_1686 {strides = array<i32>} : memref<104x256xf32, #tpu.memory_space<vmem>>, vector<16xf32>,
        %add3A_1690 = arith.addf %unpack3A_1683, %unpack3A_1685 : vector<16xf32>
        %swap3A_1691 = arith.index_cast %scan3A_1673 : i32 to index
        %swap3A_1692 = arith.constant 16 : index
        %swap3A_1693 = tpu.vector_load %arg13[%swap3A_1691, %swap3A_1692] {strides = array<i32>} : memref<104x256xf32, #tpu.memory_space<vmem>>, vector<16xf32>,
        tpu.vector_store %arg13[%swap3A_1691, %swap3A_1692], %add3A_1690 {strides = array<i32>} : memref<104x256xf32, #tpu.memory_space<vmem>>, vector<16xf32>,
        %get3A_1694 = arith.index_cast %scan3A_1673 : i32 to index
        %get3A_1695 = arith.constant 16 : index
        %get3A_1696 = tpu.vector_load %arg9[%get3A_1694, %get3A_1695] {strides = array<i32>} : memref<104x128xi32, #tpu.memory_space<vmem>>, vector<16xi32>,
        %bitcast3A_1697 = vector.bitcast %get3A_1696 : vector<16xi32> to vector<32xbf16>
        %get3A_1698 = arith.index_cast %scan3A_1673 : i32 to index
        %get3A_1699 = arith.constant 16 : index
        %get3A_1700 = tpu.vector_load %arg11[%get3A_1698, %get3A_1699] {strides = array<i32>} : memref<104x128xi32, #tpu.memory_space<vmem>>, vector<16xi32>,
        %bitcast3A_1701 = vector.bitcast %get3A_1700 : vector<16xi32> to vector<32xbf16>
        %unpack3A_1702 = tpu.unpack_subelements %bitcast3A_1697, 0 {pack_format = #tpu.pack_format<interleaved>} : vector<32xbf16> -> vector<16xf32>
        %unpack3A_1703 = tpu.unpack_subelements %bitcast3A_1697, 1 {pack_format = #tpu.pack_format<interleaved>} : vector<32xbf16> -> vector<16xf32>
        %unpack3A_1704 = tpu.unpack_subelements %bitcast3A_1701, 0 {pack_format = #tpu.pack_format<interleaved>} : vector<32xbf16> -> vector<16xf32>
        %unpack3A_1705 = tpu.unpack_subelements %bitcast3A_1701, 1 {pack_format = #tpu.pack_format<interleaved>} : vector<32xbf16> -> vector<16xf32>
        %add3A_1706 = arith.addf %unpack3A_1702, %unpack3A_1704 : vector<16xf32>
        %swap3A_1707 = arith.index_cast %scan3A_1673 : i32 to index
        %swap3A_1708 = arith.constant 32 : index
        %swap3A_1709 = tpu.vector_load %arg13[%swap3A_1707, %swap3A_1708] {strides = array<i32>} : memref<104x256xf32, #tpu.memory_space<vmem>>, vector<16xf32>,
        tpu.vector_store %arg13[%swap3A_1707, %swap3A_1708], %add3A_1706 {strides = array<i32>} : memref<104x256xf32, #tpu.memory_space<vmem>>, vector<16xf32>,
        %add3A_1710 = arith.addf %unpack3A_1703, %unpack3A_1705 : vector<16xf32>
        %swap3A_1711 = arith.index_cast %scan3A_1673 : i32 to index
        %swap3A_1712 = arith.constant 48 : index
        %swap3A_1713 = tpu.vector_load %arg13[%swap3A_1711, %swap3A_1712] {strides = array<i32>} : memref<104x256xf32, #tpu.memory_space<vmem>>, vector<16xf32>,
        tpu.vector_store %arg13[%swap3A_1711, %swap3A_1712], %add3A_1710 {strides = array<i32>} : memref<104x256xf32, #tpu.memory_space<vmem>>, vector<16xf32>,
        %get3A_1714 = arith.index_cast %scan3A_1673 : i32 to index
        %get3A_1715 = arith.constant 32 : index
        %get3A_1716 = tpu.vector_load %arg9[%get3A_1714, %get3A_1715] {strides = array<i32>} : memref<104x128xi32, #tpu.memory_space<vmem>>, vector<16xi32>,
        %bitcast3A_1717 = vector.bitcast %get3A_1716 : vector<16xi32> to vector<32xbf16>
        %get3A_1718 = arith.index_cast %scan3A_1673 : i32 to index
        %get3A_1719 = arith.constant 32 : index
        %get3A_1720 = tpu.vector_load %arg11[%get3A_1718, %get3A_1719] {strides = array<i32>} : memref<104x128xi32, #tpu.memory_space<vmem>>, vector<16xi32>,
        %bitcast3A_1721 = vector.bitcast %get3A_1720 : vector<16xi32> to vector<32xbf16>
        %unpack3A_1722 = tpu.unpack_subelements %bitcast3A_1717, 0 {pack_format = #tpu.pack_format<interleaved>} : vector<32xbf16> -> vector<16xf32>
        %unpack3A_1723 = tpu.unpack_subelements %bitcast3A_1717, 1 {pack_format = #tpu.pack_format<interleaved>} : vector<32xbf16> -> vector<16xf32>
        %unpack3A_1724 = tpu.unpack_subelements %bitcast3A_1721, 0 {pack_format = #tpu.pack_format<interleaved>} : vector<32xbf16> -> vector<16xf32>
        %unpack3A_1725 = tpu.unpack_subelements %bitcast3A_1721, 1 {pack_format = #tpu.pack_format<interleaved>} : vector<32xbf16> -> vector<16xf32>
        %add3A_1726 = arith.addf %unpack3A_1722, %unpack3A_1724 : vector<16xf32>
        %swap3A_1727 = arith.index_cast %scan3A_1673 : i32 to index
        %swap3A_1728 = arith.constant 64 : index
        %swap3A_1729 = tpu.vector_load %arg13[%swap3A_1727, %swap3A_1728] {strides = array<i32>} : memref<104x256xf32, #tpu.memory_space<vmem>>, vector<16xf32>,
        tpu.vector_store %arg13[%swap3A_1727, %swap3A_1728], %add3A_1726 {strides = array<i32>} : memref<104x256xf32, #tpu.memory_space<vmem>>, vector<16xf32>,
        %add3A_1730 = arith.addf %unpack3A_1723, %unpack3A_1725 : vector<16xf32>
        %swap3A_1731 = arith.index_cast %scan3A_1673 : i32 to index
        %swap3A_1732 = arith.constant 80 : index
        %swap3A_1733 = tpu.vector_load %arg13[%swap3A_1731, %swap3A_1732] {strides = array<i32>} : memref<104x256xf32, #tpu.memory_space<vmem>>, vector<16xf32>,
        tpu.vector_store %arg13[%swap3A_1731, %swap3A_1732], %add3A_1730 {strides = array<i32>} : memref<104x256xf32, #tpu.memory_space<vmem>>, vector<16xf32>,
        %get3A_1734 = arith.index_cast %scan3A_1673 : i32 to index
        %get3A_1735 = arith.constant 48 : index
        %get3A_1736 = tpu.vector_load %arg9[%get3A_1734, %get3A_1735] {strides = array<i32>} : memref<104x128xi32, #tpu.memory_space<vmem>>, vector<16xi32>,
        %bitcast3A_1737 = vector.bitcast %get3A_1736 : vector<16xi32> to vector<32xbf16>
        %get3A_1738 = arith.index_cast %scan3A_1673 : i32 to index
        %get3A_1739 = arith.constant 48 : index
        %get3A_1740 = tpu.vector_load %arg11[%get3A_1738, %get3A_1739] {strides = array<i32>} : memref<104x128xi32, #tpu.memory_space<vmem>>, vector<16xi32>,
        %bitcast3A_1741 = vector.bitcast %get3A_1740 : vector<16xi32> to vector<32xbf16>
        %unpack3A_1742 = tpu.unpack_subelements %bitcast3A_1737, 0 {pack_format = #tpu.pack_format<interleaved>} : vector<32xbf16> -> vector<16xf32>
        %unpack3A_1743 = tpu.unpack_subelements %bitcast3A_1737, 1 {pack_format = #tpu.pack_format<interleaved>} : vector<32xbf16> -> vector<16xf32>
        %unpack3A_1744 = tpu.unpack_subelements %bitcast3A_1741, 0 {pack_format = #tpu.pack_format<interleaved>} : vector<32xbf16> -> vector<16xf32>
        %unpack3A_1745 = tpu.unpack_subelements %bitcast3A_1741, 1 {pack_format = #tpu.pack_format<interleaved>} : vector<32xbf16> -> vector<16xf32>
        %add3A_1746 = arith.addf %unpack3A_1742, %unpack3A_1744 : vector<16xf32>
        %swap3A_1747 = arith.index_cast %scan3A_1673 : i32 to index
        %swap3A_1748 = arith.constant 96 : index
        %swap3A_1749 = tpu.vector_load %arg13[%swap3A_1747, %swap3A_1748] {strides = array<i32>} : memref<104x256xf32, #tpu.memory_space<vmem>>, vector<16xf32>,
        tpu.vector_store %arg13[%swap3A_1747, %swap3A_1748], %add3A_1746 {strides = array<i32>} : memref<104x256xf32, #tpu.memory_space<vmem>>, vector<16xf32>,
        %add3A_1750 = arith.addf %unpack3A_1743, %unpack3A_1745 : vector<16xf32>
        %swap3A_1751 = arith.index_cast %scan3A_1673 : i32 to index
        %swap3A_1752 = arith.constant 112 : index
        %swap3A_1753 = tpu.vector_load %arg13[%swap3A_1751, %swap3A_1752] {strides = array<i32>} : memref<104x256xf32, #tpu.memory_space<vmem>>, vector<16xf32>,
        tpu.vector_store %arg13[%swap3A_1751, %swap3A_1752], %add3A_1750 {strides = array<i32>} : memref<104x256xf32, #tpu.memory_space<vmem>>, vector<16xf32>,
        %get3A_1754 = arith.index_cast %scan3A_1673 : i32 to index
        %get3A_1755 = arith.constant 64 : index
        %get3A_1756 = tpu.vector_load %arg9[%get3A_1754, %get3A_1755] {strides = array<i32>} : memref<104x128xi32, #tpu.memory_space<vmem>>, vector<16xi32>,
        %bitcast3A_1757 = vector.bitcast %get3A_1756 : vector<16xi32> to vector<32xbf16>
        %get3A_1758 = arith.index_cast %scan3A_1673 : i32 to index
        %get3A_1759 = arith.constant 64 : index
        %get3A_1760 = tpu.vector_load %arg11[%get3A_1758, %get3A_1759] {strides = array<i32>} : memref<104x128xi32, #tpu.memory_space<vmem>>, vector<16xi32>,
        %bitcast3A_1761 = vector.bitcast %get3A_1760 : vector<16xi32> to vector<32xbf16>
        %unpack3A_1762 = tpu.unpack_subelements %bitcast3A_1757, 0 {pack_format = #tpu.pack_format<interleaved>} : vector<32xbf16> -> vector<16xf32>
        %unpack3A_1763 = tpu.unpack_subelements %bitcast3A_1757, 1 {pack_format = #tpu.pack_format<interleaved>} : vector<32xbf16> -> vector<16xf32>
        %unpack3A_1764 = tpu.unpack_subelements %bitcast3A_1761, 0 {pack_format = #tpu.pack_format<interleaved>} : vector<32xbf16> -> vector<16xf32>
        %unpack3A_1765 = tpu.unpack_subelements %bitcast3A_1761, 1 {pack_format = #tpu.pack_format<interleaved>} : vector<32xbf16> -> vector<16xf32>
        %add3A_1766 = arith.addf %unpack3A_1762, %unpack3A_1764 : vector<16xf32>
        %swap3A_1767 = arith.index_cast %scan3A_1673 : i32 to index
        %swap3A_1768 = arith.constant 128 : index
        %swap3A_1769 = tpu.vector_load %arg13[%swap3A_1767, %swap3A_1768] {strides = array<i32>} : memref<104x256xf32, #tpu.memory_space<vmem>>, vector<16xf32>,
        tpu.vector_store %arg13[%swap3A_1767, %swap3A_1768], %add3A_1766 {strides = array<i32>} : memref<104x256xf32, #tpu.memory_space<vmem>>, vector<16xf32>,
        %add3A_1770 = arith.addf %unpack3A_1763, %unpack3A_1765 : vector<16xf32>
        %swap3A_1771 = arith.index_cast %scan3A_1673 : i32 to index
        %swap3A_1772 = arith.constant 144 : index
        %swap3A_1773 = tpu.vector_load %arg13[%swap3A_1771, %swap3A_1772] {strides = array<i32>} : memref<104x256xf32, #tpu.memory_space<vmem>>, vector<16xf32>,
        tpu.vector_store %arg13[%swap3A_1771, %swap3A_1772], %add3A_1770 {strides = array<i32>} : memref<104x256xf32, #tpu.memory_space<vmem>>, vector<16xf32>,
        %get3A_1774 = arith.index_cast %scan3A_1673 : i32 to index
        %get3A_1775 = arith.constant 80 : index
        %get3A_1776 = tpu.vector_load %arg9[%get3A_1774, %get3A_1775] {strides = array<i32>} : memref<104x128xi32, #tpu.memory_space<vmem>>, vector<16xi32>,
        %bitcast3A_1777 = vector.bitcast %get3A_1776 : vector<16xi32> to vector<32xbf16>
        %get3A_1778 = arith.index_cast %scan3A_1673 : i32 to index
        %get3A_1779 = arith.constant 80 : index
        %get3A_1780 = tpu.vector_load %arg11[%get3A_1778, %get3A_1779] {strides = array<i32>} : memref<104x128xi32, #tpu.memory_space<vmem>>, vector<16xi32>,
        %bitcast3A_1781 = vector.bitcast %get3A_1780 : vector<16xi32> to vector<32xbf16>
        %unpack3A_1782 = tpu.unpack_subelements %bitcast3A_1777, 0 {pack_format = #tpu.pack_format<interleaved>} : vector<32xbf16> -> vector<16xf32>
        %unpack3A_1783 = tpu.unpack_subelements %bitcast3A_1777, 1 {pack_format = #tpu.pack_format<interleaved>} : vector<32xbf16> -> vector<16xf32>
        %unpack3A_1784 = tpu.unpack_subelements %bitcast3A_1781, 0 {pack_format = #tpu.pack_format<interleaved>} : vector<32xbf16> -> vector<16xf32>
        %unpack3A_1785 = tpu.unpack_subelements %bitcast3A_1781, 1 {pack_format = #tpu.pack_format<interleaved>} : vector<32xbf16> -> vector<16xf32>
        %add3A_1786 = arith.addf %unpack3A_1782, %unpack3A_1784 : vector<16xf32>
        %swap3A_1787 = arith.index_cast %scan3A_1673 : i32 to index
        %swap3A_1788 = arith.constant 160 : index
        %swap3A_1789 = tpu.vector_load %arg13[%swap3A_1787, %swap3A_1788] {strides = array<i32>} : memref<104x256xf32, #tpu.memory_space<vmem>>, vector<16xf32>,
        tpu.vector_store %arg13[%swap3A_1787, %swap3A_1788], %add3A_1786 {strides = array<i32>} : memref<104x256xf32, #tpu.memory_space<vmem>>, vector<16xf32>,
        %add3A_1790 = arith.addf %unpack3A_1783, %unpack3A_1785 : vector<16xf32>
        %swap3A_1791 = arith.index_cast %scan3A_1673 : i32 to index
        %swap3A_1792 = arith.constant 176 : index
        %swap3A_1793 = tpu.vector_load %arg13[%swap3A_1791, %swap3A_1792] {strides = array<i32>} : memref<104x256xf32, #tpu.memory_space<vmem>>, vector<16xf32>,
        tpu.vector_store %arg13[%swap3A_1791, %swap3A_1792], %add3A_1790 {strides = array<i32>} : memref<104x256xf32, #tpu.memory_space<vmem>>, vector<16xf32>,
        %get3A_1794 = arith.index_cast %scan3A_1673 : i32 to index
        %get3A_1795 = arith.constant 96 : index
        %get3A_1796 = tpu.vector_load %arg9[%get3A_1794, %get3A_1795] {strides = array<i32>} : memref<104x128xi32, #tpu.memory_space<vmem>>, vector<16xi32>,
        %bitcast3A_1797 = vector.bitcast %get3A_1796 : vector<16xi32> to vector<32xbf16>
        %get3A_1798 = arith.index_cast %scan3A_1673 : i32 to index
        %get3A_1799 = arith.constant 96 : index
        %get3A_1800 = tpu.vector_load %arg11[%get3A_1798, %get3A_1799] {strides = array<i32>} : memref<104x128xi32, #tpu.memory_space<vmem>>, vector<16xi32>,
        %bitcast3A_1801 = vector.bitcast %get3A_1800 : vector<16xi32> to vector<32xbf16>
        %unpack3A_1802 = tpu.unpack_subelements %bitcast3A_1797, 0 {pack_format = #tpu.pack_format<interleaved>} : vector<32xbf16> -> vector<16xf32>
        %unpack3A_1803 = tpu.unpack_subelements %bitcast3A_1797, 1 {pack_format = #tpu.pack_format<interleaved>} : vector<32xbf16> -> vector<16xf32>
        %unpack3A_1804 = tpu.unpack_subelements %bitcast3A_1801, 0 {pack_format = #tpu.pack_format<interleaved>} : vector<32xbf16> -> vector<16xf32>
        %unpack3A_1805 = tpu.unpack_subelements %bitcast3A_1801, 1 {pack_format = #tpu.pack_format<interleaved>} : vector<32xbf16> -> vector<16xf32>
        %add3A_1806 = arith.addf %unpack3A_1802, %unpack3A_1804 : vector<16xf32>
        %swap3A_1807 = arith.index_cast %scan3A_1673 : i32 to index
        %swap3A_1808 = arith.constant 192 : index
        %swap3A_1809 = tpu.vector_load %arg13[%swap3A_1807, %swap3A_1808] {strides = array<i32>} : memref<104x256xf32, #tpu.memory_space<vmem>>, vector<16xf32>,
        tpu.vector_store %arg13[%swap3A_1807, %swap3A_1808], %add3A_1806 {strides = array<i32>} : memref<104x256xf32, #tpu.memory_space<vmem>>, vector<16xf32>,
        %add3A_1810 = arith.addf %unpack3A_1803, %unpack3A_1805 : vector<16xf32>
        %swap3A_1811 = arith.index_cast %scan3A_1673 : i32 to index
        %swap3A_1812 = arith.constant 208 : index
        %swap3A_1813 = tpu.vector_load %arg13[%swap3A_1811, %swap3A_1812] {strides = array<i32>} : memref<104x256xf32, #tpu.memory_space<vmem>>, vector<16xf32>,
        tpu.vector_store %arg13[%swap3A_1811, %swap3A_1812], %add3A_1810 {strides = array<i32>} : memref<104x256xf32, #tpu.memory_space<vmem>>, vector<16xf32>,
        %get3A_1814 = arith.index_cast %scan3A_1673 : i32 to index
        %get3A_1815 = arith.constant 112 : index
        %get3A_1816 = tpu.vector_load %arg9[%get3A_1814, %get3A_1815] {strides = array<i32>} : memref<104x128xi32, #tpu.memory_space<vmem>>, vector<16xi32>,
        %bitcast3A_1817 = vector.bitcast %get3A_1816 : vector<16xi32> to vector<32xbf16>
        %get3A_1818 = arith.index_cast %scan3A_1673 : i32 to index
        %get3A_1819 = arith.constant 112 : index
        %get3A_1820 = tpu.vector_load %arg11[%get3A_1818, %get3A_1819] {strides = array<i32>} : memref<104x128xi32, #tpu.memory_space<vmem>>, vector<16xi32>,
        %bitcast3A_1821 = vector.bitcast %get3A_1820 : vector<16xi32> to vector<32xbf16>
        %unpack3A_1822 = tpu.unpack_subelements %bitcast3A_1817, 0 {pack_format = #tpu.pack_format<interleaved>} : vector<32xbf16> -> vector<16xf32>
        %unpack3A_1823 = tpu.unpack_subelements %bitcast3A_1817, 1 {pack_format = #tpu.pack_format<interleaved>} : vector<32xbf16> -> vector<16xf32>
        %unpack3A_1824 = tpu.unpack_subelements %bitcast3A_1821, 0 {pack_format = #tpu.pack_format<interleaved>} : vector<32xbf16> -> vector<16xf32>
        %unpack3A_1825 = tpu.unpack_subelements %bitcast3A_1821, 1 {pack_format = #tpu.pack_format<interleaved>} : vector<32xbf16> -> vector<16xf32>
        %add3A_1826 = arith.addf %unpack3A_1822, %unpack3A_1824 : vector<16xf32>
        %swap3A_1827 = arith.index_cast %scan3A_1673 : i32 to index
        %swap3A_1828 = arith.constant 224 : index
        %swap3A_1829 = tpu.vector_load %arg13[%swap3A_1827, %swap3A_1828] {strides = array<i32>} : memref<104x256xf32, #tpu.memory_space<vmem>>, vector<16xf32>,
        tpu.vector_store %arg13[%swap3A_1827, %swap3A_1828], %add3A_1826 {strides = array<i32>} : memref<104x256xf32, #tpu.memory_space<vmem>>, vector<16xf32>,
        %add3A_1830 = arith.addf %unpack3A_1823, %unpack3A_1825 : vector<16xf32>
        %swap3A_1831 = arith.index_cast %scan3A_1673 : i32 to index
        %swap3A_1832 = arith.constant 240 : index
        %swap3A_1833 = tpu.vector_load %arg13[%swap3A_1831, %swap3A_1832] {strides = array<i32>} : memref<104x256xf32, #tpu.memory_space<vmem>>, vector<16xf32>,
        tpu.vector_store %arg13[%swap3A_1831, %swap3A_1832], %add3A_1830 {strides = array<i32>} : memref<104x256xf32, #tpu.memory_space<vmem>>, vector<16xf32>,
      }
      %scan3A_1663 = arith.constant 104 : i32
      %add3A_1664 = arith.constant 1 : i32
      %add3A_1665 = arith.addi %mul3A_1596, %add3A_1664 : i32
      %mul3A_1666 = arith.constant 104 : i32
      %mul3A_1667 = arith.muli %add3A_1665, %mul3A_1666 : i32
      %add3A_1668 = arith.addi %mul3A_2, %mul3A_1667 : i32
      %dma_start3A_1669 = arith.constant 0 : i32
      %dma_start3A_1670 = tpu.memref_slice %arg5[%add3A_1668, %dma_start3A_1669] : memref<160000x256xf32, #tpu.memory_space<hbm>> -> memref<104x256xf32, #tpu.memory_space<hbm>>
      %dma_start3A_1671 = arith.constant 0 : i32
      %dma_start3A_1672 = tpu.memref_slice %arg5[%add3A_1668, %dma_start3A_1671] : memref<160000x256xf32, #tpu.memory_space<hbm>> -> memref<104x256xf32, #tpu.memory_space<hbm>>
      tpu.enqueue_dma source(%arg13 : memref<104x256xf32, #tpu.memory_space<vmem>>) target(%dma_start3A_1672 : memref<104x256xf32, #tpu.memory_space<hbm>>) target_semaphore(%arg17 : memref<!tpu.dma_semaphore, #tpu.memory_space<semaphore_mem>>)
    }
    %scan3A_16 = arith.constant 24 : i32
    %dma_wait3A = arith.constant 0 : i32
    %dma_wait3A_17 = tpu.memref_slice %arg5[%mul3A_2, %dma_wait3A] : memref<160000x256xf32, #tpu.memory_space<hbm>> -> memref<104x256xf32, #tpu.memory_space<hbm>>
    %dma_wait3A_18 = arith.constant 0 : i32
    %dma_wait3A_19 = tpu.memref_slice %arg5[%mul3A_2, %dma_wait3A_18] : memref<160000x256xf32, #tpu.memory_space<hbm>> -> memref<104x256xf32, #tpu.memory_space<hbm>>
    tpu.wait_dma2 semaphore(%arg17 : memref<!tpu.dma_semaphore, #tpu.memory_space<semaphore_mem>>) src(%arg13 : memref<104x256xf32, #tpu.memory_space<vmem>>) dst(%dma_wait3A_19 : memref<104x256xf32, #tpu.memory_space<hbm>>)
    %dma_start3A_20 = arith.constant 0 : i32
    %dma_start3A_21 = arith.constant 0 : i32
    %dma_start3A_22 = tpu.memref_slice %arg8[%dma_start3A_20, %dma_start3A_21] : memref<104x128xi32, #tpu.memory_space<vmem>> -> memref<8x128xi32, #tpu.memory_space<vmem>>
    %dma_start3A_23 = arith.constant 4992 : i32
    %dma_start3A_24 = tpu.memref_slice %arg6[%dma_start3A_23] : memref<5000xi32, #tpu.memory_space<vmem>> -> memref<8xi32, #tpu.memory_space<vmem>>
    %dma_start3A_25 = arith.constant 0 : i32
    %dma_start3A_26 = arith.constant 0 : i32
    %dma_start3A_27 = tpu.memref_slice %arg2[%dma_start3A_25, %dma_start3A_26] : memref<10000x128xi32, #tpu.memory_space<hbm>> -> memref<10000x128xi32, #tpu.memory_space<hbm>>
    tpu.enqueue_indirect_dma source(%dma_start3A_27 : memref<10000x128xi32, #tpu.memory_space<hbm>>) target(%dma_start3A_22 : memref<8x128xi32, #tpu.memory_space<vmem>>) offsets(%dma_start3A_24 : memref<8xi32, #tpu.memory_space<vmem>>) semaphore(%arg14 : memref<!tpu.dma_semaphore, #tpu.memory_space<semaphore_mem>>)
    %dma_start3A_28 = arith.constant 0 : i32
    %dma_start3A_29 = arith.constant 0 : i32
    %dma_start3A_30 = tpu.memref_slice %arg10[%dma_start3A_28, %dma_start3A_29] : memref<104x128xi32, #tpu.memory_space<vmem>> -> memref<8x128xi32, #tpu.memory_space<vmem>>
    %dma_start3A_31 = arith.constant 4992 : i32
    %dma_start3A_32 = tpu.memref_slice %arg7[%dma_start3A_31] : memref<5000xi32, #tpu.memory_space<vmem>> -> memref<8xi32, #tpu.memory_space<vmem>>
    %dma_start3A_33 = arith.constant 0 : i32
    %dma_start3A_34 = arith.constant 0 : i32
    %dma_start3A_35 = tpu.memref_slice %arg2[%dma_start3A_33, %dma_start3A_34] : memref<10000x128xi32, #tpu.memory_space<hbm>> -> memref<10000x128xi32, #tpu.memory_space<hbm>>
    tpu.enqueue_indirect_dma source(%dma_start3A_35 : memref<10000x128xi32, #tpu.memory_space<hbm>>) target(%dma_start3A_30 : memref<8x128xi32, #tpu.memory_space<vmem>>) offsets(%dma_start3A_32 : memref<8xi32, #tpu.memory_space<vmem>>) semaphore(%arg14 : memref<!tpu.dma_semaphore, #tpu.memory_space<semaphore_mem>>)
    %dma_wait3A_36 = arith.constant 0 : i32
    %dma_wait3A_37 = arith.constant 0 : i32
    %dma_wait3A_38 = tpu.memref_slice %arg8[%dma_wait3A_36, %dma_wait3A_37] : memref<104x128xi32, #tpu.memory_space<vmem>> -> memref<8x128xi32, #tpu.memory_space<vmem>>
    %dma_wait3A_39 = arith.constant 0 : i32
    %dma_wait3A_40 = arith.constant 0 : i32
    %dma_wait3A_41 = tpu.memref_slice %arg2[%dma_wait3A_39, %dma_wait3A_40] : memref<10000x128xi32, #tpu.memory_space<hbm>> -> memref<8x128xi32, #tpu.memory_space<hbm>>
    %dma_wait3A_42 = arith.constant 0 : i32
    %dma_wait3A_43 = arith.constant 0 : i32
    %dma_wait3A_44 = tpu.memref_slice %arg8[%dma_wait3A_42, %dma_wait3A_43] : memref<104x128xi32, #tpu.memory_space<vmem>> -> memref<8x128xi32, #tpu.memory_space<vmem>>
    %dma_wait3A_45 = arith.constant 0 : i32
    %dma_wait3A_46 = arith.constant 0 : i32
    %dma_wait3A_47 = tpu.memref_slice %arg2[%dma_wait3A_45, %dma_wait3A_46] : memref<10000x128xi32, #tpu.memory_space<hbm>> -> memref<8x128xi32, #tpu.memory_space<hbm>>
    tpu.wait_dma2 semaphore(%arg14 : memref<!tpu.dma_semaphore, #tpu.memory_space<semaphore_mem>>) src(%dma_wait3A_47 : memref<8x128xi32, #tpu.memory_space<hbm>>) dst(%dma_wait3A_44 : memref<8x128xi32, #tpu.memory_space<vmem>>)
    %dma_wait3A_48 = arith.constant 0 : i32
    %dma_wait3A_49 = arith.constant 0 : i32
    %dma_wait3A_50 = tpu.memref_slice %arg10[%dma_wait3A_48, %dma_wait3A_49] : memref<104x128xi32, #tpu.memory_space<vmem>> -> memref<8x128xi32, #tpu.memory_space<vmem>>
    %dma_wait3A_51 = arith.constant 0 : i32
    %dma_wait3A_52 = arith.constant 0 : i32
    %dma_wait3A_53 = tpu.memref_slice %arg2[%dma_wait3A_51, %dma_wait3A_52] : memref<10000x128xi32, #tpu.memory_space<hbm>> -> memref<8x128xi32, #tpu.memory_space<hbm>>
    %dma_wait3A_54 = arith.constant 0 : i32
    %dma_wait3A_55 = arith.constant 0 : i32
    %dma_wait3A_56 = tpu.memref_slice %arg10[%dma_wait3A_54, %dma_wait3A_55] : memref<104x128xi32, #tpu.memory_space<vmem>> -> memref<8x128xi32, #tpu.memory_space<vmem>>
    %dma_wait3A_57 = arith.constant 0 : i32
    %dma_wait3A_58 = arith.constant 0 : i32
    %dma_wait3A_59 = tpu.memref_slice %arg2[%dma_wait3A_57, %dma_wait3A_58] : memref<10000x128xi32, #tpu.memory_space<hbm>> -> memref<8x128xi32, #tpu.memory_space<hbm>>
    tpu.wait_dma2 semaphore(%arg14 : memref<!tpu.dma_semaphore, #tpu.memory_space<semaphore_mem>>) src(%dma_wait3A_59 : memref<8x128xi32, #tpu.memory_space<hbm>>) dst(%dma_wait3A_56 : memref<8x128xi32, #tpu.memory_space<vmem>>)
    %get3A = arith.constant 0 : i32
    %get3A_60 = arith.index_cast %get3A : i32 to index
    %get3A_61 = arith.constant 0 : index
    %get3A_62 = tpu.vector_load %arg8[%get3A_60, %get3A_61] {strides = array<i32>} : memref<104x128xi32, #tpu.memory_space<vmem>>, vector<16xi32>,
    %bitcast3A = vector.bitcast %get3A_62 : vector<16xi32> to vector<32xbf16>
    %get3A_63 = arith.constant 0 : i32
    %get3A_64 = arith.index_cast %get3A_63 : i32 to index
    %get3A_65 = arith.constant 0 : index
    %get3A_66 = tpu.vector_load %arg10[%get3A_64, %get3A_65] {strides = array<i32>} : memref<104x128xi32, #tpu.memory_space<vmem>>, vector<16xi32>,
    %bitcast3A_67 = vector.bitcast %get3A_66 : vector<16xi32> to vector<32xbf16>
    %unpack3A = tpu.unpack_subelements %bitcast3A, 0 {pack_format = #tpu.pack_format<interleaved>} : vector<32xbf16> -> vector<16xf32>
    %unpack3A_68 = tpu.unpack_subelements %bitcast3A, 1 {pack_format = #tpu.pack_format<interleaved>} : vector<32xbf16> -> vector<16xf32>
    %unpack3A_69 = tpu.unpack_subelements %bitcast3A_67, 0 {pack_format = #tpu.pack_format<interleaved>} : vector<32xbf16> -> vector<16xf32>
    %unpack3A_70 = tpu.unpack_subelements %bitcast3A_67, 1 {pack_format = #tpu.pack_format<interleaved>} : vector<32xbf16> -> vector<16xf32>
    %add3A_71 = arith.addf %unpack3A, %unpack3A_69 : vector<16xf32>
    %swap3A = arith.constant 0 : i32
    %swap3A_72 = arith.index_cast %swap3A : i32 to index
    %swap3A_73 = arith.constant 0 : index
    %swap3A_74 = tpu.vector_load %arg12[%swap3A_72, %swap3A_73] {strides = array<i32>} : memref<104x256xf32, #tpu.memory_space<vmem>>, vector<16xf32>,
    tpu.vector_store %arg12[%swap3A_72, %swap3A_73], %add3A_71 {strides = array<i32>} : memref<104x256xf32, #tpu.memory_space<vmem>>, vector<16xf32>,
    %add3A_75 = arith.addf %unpack3A_68, %unpack3A_70 : vector<16xf32>
    %swap3A_76 = arith.constant 0 : i32
    %swap3A_77 = arith.index_cast %swap3A_76 : i32 to index
    %swap3A_78 = arith.constant 16 : index
    %swap3A_79 = tpu.vector_load %arg12[%swap3A_77, %swap3A_78] {strides = array<i32>} : memref<104x256xf32, #tpu.memory_space<vmem>>, vector<16xf32>,
    tpu.vector_store %arg12[%swap3A_77, %swap3A_78], %add3A_75 {strides = array<i32>} : memref<104x256xf32, #tpu.memory_space<vmem>>, vector<16xf32>,
    %get3A_80 = arith.constant 0 : i32
    %get3A_81 = arith.index_cast %get3A_80 : i32 to index
    %get3A_82 = arith.constant 16 : index
    %get3A_83 = tpu.vector_load %arg8[%get3A_81, %get3A_82] {strides = array<i32>} : memref<104x128xi32, #tpu.memory_space<vmem>>, vector<16xi32>,
    %bitcast3A_84 = vector.bitcast %get3A_83 : vector<16xi32> to vector<32xbf16>
    %get3A_85 = arith.constant 0 : i32
    %get3A_86 = arith.index_cast %get3A_85 : i32 to index
    %get3A_87 = arith.constant 16 : index
    %get3A_88 = tpu.vector_load %arg10[%get3A_86, %get3A_87] {strides = array<i32>} : memref<104x128xi32, #tpu.memory_space<vmem>>, vector<16xi32>,
    %bitcast3A_89 = vector.bitcast %get3A_88 : vector<16xi32> to vector<32xbf16>
    %unpack3A_90 = tpu.unpack_subelements %bitcast3A_84, 0 {pack_format = #tpu.pack_format<interleaved>} : vector<32xbf16> -> vector<16xf32>
    %unpack3A_91 = tpu.unpack_subelements %bitcast3A_84, 1 {pack_format = #tpu.pack_format<interleaved>} : vector<32xbf16> -> vector<16xf32>
    %unpack3A_92 = tpu.unpack_subelements %bitcast3A_89, 0 {pack_format = #tpu.pack_format<interleaved>} : vector<32xbf16> -> vector<16xf32>
    %unpack3A_93 = tpu.unpack_subelements %bitcast3A_89, 1 {pack_format = #tpu.pack_format<interleaved>} : vector<32xbf16> -> vector<16xf32>
    %add3A_94 = arith.addf %unpack3A_90, %unpack3A_92 : vector<16xf32>
    %swap3A_95 = arith.constant 0 : i32
    %swap3A_96 = arith.index_cast %swap3A_95 : i32 to index
    %swap3A_97 = arith.constant 32 : index
    %swap3A_98 = tpu.vector_load %arg12[%swap3A_96, %swap3A_97] {strides = array<i32>} : memref<104x256xf32, #tpu.memory_space<vmem>>, vector<16xf32>,
    tpu.vector_store %arg12[%swap3A_96, %swap3A_97], %add3A_94 {strides = array<i32>} : memref<104x256xf32, #tpu.memory_space<vmem>>, vector<16xf32>,
    %add3A_99 = arith.addf %unpack3A_91, %unpack3A_93 : vector<16xf32>
    %swap3A_100 = arith.constant 0 : i32
    %swap3A_101 = arith.index_cast %swap3A_100 : i32 to index
    %swap3A_102 = arith.constant 48 : index
    %swap3A_103 = tpu.vector_load %arg12[%swap3A_101, %swap3A_102] {strides = array<i32>} : memref<104x256xf32, #tpu.memory_space<vmem>>, vector<16xf32>,
    tpu.vector_store %arg12[%swap3A_101, %swap3A_102], %add3A_99 {strides = array<i32>} : memref<104x256xf32, #tpu.memory_space<vmem>>, vector<16xf32>,
    %get3A_104 = arith.constant 0 : i32
    %get3A_105 = arith.index_cast %get3A_104 : i32 to index
    %get3A_106 = arith.constant 32 : index
    %get3A_107 = tpu.vector_load %arg8[%get3A_105, %get3A_106] {strides = array<i32>} : memref<104x128xi32, #tpu.memory_space<vmem>>, vector<16xi32>,
    %bitcast3A_108 = vector.bitcast %get3A_107 : vector<16xi32> to vector<32xbf16>
    %get3A_109 = arith.constant 0 : i32
    %get3A_110 = arith.index_cast %get3A_109 : i32 to index
    %get3A_111 = arith.constant 32 : index
    %get3A_112 = tpu.vector_load %arg10[%get3A_110, %get3A_111] {strides = array<i32>} : memref<104x128xi32, #tpu.memory_space<vmem>>, vector<16xi32>,
    %bitcast3A_113 = vector.bitcast %get3A_112 : vector<16xi32> to vector<32xbf16>
    %unpack3A_114 = tpu.unpack_subelements %bitcast3A_108, 0 {pack_format = #tpu.pack_format<interleaved>} : vector<32xbf16> -> vector<16xf32>
    %unpack3A_115 = tpu.unpack_subelements %bitcast3A_108, 1 {pack_format = #tpu.pack_format<interleaved>} : vector<32xbf16> -> vector<16xf32>
    %unpack3A_116 = tpu.unpack_subelements %bitcast3A_113, 0 {pack_format = #tpu.pack_format<interleaved>} : vector<32xbf16> -> vector<16xf32>
    %unpack3A_117 = tpu.unpack_subelements %bitcast3A_113, 1 {pack_format = #tpu.pack_format<interleaved>} : vector<32xbf16> -> vector<16xf32>
    %add3A_118 = arith.addf %unpack3A_114, %unpack3A_116 : vector<16xf32>
    %swap3A_119 = arith.constant 0 : i32
    %swap3A_120 = arith.index_cast %swap3A_119 : i32 to index
    %swap3A_121 = arith.constant 64 : index
    %swap3A_122 = tpu.vector_load %arg12[%swap3A_120, %swap3A_121] {strides = array<i32>} : memref<104x256xf32, #tpu.memory_space<vmem>>, vector<16xf32>,
    tpu.vector_store %arg12[%swap3A_120, %swap3A_121], %add3A_118 {strides = array<i32>} : memref<104x256xf32, #tpu.memory_space<vmem>>, vector<16xf32>,
    %add3A_123 = arith.addf %unpack3A_115, %unpack3A_117 : vector<16xf32>
    %swap3A_124 = arith.constant 0 : i32
    %swap3A_125 = arith.index_cast %swap3A_124 : i32 to index
    %swap3A_126 = arith.constant 80 : index
    %swap3A_127 = tpu.vector_load %arg12[%swap3A_125, %swap3A_126] {strides = array<i32>} : memref<104x256xf32, #tpu.memory_space<vmem>>, vector<16xf32>,
    tpu.vector_store %arg12[%swap3A_125, %swap3A_126], %add3A_123 {strides = array<i32>} : memref<104x256xf32, #tpu.memory_space<vmem>>, vector<16xf32>,
    %get3A_128 = arith.constant 0 : i32
    %get3A_129 = arith.index_cast %get3A_128 : i32 to index
    %get3A_130 = arith.constant 48 : index
    %get3A_131 = tpu.vector_load %arg8[%get3A_129, %get3A_130] {strides = array<i32>} : memref<104x128xi32, #tpu.memory_space<vmem>>, vector<16xi32>,
    %bitcast3A_132 = vector.bitcast %get3A_131 : vector<16xi32> to vector<32xbf16>
    %get3A_133 = arith.constant 0 : i32
    %get3A_134 = arith.index_cast %get3A_133 : i32 to index
    %get3A_135 = arith.constant 48 : index
    %get3A_136 = tpu.vector_load %arg10[%get3A_134, %get3A_135] {strides = array<i32>} : memref<104x128xi32, #tpu.memory_space<vmem>>, vector<16xi32>,
    %bitcast3A_137 = vector.bitcast %get3A_136 : vector<16xi32> to vector<32xbf16>
    %unpack3A_138 = tpu.unpack_subelements %bitcast3A_132, 0 {pack_format = #tpu.pack_format<interleaved>} : vector<32xbf16> -> vector<16xf32>
    %unpack3A_139 = tpu.unpack_subelements %bitcast3A_132, 1 {pack_format = #tpu.pack_format<interleaved>} : vector<32xbf16> -> vector<16xf32>
    %unpack3A_140 = tpu.unpack_subelements %bitcast3A_137, 0 {pack_format = #tpu.pack_format<interleaved>} : vector<32xbf16> -> vector<16xf32>
    %unpack3A_141 = tpu.unpack_subelements %bitcast3A_137, 1 {pack_format = #tpu.pack_format<interleaved>} : vector<32xbf16> -> vector<16xf32>
    %add3A_142 = arith.addf %unpack3A_138, %unpack3A_140 : vector<16xf32>
    %swap3A_143 = arith.constant 0 : i32
    %swap3A_144 = arith.index_cast %swap3A_143 : i32 to index
    %swap3A_145 = arith.constant 96 : index
    %swap3A_146 = tpu.vector_load %arg12[%swap3A_144, %swap3A_145] {strides = array<i32>} : memref<104x256xf32, #tpu.memory_space<vmem>>, vector<16xf32>,
    tpu.vector_store %arg12[%swap3A_144, %swap3A_145], %add3A_142 {strides = array<i32>} : memref<104x256xf32, #tpu.memory_space<vmem>>, vector<16xf32>,
    %add3A_147 = arith.addf %unpack3A_139, %unpack3A_141 : vector<16xf32>
    %swap3A_148 = arith.constant 0 : i32
    %swap3A_149 = arith.index_cast %swap3A_148 : i32 to index
    %swap3A_150 = arith.constant 112 : index
    %swap3A_151 = tpu.vector_load %arg12[%swap3A_149, %swap3A_150] {strides = array<i32>} : memref<104x256xf32, #tpu.memory_space<vmem>>, vector<16xf32>,
    tpu.vector_store %arg12[%swap3A_149, %swap3A_150], %add3A_147 {strides = array<i32>} : memref<104x256xf32, #tpu.memory_space<vmem>>, vector<16xf32>,
    %get3A_152 = arith.constant 0 : i32
    %get3A_153 = arith.index_cast %get3A_152 : i32 to index
    %get3A_154 = arith.constant 64 : index
    %get3A_155 = tpu.vector_load %arg8[%get3A_153, %get3A_154] {strides = array<i32>} : memref<104x128xi32, #tpu.memory_space<vmem>>, vector<16xi32>,
    %bitcast3A_156 = vector.bitcast %get3A_155 : vector<16xi32> to vector<32xbf16>
    %get3A_157 = arith.constant 0 : i32
    %get3A_158 = arith.index_cast %get3A_157 : i32 to index
    %get3A_159 = arith.constant 64 : index
    %get3A_160 = tpu.vector_load %arg10[%get3A_158, %get3A_159] {strides = array<i32>} : memref<104x128xi32, #tpu.memory_space<vmem>>, vector<16xi32>,
    %bitcast3A_161 = vector.bitcast %get3A_160 : vector<16xi32> to vector<32xbf16>
    %unpack3A_162 = tpu.unpack_subelements %bitcast3A_156, 0 {pack_format = #tpu.pack_format<interleaved>} : vector<32xbf16> -> vector<16xf32>
    %unpack3A_163 = tpu.unpack_subelements %bitcast3A_156, 1 {pack_format = #tpu.pack_format<interleaved>} : vector<32xbf16> -> vector<16xf32>
    %unpack3A_164 = tpu.unpack_subelements %bitcast3A_161, 0 {pack_format = #tpu.pack_format<interleaved>} : vector<32xbf16> -> vector<16xf32>
    %unpack3A_165 = tpu.unpack_subelements %bitcast3A_161, 1 {pack_format = #tpu.pack_format<interleaved>} : vector<32xbf16> -> vector<16xf32>
    %add3A_166 = arith.addf %unpack3A_162, %unpack3A_164 : vector<16xf32>
    %swap3A_167 = arith.constant 0 : i32
    %swap3A_168 = arith.index_cast %swap3A_167 : i32 to index
    %swap3A_169 = arith.constant 128 : index
    %swap3A_170 = tpu.vector_load %arg12[%swap3A_168, %swap3A_169] {strides = array<i32>} : memref<104x256xf32, #tpu.memory_space<vmem>>, vector<16xf32>,
    tpu.vector_store %arg12[%swap3A_168, %swap3A_169], %add3A_166 {strides = array<i32>} : memref<104x256xf32, #tpu.memory_space<vmem>>, vector<16xf32>,
    %add3A_171 = arith.addf %unpack3A_163, %unpack3A_165 : vector<16xf32>
    %swap3A_172 = arith.constant 0 : i32
    %swap3A_173 = arith.index_cast %swap3A_172 : i32 to index
    %swap3A_174 = arith.constant 144 : index
    %swap3A_175 = tpu.vector_load %arg12[%swap3A_173, %swap3A_174] {strides = array<i32>} : memref<104x256xf32, #tpu.memory_space<vmem>>, vector<16xf32>,
    tpu.vector_store %arg12[%swap3A_173, %swap3A_174], %add3A_171 {strides = array<i32>} : memref<104x256xf32, #tpu.memory_space<vmem>>, vector<16xf32>,
    %get3A_176 = arith.constant 0 : i32
    %get3A_177 = arith.index_cast %get3A_176 : i32 to index
    %get3A_178 = arith.constant 80 : index
    %get3A_179 = tpu.vector_load %arg8[%get3A_177, %get3A_178] {strides = array<i32>} : memref<104x128xi32, #tpu.memory_space<vmem>>, vector<16xi32>,
    %bitcast3A_180 = vector.bitcast %get3A_179 : vector<16xi32> to vector<32xbf16>
    %get3A_181 = arith.constant 0 : i32
    %get3A_182 = arith.index_cast %get3A_181 : i32 to index
    %get3A_183 = arith.constant 80 : index
    %get3A_184 = tpu.vector_load %arg10[%get3A_182, %get3A_183] {strides = array<i32>} : memref<104x128xi32, #tpu.memory_space<vmem>>, vector<16xi32>,
    %bitcast3A_185 = vector.bitcast %get3A_184 : vector<16xi32> to vector<32xbf16>
    %unpack3A_186 = tpu.unpack_subelements %bitcast3A_180, 0 {pack_format = #tpu.pack_format<interleaved>} : vector<32xbf16> -> vector<16xf32>
    %unpack3A_187 = tpu.unpack_subelements %bitcast3A_180, 1 {pack_format = #tpu.pack_format<interleaved>} : vector<32xbf16> -> vector<16xf32>
    %unpack3A_188 = tpu.unpack_subelements %bitcast3A_185, 0 {pack_format = #tpu.pack_format<interleaved>} : vector<32xbf16> -> vector<16xf32>
    %unpack3A_189 = tpu.unpack_subelements %bitcast3A_185, 1 {pack_format = #tpu.pack_format<interleaved>} : vector<32xbf16> -> vector<16xf32>
    %add3A_190 = arith.addf %unpack3A_186, %unpack3A_188 : vector<16xf32>
    %swap3A_191 = arith.constant 0 : i32
    %swap3A_192 = arith.index_cast %swap3A_191 : i32 to index
    %swap3A_193 = arith.constant 160 : index
    %swap3A_194 = tpu.vector_load %arg12[%swap3A_192, %swap3A_193] {strides = array<i32>} : memref<104x256xf32, #tpu.memory_space<vmem>>, vector<16xf32>,
    tpu.vector_store %arg12[%swap3A_192, %swap3A_193], %add3A_190 {strides = array<i32>} : memref<104x256xf32, #tpu.memory_space<vmem>>, vector<16xf32>,
    %add3A_195 = arith.addf %unpack3A_187, %unpack3A_189 : vector<16xf32>
    %swap3A_196 = arith.constant 0 : i32
    %swap3A_197 = arith.index_cast %swap3A_196 : i32 to index
    %swap3A_198 = arith.constant 176 : index
    %swap3A_199 = tpu.vector_load %arg12[%swap3A_197, %swap3A_198] {strides = array<i32>} : memref<104x256xf32, #tpu.memory_space<vmem>>, vector<16xf32>,
    tpu.vector_store %arg12[%swap3A_197, %swap3A_198], %add3A_195 {strides = array<i32>} : memref<104x256xf32, #tpu.memory_space<vmem>>, vector<16xf32>,
    %get3A_200 = arith.constant 0 : i32
    %get3A_201 = arith.index_cast %get3A_200 : i32 to index
    %get3A_202 = arith.constant 96 : index
    %get3A_203 = tpu.vector_load %arg8[%get3A_201, %get3A_202] {strides = array<i32>} : memref<104x128xi32, #tpu.memory_space<vmem>>, vector<16xi32>,
    %bitcast3A_204 = vector.bitcast %get3A_203 : vector<16xi32> to vector<32xbf16>
    %get3A_205 = arith.constant 0 : i32
    %get3A_206 = arith.index_cast %get3A_205 : i32 to index
    %get3A_207 = arith.constant 96 : index
    %get3A_208 = tpu.vector_load %arg10[%get3A_206, %get3A_207] {strides = array<i32>} : memref<104x128xi32, #tpu.memory_space<vmem>>, vector<16xi32>,
    %bitcast3A_209 = vector.bitcast %get3A_208 : vector<16xi32> to vector<32xbf16>
    %unpack3A_210 = tpu.unpack_subelements %bitcast3A_204, 0 {pack_format = #tpu.pack_format<interleaved>} : vector<32xbf16> -> vector<16xf32>
    %unpack3A_211 = tpu.unpack_subelements %bitcast3A_204, 1 {pack_format = #tpu.pack_format<interleaved>} : vector<32xbf16> -> vector<16xf32>
    %unpack3A_212 = tpu.unpack_subelements %bitcast3A_209, 0 {pack_format = #tpu.pack_format<interleaved>} : vector<32xbf16> -> vector<16xf32>
    %unpack3A_213 = tpu.unpack_subelements %bitcast3A_209, 1 {pack_format = #tpu.pack_format<interleaved>} : vector<32xbf16> -> vector<16xf32>
    %add3A_214 = arith.addf %unpack3A_210, %unpack3A_212 : vector<16xf32>
    %swap3A_215 = arith.constant 0 : i32
    %swap3A_216 = arith.index_cast %swap3A_215 : i32 to index
    %swap3A_217 = arith.constant 192 : index
    %swap3A_218 = tpu.vector_load %arg12[%swap3A_216, %swap3A_217] {strides = array<i32>} : memref<104x256xf32, #tpu.memory_space<vmem>>, vector<16xf32>,
    tpu.vector_store %arg12[%swap3A_216, %swap3A_217], %add3A_214 {strides = array<i32>} : memref<104x256xf32, #tpu.memory_space<vmem>>, vector<16xf32>,
    %add3A_219 = arith.addf %unpack3A_211, %unpack3A_213 : vector<16xf32>
    %swap3A_220 = arith.constant 0 : i32
    %swap3A_221 = arith.index_cast %swap3A_220 : i32 to index
    %swap3A_222 = arith.constant 208 : index
    %swap3A_223 = tpu.vector_load %arg12[%swap3A_221, %swap3A_222] {strides = array<i32>} : memref<104x256xf32, #tpu.memory_space<vmem>>, vector<16xf32>,
    tpu.vector_store %arg12[%swap3A_221, %swap3A_222], %add3A_219 {strides = array<i32>} : memref<104x256xf32, #tpu.memory_space<vmem>>, vector<16xf32>,
    %get3A_224 = arith.constant 0 : i32
    %get3A_225 = arith.index_cast %get3A_224 : i32 to index
    %get3A_226 = arith.constant 112 : index
    %get3A_227 = tpu.vector_load %arg8[%get3A_225, %get3A_226] {strides = array<i32>} : memref<104x128xi32, #tpu.memory_space<vmem>>, vector<16xi32>,
    %bitcast3A_228 = vector.bitcast %get3A_227 : vector<16xi32> to vector<32xbf16>
    %get3A_229 = arith.constant 0 : i32
    %get3A_230 = arith.index_cast %get3A_229 : i32 to index
    %get3A_231 = arith.constant 112 : index
    %get3A_232 = tpu.vector_load %arg10[%get3A_230, %get3A_231] {strides = array<i32>} : memref<104x128xi32, #tpu.memory_space<vmem>>, vector<16xi32>,
    %bitcast3A_233 = vector.bitcast %get3A_232 : vector<16xi32> to vector<32xbf16>
    %unpack3A_234 = tpu.unpack_subelements %bitcast3A_228, 0 {pack_format = #tpu.pack_format<interleaved>} : vector<32xbf16> -> vector<16xf32>
    %unpack3A_235 = tpu.unpack_subelements %bitcast3A_228, 1 {pack_format = #tpu.pack_format<interleaved>} : vector<32xbf16> -> vector<16xf32>
    %unpack3A_236 = tpu.unpack_subelements %bitcast3A_233, 0 {pack_format = #tpu.pack_format<interleaved>} : vector<32xbf16> -> vector<16xf32>
    %unpack3A_237 = tpu.unpack_subelements %bitcast3A_233, 1 {pack_format = #tpu.pack_format<interleaved>} : vector<32xbf16> -> vector<16xf32>
    %add3A_238 = arith.addf %unpack3A_234, %unpack3A_236 : vector<16xf32>
    %swap3A_239 = arith.constant 0 : i32
    %swap3A_240 = arith.index_cast %swap3A_239 : i32 to index
    %swap3A_241 = arith.constant 224 : index
    %swap3A_242 = tpu.vector_load %arg12[%swap3A_240, %swap3A_241] {strides = array<i32>} : memref<104x256xf32, #tpu.memory_space<vmem>>, vector<16xf32>,
    tpu.vector_store %arg12[%swap3A_240, %swap3A_241], %add3A_238 {strides = array<i32>} : memref<104x256xf32, #tpu.memory_space<vmem>>, vector<16xf32>,
    %add3A_243 = arith.addf %unpack3A_235, %unpack3A_237 : vector<16xf32>
    %swap3A_244 = arith.constant 0 : i32
    %swap3A_245 = arith.index_cast %swap3A_244 : i32 to index
    %swap3A_246 = arith.constant 240 : index
    %swap3A_247 = tpu.vector_load %arg12[%swap3A_245, %swap3A_246] {strides = array<i32>} : memref<104x256xf32, #tpu.memory_space<vmem>>, vector<16xf32>,
    tpu.vector_store %arg12[%swap3A_245, %swap3A_246], %add3A_243 {strides = array<i32>} : memref<104x256xf32, #tpu.memory_space<vmem>>, vector<16xf32>,
    %get3A_248 = arith.constant 1 : i32
    %get3A_249 = arith.index_cast %get3A_248 : i32 to index
    %get3A_250 = arith.constant 0 : index
    %get3A_251 = tpu.vector_load %arg8[%get3A_249, %get3A_250] {strides = array<i32>} : memref<104x128xi32, #tpu.memory_space<vmem>>, vector<16xi32>,
    %bitcast3A_252 = vector.bitcast %get3A_251 : vector<16xi32> to vector<32xbf16>
    %get3A_253 = arith.constant 1 : i32
    %get3A_254 = arith.index_cast %get3A_253 : i32 to index
    %get3A_255 = arith.constant 0 : index
    %get3A_256 = tpu.vector_load %arg10[%get3A_254, %get3A_255] {strides = array<i32>} : memref<104x128xi32, #tpu.memory_space<vmem>>, vector<16xi32>,
    %bitcast3A_257 = vector.bitcast %get3A_256 : vector<16xi32> to vector<32xbf16>
    %unpack3A_258 = tpu.unpack_subelements %bitcast3A_252, 0 {pack_format = #tpu.pack_format<interleaved>} : vector<32xbf16> -> vector<16xf32>
    %unpack3A_259 = tpu.unpack_subelements %bitcast3A_252, 1 {pack_format = #tpu.pack_format<interleaved>} : vector<32xbf16> -> vector<16xf32>
    %unpack3A_260 = tpu.unpack_subelements %bitcast3A_257, 0 {pack_format = #tpu.pack_format<interleaved>} : vector<32xbf16> -> vector<16xf32>
    %unpack3A_261 = tpu.unpack_subelements %bitcast3A_257, 1 {pack_format = #tpu.pack_format<interleaved>} : vector<32xbf16> -> vector<16xf32>
    %add3A_262 = arith.addf %unpack3A_258, %unpack3A_260 : vector<16xf32>
    %swap3A_263 = arith.constant 1 : i32
    %swap3A_264 = arith.index_cast %swap3A_263 : i32 to index
    %swap3A_265 = arith.constant 0 : index
    %swap3A_266 = tpu.vector_load %arg12[%swap3A_264, %swap3A_265] {strides = array<i32>} : memref<104x256xf32, #tpu.memory_space<vmem>>, vector<16xf32>,
    tpu.vector_store %arg12[%swap3A_264, %swap3A_265], %add3A_262 {strides = array<i32>} : memref<104x256xf32, #tpu.memory_space<vmem>>, vector<16xf32>,
    %add3A_267 = arith.addf %unpack3A_259, %unpack3A_261 : vector<16xf32>
    %swap3A_268 = arith.constant 1 : i32
    %swap3A_269 = arith.index_cast %swap3A_268 : i32 to index
    %swap3A_270 = arith.constant 16 : index
    %swap3A_271 = tpu.vector_load %arg12[%swap3A_269, %swap3A_270] {strides = array<i32>} : memref<104x256xf32, #tpu.memory_space<vmem>>, vector<16xf32>,
    tpu.vector_store %arg12[%swap3A_269, %swap3A_270], %add3A_267 {strides = array<i32>} : memref<104x256xf32, #tpu.memory_space<vmem>>, vector<16xf32>,
    %get3A_272 = arith.constant 1 : i32
    %get3A_273 = arith.index_cast %get3A_272 : i32 to index
    %get3A_274 = arith.constant 16 : index
    %get3A_275 = tpu.vector_load %arg8[%get3A_273, %get3A_274] {strides = array<i32>} : memref<104x128xi32, #tpu.memory_space<vmem>>, vector<16xi32>,
    %bitcast3A_276 = vector.bitcast %get3A_275 : vector<16xi32> to vector<32xbf16>
    %get3A_277 = arith.constant 1 : i32
    %get3A_278 = arith.index_cast %get3A_277 : i32 to index
    %get3A_279 = arith.constant 16 : index
    %get3A_280 = tpu.vector_load %arg10[%get3A_278, %get3A_279] {strides = array<i32>} : memref<104x128xi32, #tpu.memory_space<vmem>>, vector<16xi32>,
    %bitcast3A_281 = vector.bitcast %get3A_280 : vector<16xi32> to vector<32xbf16>
    %unpack3A_282 = tpu.unpack_subelements %bitcast3A_276, 0 {pack_format = #tpu.pack_format<interleaved>} : vector<32xbf16> -> vector<16xf32>
    %unpack3A_283 = tpu.unpack_subelements %bitcast3A_276, 1 {pack_format = #tpu.pack_format<interleaved>} : vector<32xbf16> -> vector<16xf32>
    %unpack3A_284 = tpu.unpack_subelements %bitcast3A_281, 0 {pack_format = #tpu.pack_format<interleaved>} : vector<32xbf16> -> vector<16xf32>
    %unpack3A_285 = tpu.unpack_subelements %bitcast3A_281, 1 {pack_format = #tpu.pack_format<interleaved>} : vector<32xbf16> -> vector<16xf32>
    %add3A_286 = arith.addf %unpack3A_282, %unpack3A_284 : vector<16xf32>
    %swap3A_287 = arith.constant 1 : i32
    %swap3A_288 = arith.index_cast %swap3A_287 : i32 to index
    %swap3A_289 = arith.constant 32 : index
    %swap3A_290 = tpu.vector_load %arg12[%swap3A_288, %swap3A_289] {strides = array<i32>} : memref<104x256xf32, #tpu.memory_space<vmem>>, vector<16xf32>,
    tpu.vector_store %arg12[%swap3A_288, %swap3A_289], %add3A_286 {strides = array<i32>} : memref<104x256xf32, #tpu.memory_space<vmem>>, vector<16xf32>,
    %add3A_291 = arith.addf %unpack3A_283, %unpack3A_285 : vector<16xf32>
    %swap3A_292 = arith.constant 1 : i32
    %swap3A_293 = arith.index_cast %swap3A_292 : i32 to index
    %swap3A_294 = arith.constant 48 : index
    %swap3A_295 = tpu.vector_load %arg12[%swap3A_293, %swap3A_294] {strides = array<i32>} : memref<104x256xf32, #tpu.memory_space<vmem>>, vector<16xf32>,
    tpu.vector_store %arg12[%swap3A_293, %swap3A_294], %add3A_291 {strides = array<i32>} : memref<104x256xf32, #tpu.memory_space<vmem>>, vector<16xf32>,
    %get3A_296 = arith.constant 1 : i32
    %get3A_297 = arith.index_cast %get3A_296 : i32 to index
    %get3A_298 = arith.constant 32 : index
    %get3A_299 = tpu.vector_load %arg8[%get3A_297, %get3A_298] {strides = array<i32>} : memref<104x128xi32, #tpu.memory_space<vmem>>, vector<16xi32>,
    %bitcast3A_300 = vector.bitcast %get3A_299 : vector<16xi32> to vector<32xbf16>
    %get3A_301 = arith.constant 1 : i32
    %get3A_302 = arith.index_cast %get3A_301 : i32 to index
    %get3A_303 = arith.constant 32 : index
    %get3A_304 = tpu.vector_load %arg10[%get3A_302, %get3A_303] {strides = array<i32>} : memref<104x128xi32, #tpu.memory_space<vmem>>, vector<16xi32>,
    %bitcast3A_305 = vector.bitcast %get3A_304 : vector<16xi32> to vector<32xbf16>
    %unpack3A_306 = tpu.unpack_subelements %bitcast3A_300, 0 {pack_format = #tpu.pack_format<interleaved>} : vector<32xbf16> -> vector<16xf32>
    %unpack3A_307 = tpu.unpack_subelements %bitcast3A_300, 1 {pack_format = #tpu.pack_format<interleaved>} : vector<32xbf16> -> vector<16xf32>
    %unpack3A_308 = tpu.unpack_subelements %bitcast3A_305, 0 {pack_format = #tpu.pack_format<interleaved>} : vector<32xbf16> -> vector<16xf32>
    %unpack3A_309 = tpu.unpack_subelements %bitcast3A_305, 1 {pack_format = #tpu.pack_format<interleaved>} : vector<32xbf16> -> vector<16xf32>
    %add3A_310 = arith.addf %unpack3A_306, %unpack3A_308 : vector<16xf32>
    %swap3A_311 = arith.constant 1 : i32
    %swap3A_312 = arith.index_cast %swap3A_311 : i32 to index
    %swap3A_313 = arith.constant 64 : index
    %swap3A_314 = tpu.vector_load %arg12[%swap3A_312, %swap3A_313] {strides = array<i32>} : memref<104x256xf32, #tpu.memory_space<vmem>>, vector<16xf32>,
    tpu.vector_store %arg12[%swap3A_312, %swap3A_313], %add3A_310 {strides = array<i32>} : memref<104x256xf32, #tpu.memory_space<vmem>>, vector<16xf32>,
    %add3A_315 = arith.addf %unpack3A_307, %unpack3A_309 : vector<16xf32>
    %swap3A_316 = arith.constant 1 : i32
    %swap3A_317 = arith.index_cast %swap3A_316 : i32 to index
    %swap3A_318 = arith.constant 80 : index
    %swap3A_319 = tpu.vector_load %arg12[%swap3A_317, %swap3A_318] {strides = array<i32>} : memref<104x256xf32, #tpu.memory_space<vmem>>, vector<16xf32>,
    tpu.vector_store %arg12[%swap3A_317, %swap3A_318], %add3A_315 {strides = array<i32>} : memref<104x256xf32, #tpu.memory_space<vmem>>, vector<16xf32>,
    %get3A_320 = arith.constant 1 : i32
    %get3A_321 = arith.index_cast %get3A_320 : i32 to index
    %get3A_322 = arith.constant 48 : index
    %get3A_323 = tpu.vector_load %arg8[%get3A_321, %get3A_322] {strides = array<i32>} : memref<104x128xi32, #tpu.memory_space<vmem>>, vector<16xi32>,
    %bitcast3A_324 = vector.bitcast %get3A_323 : vector<16xi32> to vector<32xbf16>
    %get3A_325 = arith.constant 1 : i32
    %get3A_326 = arith.index_cast %get3A_325 : i32 to index
    %get3A_327 = arith.constant 48 : index
    %get3A_328 = tpu.vector_load %arg10[%get3A_326, %get3A_327] {strides = array<i32>} : memref<104x128xi32, #tpu.memory_space<vmem>>, vector<16xi32>,
    %bitcast3A_329 = vector.bitcast %get3A_328 : vector<16xi32> to vector<32xbf16>
    %unpack3A_330 = tpu.unpack_subelements %bitcast3A_324, 0 {pack_format = #tpu.pack_format<interleaved>} : vector<32xbf16> -> vector<16xf32>
    %unpack3A_331 = tpu.unpack_subelements %bitcast3A_324, 1 {pack_format = #tpu.pack_format<interleaved>} : vector<32xbf16> -> vector<16xf32>
    %unpack3A_332 = tpu.unpack_subelements %bitcast3A_329, 0 {pack_format = #tpu.pack_format<interleaved>} : vector<32xbf16> -> vector<16xf32>
    %unpack3A_333 = tpu.unpack_subelements %bitcast3A_329, 1 {pack_format = #tpu.pack_format<interleaved>} : vector<32xbf16> -> vector<16xf32>
    %add3A_334 = arith.addf %unpack3A_330, %unpack3A_332 : vector<16xf32>
    %swap3A_335 = arith.constant 1 : i32
    %swap3A_336 = arith.index_cast %swap3A_335 : i32 to index
    %swap3A_337 = arith.constant 96 : index
    %swap3A_338 = tpu.vector_load %arg12[%swap3A_336, %swap3A_337] {strides = array<i32>} : memref<104x256xf32, #tpu.memory_space<vmem>>, vector<16xf32>,
    tpu.vector_store %arg12[%swap3A_336, %swap3A_337], %add3A_334 {strides = array<i32>} : memref<104x256xf32, #tpu.memory_space<vmem>>, vector<16xf32>,
    %add3A_339 = arith.addf %unpack3A_331, %unpack3A_333 : vector<16xf32>
    %swap3A_340 = arith.constant 1 : i32
    %swap3A_341 = arith.index_cast %swap3A_340 : i32 to index
    %swap3A_342 = arith.constant 112 : index
    %swap3A_343 = tpu.vector_load %arg12[%swap3A_341, %swap3A_342] {strides = array<i32>} : memref<104x256xf32, #tpu.memory_space<vmem>>, vector<16xf32>,
    tpu.vector_store %arg12[%swap3A_341, %swap3A_342], %add3A_339 {strides = array<i32>} : memref<104x256xf32, #tpu.memory_space<vmem>>, vector<16xf32>,
    %get3A_344 = arith.constant 1 : i32
    %get3A_345 = arith.index_cast %get3A_344 : i32 to index
    %get3A_346 = arith.constant 64 : index
    %get3A_347 = tpu.vector_load %arg8[%get3A_345, %get3A_346] {strides = array<i32>} : memref<104x128xi32, #tpu.memory_space<vmem>>, vector<16xi32>,
    %bitcast3A_348 = vector.bitcast %get3A_347 : vector<16xi32> to vector<32xbf16>
    %get3A_349 = arith.constant 1 : i32
    %get3A_350 = arith.index_cast %get3A_349 : i32 to index
    %get3A_351 = arith.constant 64 : index
    %get3A_352 = tpu.vector_load %arg10[%get3A_350, %get3A_351] {strides = array<i32>} : memref<104x128xi32, #tpu.memory_space<vmem>>, vector<16xi32>,
    %bitcast3A_353 = vector.bitcast %get3A_352 : vector<16xi32> to vector<32xbf16>
    %unpack3A_354 = tpu.unpack_subelements %bitcast3A_348, 0 {pack_format = #tpu.pack_format<interleaved>} : vector<32xbf16> -> vector<16xf32>
    %unpack3A_355 = tpu.unpack_subelements %bitcast3A_348, 1 {pack_format = #tpu.pack_format<interleaved>} : vector<32xbf16> -> vector<16xf32>
    %unpack3A_356 = tpu.unpack_subelements %bitcast3A_353, 0 {pack_format = #tpu.pack_format<interleaved>} : vector<32xbf16> -> vector<16xf32>
    %unpack3A_357 = tpu.unpack_subelements %bitcast3A_353, 1 {pack_format = #tpu.pack_format<interleaved>} : vector<32xbf16> -> vector<16xf32>
    %add3A_358 = arith.addf %unpack3A_354, %unpack3A_356 : vector<16xf32>
    %swap3A_359 = arith.constant 1 : i32
    %swap3A_360 = arith.index_cast %swap3A_359 : i32 to index
    %swap3A_361 = arith.constant 128 : index
    %swap3A_362 = tpu.vector_load %arg12[%swap3A_360, %swap3A_361] {strides = array<i32>} : memref<104x256xf32, #tpu.memory_space<vmem>>, vector<16xf32>,
    tpu.vector_store %arg12[%swap3A_360, %swap3A_361], %add3A_358 {strides = array<i32>} : memref<104x256xf32, #tpu.memory_space<vmem>>, vector<16xf32>,
    %add3A_363 = arith.addf %unpack3A_355, %unpack3A_357 : vector<16xf32>
    %swap3A_364 = arith.constant 1 : i32
    %swap3A_365 = arith.index_cast %swap3A_364 : i32 to index
    %swap3A_366 = arith.constant 144 : index
    %swap3A_367 = tpu.vector_load %arg12[%swap3A_365, %swap3A_366] {strides = array<i32>} : memref<104x256xf32, #tpu.memory_space<vmem>>, vector<16xf32>,
    tpu.vector_store %arg12[%swap3A_365, %swap3A_366], %add3A_363 {strides = array<i32>} : memref<104x256xf32, #tpu.memory_space<vmem>>, vector<16xf32>,
    %get3A_368 = arith.constant 1 : i32
    %get3A_369 = arith.index_cast %get3A_368 : i32 to index
    %get3A_370 = arith.constant 80 : index
    %get3A_371 = tpu.vector_load %arg8[%get3A_369, %get3A_370] {strides = array<i32>} : memref<104x128xi32, #tpu.memory_space<vmem>>, vector<16xi32>,
    %bitcast3A_372 = vector.bitcast %get3A_371 : vector<16xi32> to vector<32xbf16>
    %get3A_373 = arith.constant 1 : i32
    %get3A_374 = arith.index_cast %get3A_373 : i32 to index
    %get3A_375 = arith.constant 80 : index
    %get3A_376 = tpu.vector_load %arg10[%get3A_374, %get3A_375] {strides = array<i32>} : memref<104x128xi32, #tpu.memory_space<vmem>>, vector<16xi32>,
    %bitcast3A_377 = vector.bitcast %get3A_376 : vector<16xi32> to vector<32xbf16>
    %unpack3A_378 = tpu.unpack_subelements %bitcast3A_372, 0 {pack_format = #tpu.pack_format<interleaved>} : vector<32xbf16> -> vector<16xf32>
    %unpack3A_379 = tpu.unpack_subelements %bitcast3A_372, 1 {pack_format = #tpu.pack_format<interleaved>} : vector<32xbf16> -> vector<16xf32>
    %unpack3A_380 = tpu.unpack_subelements %bitcast3A_377, 0 {pack_format = #tpu.pack_format<interleaved>} : vector<32xbf16> -> vector<16xf32>
    %unpack3A_381 = tpu.unpack_subelements %bitcast3A_377, 1 {pack_format = #tpu.pack_format<interleaved>} : vector<32xbf16> -> vector<16xf32>
    %add3A_382 = arith.addf %unpack3A_378, %unpack3A_380 : vector<16xf32>
    %swap3A_383 = arith.constant 1 : i32
    %swap3A_384 = arith.index_cast %swap3A_383 : i32 to index
    %swap3A_385 = arith.constant 160 : index
    %swap3A_386 = tpu.vector_load %arg12[%swap3A_384, %swap3A_385] {strides = array<i32>} : memref<104x256xf32, #tpu.memory_space<vmem>>, vector<16xf32>,
    tpu.vector_store %arg12[%swap3A_384, %swap3A_385], %add3A_382 {strides = array<i32>} : memref<104x256xf32, #tpu.memory_space<vmem>>, vector<16xf32>,
    %add3A_387 = arith.addf %unpack3A_379, %unpack3A_381 : vector<16xf32>
    %swap3A_388 = arith.constant 1 : i32
    %swap3A_389 = arith.index_cast %swap3A_388 : i32 to index
    %swap3A_390 = arith.constant 176 : index
    %swap3A_391 = tpu.vector_load %arg12[%swap3A_389, %swap3A_390] {strides = array<i32>} : memref<104x256xf32, #tpu.memory_space<vmem>>, vector<16xf32>,
    tpu.vector_store %arg12[%swap3A_389, %swap3A_390], %add3A_387 {strides = array<i32>} : memref<104x256xf32, #tpu.memory_space<vmem>>, vector<16xf32>,
    %get3A_392 = arith.constant 1 : i32
    %get3A_393 = arith.index_cast %get3A_392 : i32 to index
    %get3A_394 = arith.constant 96 : index
    %get3A_395 = tpu.vector_load %arg8[%get3A_393, %get3A_394] {strides = array<i32>} : memref<104x128xi32, #tpu.memory_space<vmem>>, vector<16xi32>,
    %bitcast3A_396 = vector.bitcast %get3A_395 : vector<16xi32> to vector<32xbf16>
    %get3A_397 = arith.constant 1 : i32
    %get3A_398 = arith.index_cast %get3A_397 : i32 to index
    %get3A_399 = arith.constant 96 : index
    %get3A_400 = tpu.vector_load %arg10[%get3A_398, %get3A_399] {strides = array<i32>} : memref<104x128xi32, #tpu.memory_space<vmem>>, vector<16xi32>,
    %bitcast3A_401 = vector.bitcast %get3A_400 : vector<16xi32> to vector<32xbf16>
    %unpack3A_402 = tpu.unpack_subelements %bitcast3A_396, 0 {pack_format = #tpu.pack_format<interleaved>} : vector<32xbf16> -> vector<16xf32>
    %unpack3A_403 = tpu.unpack_subelements %bitcast3A_396, 1 {pack_format = #tpu.pack_format<interleaved>} : vector<32xbf16> -> vector<16xf32>
    %unpack3A_404 = tpu.unpack_subelements %bitcast3A_401, 0 {pack_format = #tpu.pack_format<interleaved>} : vector<32xbf16> -> vector<16xf32>
    %unpack3A_405 = tpu.unpack_subelements %bitcast3A_401, 1 {pack_format = #tpu.pack_format<interleaved>} : vector<32xbf16> -> vector<16xf32>
    %add3A_406 = arith.addf %unpack3A_402, %unpack3A_404 : vector<16xf32>
    %swap3A_407 = arith.constant 1 : i32
    %swap3A_408 = arith.index_cast %swap3A_407 : i32 to index
    %swap3A_409 = arith.constant 192 : index
    %swap3A_410 = tpu.vector_load %arg12[%swap3A_408, %swap3A_409] {strides = array<i32>} : memref<104x256xf32, #tpu.memory_space<vmem>>, vector<16xf32>,
    tpu.vector_store %arg12[%swap3A_408, %swap3A_409], %add3A_406 {strides = array<i32>} : memref<104x256xf32, #tpu.memory_space<vmem>>, vector<16xf32>,
    %add3A_411 = arith.addf %unpack3A_403, %unpack3A_405 : vector<16xf32>
    %swap3A_412 = arith.constant 1 : i32
    %swap3A_413 = arith.index_cast %swap3A_412 : i32 to index
    %swap3A_414 = arith.constant 208 : index
    %swap3A_415 = tpu.vector_load %arg12[%swap3A_413, %swap3A_414] {strides = array<i32>} : memref<104x256xf32, #tpu.memory_space<vmem>>, vector<16xf32>,
    tpu.vector_store %arg12[%swap3A_413, %swap3A_414], %add3A_411 {strides = array<i32>} : memref<104x256xf32, #tpu.memory_space<vmem>>, vector<16xf32>,
    %get3A_416 = arith.constant 1 : i32
    %get3A_417 = arith.index_cast %get3A_416 : i32 to index
    %get3A_418 = arith.constant 112 : index
    %get3A_419 = tpu.vector_load %arg8[%get3A_417, %get3A_418] {strides = array<i32>} : memref<104x128xi32, #tpu.memory_space<vmem>>, vector<16xi32>,
    %bitcast3A_420 = vector.bitcast %get3A_419 : vector<16xi32> to vector<32xbf16>
    %get3A_421 = arith.constant 1 : i32
    %get3A_422 = arith.index_cast %get3A_421 : i32 to index
    %get3A_423 = arith.constant 112 : index
    %get3A_424 = tpu.vector_load %arg10[%get3A_422, %get3A_423] {strides = array<i32>} : memref<104x128xi32, #tpu.memory_space<vmem>>, vector<16xi32>,
    %bitcast3A_425 = vector.bitcast %get3A_424 : vector<16xi32> to vector<32xbf16>
    %unpack3A_426 = tpu.unpack_subelements %bitcast3A_420, 0 {pack_format = #tpu.pack_format<interleaved>} : vector<32xbf16> -> vector<16xf32>
    %unpack3A_427 = tpu.unpack_subelements %bitcast3A_420, 1 {pack_format = #tpu.pack_format<interleaved>} : vector<32xbf16> -> vector<16xf32>
    %unpack3A_428 = tpu.unpack_subelements %bitcast3A_425, 0 {pack_format = #tpu.pack_format<interleaved>} : vector<32xbf16> -> vector<16xf32>
    %unpack3A_429 = tpu.unpack_subelements %bitcast3A_425, 1 {pack_format = #tpu.pack_format<interleaved>} : vector<32xbf16> -> vector<16xf32>
    %add3A_430 = arith.addf %unpack3A_426, %unpack3A_428 : vector<16xf32>
    %swap3A_431 = arith.constant 1 : i32
    %swap3A_432 = arith.index_cast %swap3A_431 : i32 to index
    %swap3A_433 = arith.constant 224 : index
    %swap3A_434 = tpu.vector_load %arg12[%swap3A_432, %swap3A_433] {strides = array<i32>} : memref<104x256xf32, #tpu.memory_space<vmem>>, vector<16xf32>,
    tpu.vector_store %arg12[%swap3A_432, %swap3A_433], %add3A_430 {strides = array<i32>} : memref<104x256xf32, #tpu.memory_space<vmem>>, vector<16xf32>,
    %add3A_435 = arith.addf %unpack3A_427, %unpack3A_429 : vector<16xf32>
    %swap3A_436 = arith.constant 1 : i32
    %swap3A_437 = arith.index_cast %swap3A_436 : i32 to index
    %swap3A_438 = arith.constant 240 : index
    %swap3A_439 = tpu.vector_load %arg12[%swap3A_437, %swap3A_438] {strides = array<i32>} : memref<104x256xf32, #tpu.memory_space<vmem>>, vector<16xf32>,
    tpu.vector_store %arg12[%swap3A_437, %swap3A_438], %add3A_435 {strides = array<i32>} : memref<104x256xf32, #tpu.memory_space<vmem>>, vector<16xf32>,
    %get3A_440 = arith.constant 2 : i32
    %get3A_441 = arith.index_cast %get3A_440 : i32 to index
    %get3A_442 = arith.constant 0 : index
    %get3A_443 = tpu.vector_load %arg8[%get3A_441, %get3A_442] {strides = array<i32>} : memref<104x128xi32, #tpu.memory_space<vmem>>, vector<16xi32>,
    %bitcast3A_444 = vector.bitcast %get3A_443 : vector<16xi32> to vector<32xbf16>
    %get3A_445 = arith.constant 2 : i32
    %get3A_446 = arith.index_cast %get3A_445 : i32 to index
    %get3A_447 = arith.constant 0 : index
    %get3A_448 = tpu.vector_load %arg10[%get3A_446, %get3A_447] {strides = array<i32>} : memref<104x128xi32, #tpu.memory_space<vmem>>, vector<16xi32>,
    %bitcast3A_449 = vector.bitcast %get3A_448 : vector<16xi32> to vector<32xbf16>
    %unpack3A_450 = tpu.unpack_subelements %bitcast3A_444, 0 {pack_format = #tpu.pack_format<interleaved>} : vector<32xbf16> -> vector<16xf32>
    %unpack3A_451 = tpu.unpack_subelements %bitcast3A_444, 1 {pack_format = #tpu.pack_format<interleaved>} : vector<32xbf16> -> vector<16xf32>
    %unpack3A_452 = tpu.unpack_subelements %bitcast3A_449, 0 {pack_format = #tpu.pack_format<interleaved>} : vector<32xbf16> -> vector<16xf32>
    %unpack3A_453 = tpu.unpack_subelements %bitcast3A_449, 1 {pack_format = #tpu.pack_format<interleaved>} : vector<32xbf16> -> vector<16xf32>
    %add3A_454 = arith.addf %unpack3A_450, %unpack3A_452 : vector<16xf32>
    %swap3A_455 = arith.constant 2 : i32
    %swap3A_456 = arith.index_cast %swap3A_455 : i32 to index
    %swap3A_457 = arith.constant 0 : index
    %swap3A_458 = tpu.vector_load %arg12[%swap3A_456, %swap3A_457] {strides = array<i32>} : memref<104x256xf32, #tpu.memory_space<vmem>>, vector<16xf32>,
    tpu.vector_store %arg12[%swap3A_456, %swap3A_457], %add3A_454 {strides = array<i32>} : memref<104x256xf32, #tpu.memory_space<vmem>>, vector<16xf32>,
    %add3A_459 = arith.addf %unpack3A_451, %unpack3A_453 : vector<16xf32>
    %swap3A_460 = arith.constant 2 : i32
    %swap3A_461 = arith.index_cast %swap3A_460 : i32 to index
    %swap3A_462 = arith.constant 16 : index
    %swap3A_463 = tpu.vector_load %arg12[%swap3A_461, %swap3A_462] {strides = array<i32>} : memref<104x256xf32, #tpu.memory_space<vmem>>, vector<16xf32>,
    tpu.vector_store %arg12[%swap3A_461, %swap3A_462], %add3A_459 {strides = array<i32>} : memref<104x256xf32, #tpu.memory_space<vmem>>, vector<16xf32>,
    %get3A_464 = arith.constant 2 : i32
    %get3A_465 = arith.index_cast %get3A_464 : i32 to index
    %get3A_466 = arith.constant 16 : index
    %get3A_467 = tpu.vector_load %arg8[%get3A_465, %get3A_466] {strides = array<i32>} : memref<104x128xi32, #tpu.memory_space<vmem>>, vector<16xi32>,
    %bitcast3A_468 = vector.bitcast %get3A_467 : vector<16xi32> to vector<32xbf16>
    %get3A_469 = arith.constant 2 : i32
    %get3A_470 = arith.index_cast %get3A_469 : i32 to index
    %get3A_471 = arith.constant 16 : index
    %get3A_472 = tpu.vector_load %arg10[%get3A_470, %get3A_471] {strides = array<i32>} : memref<104x128xi32, #tpu.memory_space<vmem>>, vector<16xi32>,
    %bitcast3A_473 = vector.bitcast %get3A_472 : vector<16xi32> to vector<32xbf16>
    %unpack3A_474 = tpu.unpack_subelements %bitcast3A_468, 0 {pack_format = #tpu.pack_format<interleaved>} : vector<32xbf16> -> vector<16xf32>
    %unpack3A_475 = tpu.unpack_subelements %bitcast3A_468, 1 {pack_format = #tpu.pack_format<interleaved>} : vector<32xbf16> -> vector<16xf32>
    %unpack3A_476 = tpu.unpack_subelements %bitcast3A_473, 0 {pack_format = #tpu.pack_format<interleaved>} : vector<32xbf16> -> vector<16xf32>
    %unpack3A_477 = tpu.unpack_subelements %bitcast3A_473, 1 {pack_format = #tpu.pack_format<interleaved>} : vector<32xbf16> -> vector<16xf32>
    %add3A_478 = arith.addf %unpack3A_474, %unpack3A_476 : vector<16xf32>
    %swap3A_479 = arith.constant 2 : i32
    %swap3A_480 = arith.index_cast %swap3A_479 : i32 to index
    %swap3A_481 = arith.constant 32 : index
    %swap3A_482 = tpu.vector_load %arg12[%swap3A_480, %swap3A_481] {strides = array<i32>} : memref<104x256xf32, #tpu.memory_space<vmem>>, vector<16xf32>,
    tpu.vector_store %arg12[%swap3A_480, %swap3A_481], %add3A_478 {strides = array<i32>} : memref<104x256xf32, #tpu.memory_space<vmem>>, vector<16xf32>,
    %add3A_483 = arith.addf %unpack3A_475, %unpack3A_477 : vector<16xf32>
    %swap3A_484 = arith.constant 2 : i32
    %swap3A_485 = arith.index_cast %swap3A_484 : i32 to index
    %swap3A_486 = arith.constant 48 : index
    %swap3A_487 = tpu.vector_load %arg12[%swap3A_485, %swap3A_486] {strides = array<i32>} : memref<104x256xf32, #tpu.memory_space<vmem>>, vector<16xf32>,
    tpu.vector_store %arg12[%swap3A_485, %swap3A_486], %add3A_483 {strides = array<i32>} : memref<104x256xf32, #tpu.memory_space<vmem>>, vector<16xf32>,
    %get3A_488 = arith.constant 2 : i32
    %get3A_489 = arith.index_cast %get3A_488 : i32 to index
    %get3A_490 = arith.constant 32 : index
    %get3A_491 = tpu.vector_load %arg8[%get3A_489, %get3A_490] {strides = array<i32>} : memref<104x128xi32, #tpu.memory_space<vmem>>, vector<16xi32>,
    %bitcast3A_492 = vector.bitcast %get3A_491 : vector<16xi32> to vector<32xbf16>
    %get3A_493 = arith.constant 2 : i32
    %get3A_494 = arith.index_cast %get3A_493 : i32 to index
    %get3A_495 = arith.constant 32 : index
    %get3A_496 = tpu.vector_load %arg10[%get3A_494, %get3A_495] {strides = array<i32>} : memref<104x128xi32, #tpu.memory_space<vmem>>, vector<16xi32>,
    %bitcast3A_497 = vector.bitcast %get3A_496 : vector<16xi32> to vector<32xbf16>
    %unpack3A_498 = tpu.unpack_subelements %bitcast3A_492, 0 {pack_format = #tpu.pack_format<interleaved>} : vector<32xbf16> -> vector<16xf32>
    %unpack3A_499 = tpu.unpack_subelements %bitcast3A_492, 1 {pack_format = #tpu.pack_format<interleaved>} : vector<32xbf16> -> vector<16xf32>
    %unpack3A_500 = tpu.unpack_subelements %bitcast3A_497, 0 {pack_format = #tpu.pack_format<interleaved>} : vector<32xbf16> -> vector<16xf32>
    %unpack3A_501 = tpu.unpack_subelements %bitcast3A_497, 1 {pack_format = #tpu.pack_format<interleaved>} : vector<32xbf16> -> vector<16xf32>
    %add3A_502 = arith.addf %unpack3A_498, %unpack3A_500 : vector<16xf32>
    %swap3A_503 = arith.constant 2 : i32
    %swap3A_504 = arith.index_cast %swap3A_503 : i32 to index
    %swap3A_505 = arith.constant 64 : index
    %swap3A_506 = tpu.vector_load %arg12[%swap3A_504, %swap3A_505] {strides = array<i32>} : memref<104x256xf32, #tpu.memory_space<vmem>>, vector<16xf32>,
    tpu.vector_store %arg12[%swap3A_504, %swap3A_505], %add3A_502 {strides = array<i32>} : memref<104x256xf32, #tpu.memory_space<vmem>>, vector<16xf32>,
    %add3A_507 = arith.addf %unpack3A_499, %unpack3A_501 : vector<16xf32>
    %swap3A_508 = arith.constant 2 : i32
    %swap3A_509 = arith.index_cast %swap3A_508 : i32 to index
    %swap3A_510 = arith.constant 80 : index
    %swap3A_511 = tpu.vector_load %arg12[%swap3A_509, %swap3A_510] {strides = array<i32>} : memref<104x256xf32, #tpu.memory_space<vmem>>, vector<16xf32>,
    tpu.vector_store %arg12[%swap3A_509, %swap3A_510], %add3A_507 {strides = array<i32>} : memref<104x256xf32, #tpu.memory_space<vmem>>, vector<16xf32>,
    %get3A_512 = arith.constant 2 : i32
    %get3A_513 = arith.index_cast %get3A_512 : i32 to index
    %get3A_514 = arith.constant 48 : index
    %get3A_515 = tpu.vector_load %arg8[%get3A_513, %get3A_514] {strides = array<i32>} : memref<104x128xi32, #tpu.memory_space<vmem>>, vector<16xi32>,
    %bitcast3A_516 = vector.bitcast %get3A_515 : vector<16xi32> to vector<32xbf16>
    %get3A_517 = arith.constant 2 : i32
    %get3A_518 = arith.index_cast %get3A_517 : i32 to index
    %get3A_519 = arith.constant 48 : index
    %get3A_520 = tpu.vector_load %arg10[%get3A_518, %get3A_519] {strides = array<i32>} : memref<104x128xi32, #tpu.memory_space<vmem>>, vector<16xi32>,
    %bitcast3A_521 = vector.bitcast %get3A_520 : vector<16xi32> to vector<32xbf16>
    %unpack3A_522 = tpu.unpack_subelements %bitcast3A_516, 0 {pack_format = #tpu.pack_format<interleaved>} : vector<32xbf16> -> vector<16xf32>
    %unpack3A_523 = tpu.unpack_subelements %bitcast3A_516, 1 {pack_format = #tpu.pack_format<interleaved>} : vector<32xbf16> -> vector<16xf32>
    %unpack3A_524 = tpu.unpack_subelements %bitcast3A_521, 0 {pack_format = #tpu.pack_format<interleaved>} : vector<32xbf16> -> vector<16xf32>
    %unpack3A_525 = tpu.unpack_subelements %bitcast3A_521, 1 {pack_format = #tpu.pack_format<interleaved>} : vector<32xbf16> -> vector<16xf32>
    %add3A_526 = arith.addf %unpack3A_522, %unpack3A_524 : vector<16xf32>
    %swap3A_527 = arith.constant 2 : i32
    %swap3A_528 = arith.index_cast %swap3A_527 : i32 to index
    %swap3A_529 = arith.constant 96 : index
    %swap3A_530 = tpu.vector_load %arg12[%swap3A_528, %swap3A_529] {strides = array<i32>} : memref<104x256xf32, #tpu.memory_space<vmem>>, vector<16xf32>,
    tpu.vector_store %arg12[%swap3A_528, %swap3A_529], %add3A_526 {strides = array<i32>} : memref<104x256xf32, #tpu.memory_space<vmem>>, vector<16xf32>,
    %add3A_531 = arith.addf %unpack3A_523, %unpack3A_525 : vector<16xf32>
    %swap3A_532 = arith.constant 2 : i32
    %swap3A_533 = arith.index_cast %swap3A_532 : i32 to index
    %swap3A_534 = arith.constant 112 : index
    %swap3A_535 = tpu.vector_load %arg12[%swap3A_533, %swap3A_534] {strides = array<i32>} : memref<104x256xf32, #tpu.memory_space<vmem>>, vector<16xf32>,
    tpu.vector_store %arg12[%swap3A_533, %swap3A_534], %add3A_531 {strides = array<i32>} : memref<104x256xf32, #tpu.memory_space<vmem>>, vector<16xf32>,
    %get3A_536 = arith.constant 2 : i32
    %get3A_537 = arith.index_cast %get3A_536 : i32 to index
    %get3A_538 = arith.constant 64 : index
    %get3A_539 = tpu.vector_load %arg8[%get3A_537, %get3A_538] {strides = array<i32>} : memref<104x128xi32, #tpu.memory_space<vmem>>, vector<16xi32>,
    %bitcast3A_540 = vector.bitcast %get3A_539 : vector<16xi32> to vector<32xbf16>
    %get3A_541 = arith.constant 2 : i32
    %get3A_542 = arith.index_cast %get3A_541 : i32 to index
    %get3A_543 = arith.constant 64 : index
    %get3A_544 = tpu.vector_load %arg10[%get3A_542, %get3A_543] {strides = array<i32>} : memref<104x128xi32, #tpu.memory_space<vmem>>, vector<16xi32>,
    %bitcast3A_545 = vector.bitcast %get3A_544 : vector<16xi32> to vector<32xbf16>
    %unpack3A_546 = tpu.unpack_subelements %bitcast3A_540, 0 {pack_format = #tpu.pack_format<interleaved>} : vector<32xbf16> -> vector<16xf32>
    %unpack3A_547 = tpu.unpack_subelements %bitcast3A_540, 1 {pack_format = #tpu.pack_format<interleaved>} : vector<32xbf16> -> vector<16xf32>
    %unpack3A_548 = tpu.unpack_subelements %bitcast3A_545, 0 {pack_format = #tpu.pack_format<interleaved>} : vector<32xbf16> -> vector<16xf32>
    %unpack3A_549 = tpu.unpack_subelements %bitcast3A_545, 1 {pack_format = #tpu.pack_format<interleaved>} : vector<32xbf16> -> vector<16xf32>
    %add3A_550 = arith.addf %unpack3A_546, %unpack3A_548 : vector<16xf32>
    %swap3A_551 = arith.constant 2 : i32
    %swap3A_552 = arith.index_cast %swap3A_551 : i32 to index
    %swap3A_553 = arith.constant 128 : index
    %swap3A_554 = tpu.vector_load %arg12[%swap3A_552, %swap3A_553] {strides = array<i32>} : memref<104x256xf32, #tpu.memory_space<vmem>>, vector<16xf32>,
    tpu.vector_store %arg12[%swap3A_552, %swap3A_553], %add3A_550 {strides = array<i32>} : memref<104x256xf32, #tpu.memory_space<vmem>>, vector<16xf32>,
    %add3A_555 = arith.addf %unpack3A_547, %unpack3A_549 : vector<16xf32>
    %swap3A_556 = arith.constant 2 : i32
    %swap3A_557 = arith.index_cast %swap3A_556 : i32 to index
    %swap3A_558 = arith.constant 144 : index
    %swap3A_559 = tpu.vector_load %arg12[%swap3A_557, %swap3A_558] {strides = array<i32>} : memref<104x256xf32, #tpu.memory_space<vmem>>, vector<16xf32>,
    tpu.vector_store %arg12[%swap3A_557, %swap3A_558], %add3A_555 {strides = array<i32>} : memref<104x256xf32, #tpu.memory_space<vmem>>, vector<16xf32>,
    %get3A_560 = arith.constant 2 : i32
    %get3A_561 = arith.index_cast %get3A_560 : i32 to index
    %get3A_562 = arith.constant 80 : index
    %get3A_563 = tpu.vector_load %arg8[%get3A_561, %get3A_562] {strides = array<i32>} : memref<104x128xi32, #tpu.memory_space<vmem>>, vector<16xi32>,
    %bitcast3A_564 = vector.bitcast %get3A_563 : vector<16xi32> to vector<32xbf16>
    %get3A_565 = arith.constant 2 : i32
    %get3A_566 = arith.index_cast %get3A_565 : i32 to index
    %get3A_567 = arith.constant 80 : index
    %get3A_568 = tpu.vector_load %arg10[%get3A_566, %get3A_567] {strides = array<i32>} : memref<104x128xi32, #tpu.memory_space<vmem>>, vector<16xi32>,
    %bitcast3A_569 = vector.bitcast %get3A_568 : vector<16xi32> to vector<32xbf16>
    %unpack3A_570 = tpu.unpack_subelements %bitcast3A_564, 0 {pack_format = #tpu.pack_format<interleaved>} : vector<32xbf16> -> vector<16xf32>
    %unpack3A_571 = tpu.unpack_subelements %bitcast3A_564, 1 {pack_format = #tpu.pack_format<interleaved>} : vector<32xbf16> -> vector<16xf32>
    %unpack3A_572 = tpu.unpack_subelements %bitcast3A_569, 0 {pack_format = #tpu.pack_format<interleaved>} : vector<32xbf16> -> vector<16xf32>
    %unpack3A_573 = tpu.unpack_subelements %bitcast3A_569, 1 {pack_format = #tpu.pack_format<interleaved>} : vector<32xbf16> -> vector<16xf32>
    %add3A_574 = arith.addf %unpack3A_570, %unpack3A_572 : vector<16xf32>
    %swap3A_575 = arith.constant 2 : i32
    %swap3A_576 = arith.index_cast %swap3A_575 : i32 to index
    %swap3A_577 = arith.constant 160 : index
    %swap3A_578 = tpu.vector_load %arg12[%swap3A_576, %swap3A_577] {strides = array<i32>} : memref<104x256xf32, #tpu.memory_space<vmem>>, vector<16xf32>,
    tpu.vector_store %arg12[%swap3A_576, %swap3A_577], %add3A_574 {strides = array<i32>} : memref<104x256xf32, #tpu.memory_space<vmem>>, vector<16xf32>,
    %add3A_579 = arith.addf %unpack3A_571, %unpack3A_573 : vector<16xf32>
    %swap3A_580 = arith.constant 2 : i32
    %swap3A_581 = arith.index_cast %swap3A_580 : i32 to index
    %swap3A_582 = arith.constant 176 : index
    %swap3A_583 = tpu.vector_load %arg12[%swap3A_581, %swap3A_582] {strides = array<i32>} : memref<104x256xf32, #tpu.memory_space<vmem>>, vector<16xf32>,
    tpu.vector_store %arg12[%swap3A_581, %swap3A_582], %add3A_579 {strides = array<i32>} : memref<104x256xf32, #tpu.memory_space<vmem>>, vector<16xf32>,
    %get3A_584 = arith.constant 2 : i32
    %get3A_585 = arith.index_cast %get3A_584 : i32 to index
    %get3A_586 = arith.constant 96 : index
    %get3A_587 = tpu.vector_load %arg8[%get3A_585, %get3A_586] {strides = array<i32>} : memref<104x128xi32, #tpu.memory_space<vmem>>, vector<16xi32>,
    %bitcast3A_588 = vector.bitcast %get3A_587 : vector<16xi32> to vector<32xbf16>
    %get3A_589 = arith.constant 2 : i32
    %get3A_590 = arith.index_cast %get3A_589 : i32 to index
    %get3A_591 = arith.constant 96 : index
    %get3A_592 = tpu.vector_load %arg10[%get3A_590, %get3A_591] {strides = array<i32>} : memref<104x128xi32, #tpu.memory_space<vmem>>, vector<16xi32>,
    %bitcast3A_593 = vector.bitcast %get3A_592 : vector<16xi32> to vector<32xbf16>
    %unpack3A_594 = tpu.unpack_subelements %bitcast3A_588, 0 {pack_format = #tpu.pack_format<interleaved>} : vector<32xbf16> -> vector<16xf32>
    %unpack3A_595 = tpu.unpack_subelements %bitcast3A_588, 1 {pack_format = #tpu.pack_format<interleaved>} : vector<32xbf16> -> vector<16xf32>
    %unpack3A_596 = tpu.unpack_subelements %bitcast3A_593, 0 {pack_format = #tpu.pack_format<interleaved>} : vector<32xbf16> -> vector<16xf32>
    %unpack3A_597 = tpu.unpack_subelements %bitcast3A_593, 1 {pack_format = #tpu.pack_format<interleaved>} : vector<32xbf16> -> vector<16xf32>
    %add3A_598 = arith.addf %unpack3A_594, %unpack3A_596 : vector<16xf32>
    %swap3A_599 = arith.constant 2 : i32
    %swap3A_600 = arith.index_cast %swap3A_599 : i32 to index
    %swap3A_601 = arith.constant 192 : index
    %swap3A_602 = tpu.vector_load %arg12[%swap3A_600, %swap3A_601] {strides = array<i32>} : memref<104x256xf32, #tpu.memory_space<vmem>>, vector<16xf32>,
    tpu.vector_store %arg12[%swap3A_600, %swap3A_601], %add3A_598 {strides = array<i32>} : memref<104x256xf32, #tpu.memory_space<vmem>>, vector<16xf32>,
    %add3A_603 = arith.addf %unpack3A_595, %unpack3A_597 : vector<16xf32>
    %swap3A_604 = arith.constant 2 : i32
    %swap3A_605 = arith.index_cast %swap3A_604 : i32 to index
    %swap3A_606 = arith.constant 208 : index
    %swap3A_607 = tpu.vector_load %arg12[%swap3A_605, %swap3A_606] {strides = array<i32>} : memref<104x256xf32, #tpu.memory_space<vmem>>, vector<16xf32>,
    tpu.vector_store %arg12[%swap3A_605, %swap3A_606], %add3A_603 {strides = array<i32>} : memref<104x256xf32, #tpu.memory_space<vmem>>, vector<16xf32>,
    %get3A_608 = arith.constant 2 : i32
    %get3A_609 = arith.index_cast %get3A_608 : i32 to index
    %get3A_610 = arith.constant 112 : index
    %get3A_611 = tpu.vector_load %arg8[%get3A_609, %get3A_610] {strides = array<i32>} : memref<104x128xi32, #tpu.memory_space<vmem>>, vector<16xi32>,
    %bitcast3A_612 = vector.bitcast %get3A_611 : vector<16xi32> to vector<32xbf16>
    %get3A_613 = arith.constant 2 : i32
    %get3A_614 = arith.index_cast %get3A_613 : i32 to index
    %get3A_615 = arith.constant 112 : index
    %get3A_616 = tpu.vector_load %arg10[%get3A_614, %get3A_615] {strides = array<i32>} : memref<104x128xi32, #tpu.memory_space<vmem>>, vector<16xi32>,
    %bitcast3A_617 = vector.bitcast %get3A_616 : vector<16xi32> to vector<32xbf16>
    %unpack3A_618 = tpu.unpack_subelements %bitcast3A_612, 0 {pack_format = #tpu.pack_format<interleaved>} : vector<32xbf16> -> vector<16xf32>
    %unpack3A_619 = tpu.unpack_subelements %bitcast3A_612, 1 {pack_format = #tpu.pack_format<interleaved>} : vector<32xbf16> -> vector<16xf32>
    %unpack3A_620 = tpu.unpack_subelements %bitcast3A_617, 0 {pack_format = #tpu.pack_format<interleaved>} : vector<32xbf16> -> vector<16xf32>
    %unpack3A_621 = tpu.unpack_subelements %bitcast3A_617, 1 {pack_format = #tpu.pack_format<interleaved>} : vector<32xbf16> -> vector<16xf32>
    %add3A_622 = arith.addf %unpack3A_618, %unpack3A_620 : vector<16xf32>
    %swap3A_623 = arith.constant 2 : i32
    %swap3A_624 = arith.index_cast %swap3A_623 : i32 to index
    %swap3A_625 = arith.constant 224 : index
    %swap3A_626 = tpu.vector_load %arg12[%swap3A_624, %swap3A_625] {strides = array<i32>} : memref<104x256xf32, #tpu.memory_space<vmem>>, vector<16xf32>,
    tpu.vector_store %arg12[%swap3A_624, %swap3A_625], %add3A_622 {strides = array<i32>} : memref<104x256xf32, #tpu.memory_space<vmem>>, vector<16xf32>,
    %add3A_627 = arith.addf %unpack3A_619, %unpack3A_621 : vector<16xf32>
    %swap3A_628 = arith.constant 2 : i32
    %swap3A_629 = arith.index_cast %swap3A_628 : i32 to index
    %swap3A_630 = arith.constant 240 : index
    %swap3A_631 = tpu.vector_load %arg12[%swap3A_629, %swap3A_630] {strides = array<i32>} : memref<104x256xf32, #tpu.memory_space<vmem>>, vector<16xf32>,
    tpu.vector_store %arg12[%swap3A_629, %swap3A_630], %add3A_627 {strides = array<i32>} : memref<104x256xf32, #tpu.memory_space<vmem>>, vector<16xf32>,
    %get3A_632 = arith.constant 3 : i32
    %get3A_633 = arith.index_cast %get3A_632 : i32 to index
    %get3A_634 = arith.constant 0 : index
    %get3A_635 = tpu.vector_load %arg8[%get3A_633, %get3A_634] {strides = array<i32>} : memref<104x128xi32, #tpu.memory_space<vmem>>, vector<16xi32>,
    %bitcast3A_636 = vector.bitcast %get3A_635 : vector<16xi32> to vector<32xbf16>
    %get3A_637 = arith.constant 3 : i32
    %get3A_638 = arith.index_cast %get3A_637 : i32 to index
    %get3A_639 = arith.constant 0 : index
    %get3A_640 = tpu.vector_load %arg10[%get3A_638, %get3A_639] {strides = array<i32>} : memref<104x128xi32, #tpu.memory_space<vmem>>, vector<16xi32>,
    %bitcast3A_641 = vector.bitcast %get3A_640 : vector<16xi32> to vector<32xbf16>
    %unpack3A_642 = tpu.unpack_subelements %bitcast3A_636, 0 {pack_format = #tpu.pack_format<interleaved>} : vector<32xbf16> -> vector<16xf32>
    %unpack3A_643 = tpu.unpack_subelements %bitcast3A_636, 1 {pack_format = #tpu.pack_format<interleaved>} : vector<32xbf16> -> vector<16xf32>
    %unpack3A_644 = tpu.unpack_subelements %bitcast3A_641, 0 {pack_format = #tpu.pack_format<interleaved>} : vector<32xbf16> -> vector<16xf32>
    %unpack3A_645 = tpu.unpack_subelements %bitcast3A_641, 1 {pack_format = #tpu.pack_format<interleaved>} : vector<32xbf16> -> vector<16xf32>
    %add3A_646 = arith.addf %unpack3A_642, %unpack3A_644 : vector<16xf32>
    %swap3A_647 = arith.constant 3 : i32
    %swap3A_648 = arith.index_cast %swap3A_647 : i32 to index
    %swap3A_649 = arith.constant 0 : index
    %swap3A_650 = tpu.vector_load %arg12[%swap3A_648, %swap3A_649] {strides = array<i32>} : memref<104x256xf32, #tpu.memory_space<vmem>>, vector<16xf32>,
    tpu.vector_store %arg12[%swap3A_648, %swap3A_649], %add3A_646 {strides = array<i32>} : memref<104x256xf32, #tpu.memory_space<vmem>>, vector<16xf32>,
    %add3A_651 = arith.addf %unpack3A_643, %unpack3A_645 : vector<16xf32>
    %swap3A_652 = arith.constant 3 : i32
    %swap3A_653 = arith.index_cast %swap3A_652 : i32 to index
    %swap3A_654 = arith.constant 16 : index
    %swap3A_655 = tpu.vector_load %arg12[%swap3A_653, %swap3A_654] {strides = array<i32>} : memref<104x256xf32, #tpu.memory_space<vmem>>, vector<16xf32>,
    tpu.vector_store %arg12[%swap3A_653, %swap3A_654], %add3A_651 {strides = array<i32>} : memref<104x256xf32, #tpu.memory_space<vmem>>, vector<16xf32>,
    %get3A_656 = arith.constant 3 : i32
    %get3A_657 = arith.index_cast %get3A_656 : i32 to index
    %get3A_658 = arith.constant 16 : index
    %get3A_659 = tpu.vector_load %arg8[%get3A_657, %get3A_658] {strides = array<i32>} : memref<104x128xi32, #tpu.memory_space<vmem>>, vector<16xi32>,
    %bitcast3A_660 = vector.bitcast %get3A_659 : vector<16xi32> to vector<32xbf16>
    %get3A_661 = arith.constant 3 : i32
    %get3A_662 = arith.index_cast %get3A_661 : i32 to index
    %get3A_663 = arith.constant 16 : index
    %get3A_664 = tpu.vector_load %arg10[%get3A_662, %get3A_663] {strides = array<i32>} : memref<104x128xi32, #tpu.memory_space<vmem>>, vector<16xi32>,
    %bitcast3A_665 = vector.bitcast %get3A_664 : vector<16xi32> to vector<32xbf16>
    %unpack3A_666 = tpu.unpack_subelements %bitcast3A_660, 0 {pack_format = #tpu.pack_format<interleaved>} : vector<32xbf16> -> vector<16xf32>
    %unpack3A_667 = tpu.unpack_subelements %bitcast3A_660, 1 {pack_format = #tpu.pack_format<interleaved>} : vector<32xbf16> -> vector<16xf32>
    %unpack3A_668 = tpu.unpack_subelements %bitcast3A_665, 0 {pack_format = #tpu.pack_format<interleaved>} : vector<32xbf16> -> vector<16xf32>
    %unpack3A_669 = tpu.unpack_subelements %bitcast3A_665, 1 {pack_format = #tpu.pack_format<interleaved>} : vector<32xbf16> -> vector<16xf32>
    %add3A_670 = arith.addf %unpack3A_666, %unpack3A_668 : vector<16xf32>
    %swap3A_671 = arith.constant 3 : i32
    %swap3A_672 = arith.index_cast %swap3A_671 : i32 to index
    %swap3A_673 = arith.constant 32 : index
    %swap3A_674 = tpu.vector_load %arg12[%swap3A_672, %swap3A_673] {strides = array<i32>} : memref<104x256xf32, #tpu.memory_space<vmem>>, vector<16xf32>,
    tpu.vector_store %arg12[%swap3A_672, %swap3A_673], %add3A_670 {strides = array<i32>} : memref<104x256xf32, #tpu.memory_space<vmem>>, vector<16xf32>,
    %add3A_675 = arith.addf %unpack3A_667, %unpack3A_669 : vector<16xf32>
    %swap3A_676 = arith.constant 3 : i32
    %swap3A_677 = arith.index_cast %swap3A_676 : i32 to index
    %swap3A_678 = arith.constant 48 : index
    %swap3A_679 = tpu.vector_load %arg12[%swap3A_677, %swap3A_678] {strides = array<i32>} : memref<104x256xf32, #tpu.memory_space<vmem>>, vector<16xf32>,
    tpu.vector_store %arg12[%swap3A_677, %swap3A_678], %add3A_675 {strides = array<i32>} : memref<104x256xf32, #tpu.memory_space<vmem>>, vector<16xf32>,
    %get3A_680 = arith.constant 3 : i32
    %get3A_681 = arith.index_cast %get3A_680 : i32 to index
    %get3A_682 = arith.constant 32 : index
    %get3A_683 = tpu.vector_load %arg8[%get3A_681, %get3A_682] {strides = array<i32>} : memref<104x128xi32, #tpu.memory_space<vmem>>, vector<16xi32>,
    %bitcast3A_684 = vector.bitcast %get3A_683 : vector<16xi32> to vector<32xbf16>
    %get3A_685 = arith.constant 3 : i32
    %get3A_686 = arith.index_cast %get3A_685 : i32 to index
    %get3A_687 = arith.constant 32 : index
    %get3A_688 = tpu.vector_load %arg10[%get3A_686, %get3A_687] {strides = array<i32>} : memref<104x128xi32, #tpu.memory_space<vmem>>, vector<16xi32>,
    %bitcast3A_689 = vector.bitcast %get3A_688 : vector<16xi32> to vector<32xbf16>
    %unpack3A_690 = tpu.unpack_subelements %bitcast3A_684, 0 {pack_format = #tpu.pack_format<interleaved>} : vector<32xbf16> -> vector<16xf32>
    %unpack3A_691 = tpu.unpack_subelements %bitcast3A_684, 1 {pack_format = #tpu.pack_format<interleaved>} : vector<32xbf16> -> vector<16xf32>
    %unpack3A_692 = tpu.unpack_subelements %bitcast3A_689, 0 {pack_format = #tpu.pack_format<interleaved>} : vector<32xbf16> -> vector<16xf32>
    %unpack3A_693 = tpu.unpack_subelements %bitcast3A_689, 1 {pack_format = #tpu.pack_format<interleaved>} : vector<32xbf16> -> vector<16xf32>
    %add3A_694 = arith.addf %unpack3A_690, %unpack3A_692 : vector<16xf32>
    %swap3A_695 = arith.constant 3 : i32
    %swap3A_696 = arith.index_cast %swap3A_695 : i32 to index
    %swap3A_697 = arith.constant 64 : index
    %swap3A_698 = tpu.vector_load %arg12[%swap3A_696, %swap3A_697] {strides = array<i32>} : memref<104x256xf32, #tpu.memory_space<vmem>>, vector<16xf32>,
    tpu.vector_store %arg12[%swap3A_696, %swap3A_697], %add3A_694 {strides = array<i32>} : memref<104x256xf32, #tpu.memory_space<vmem>>, vector<16xf32>,
    %add3A_699 = arith.addf %unpack3A_691, %unpack3A_693 : vector<16xf32>
    %swap3A_700 = arith.constant 3 : i32
    %swap3A_701 = arith.index_cast %swap3A_700 : i32 to index
    %swap3A_702 = arith.constant 80 : index
    %swap3A_703 = tpu.vector_load %arg12[%swap3A_701, %swap3A_702] {strides = array<i32>} : memref<104x256xf32, #tpu.memory_space<vmem>>, vector<16xf32>,
    tpu.vector_store %arg12[%swap3A_701, %swap3A_702], %add3A_699 {strides = array<i32>} : memref<104x256xf32, #tpu.memory_space<vmem>>, vector<16xf32>,
    %get3A_704 = arith.constant 3 : i32
    %get3A_705 = arith.index_cast %get3A_704 : i32 to index
    %get3A_706 = arith.constant 48 : index
    %get3A_707 = tpu.vector_load %arg8[%get3A_705, %get3A_706] {strides = array<i32>} : memref<104x128xi32, #tpu.memory_space<vmem>>, vector<16xi32>,
    %bitcast3A_708 = vector.bitcast %get3A_707 : vector<16xi32> to vector<32xbf16>
    %get3A_709 = arith.constant 3 : i32
    %get3A_710 = arith.index_cast %get3A_709 : i32 to index
    %get3A_711 = arith.constant 48 : index
    %get3A_712 = tpu.vector_load %arg10[%get3A_710, %get3A_711] {strides = array<i32>} : memref<104x128xi32, #tpu.memory_space<vmem>>, vector<16xi32>,
    %bitcast3A_713 = vector.bitcast %get3A_712 : vector<16xi32> to vector<32xbf16>
    %unpack3A_714 = tpu.unpack_subelements %bitcast3A_708, 0 {pack_format = #tpu.pack_format<interleaved>} : vector<32xbf16> -> vector<16xf32>
    %unpack3A_715 = tpu.unpack_subelements %bitcast3A_708, 1 {pack_format = #tpu.pack_format<interleaved>} : vector<32xbf16> -> vector<16xf32>
    %unpack3A_716 = tpu.unpack_subelements %bitcast3A_713, 0 {pack_format = #tpu.pack_format<interleaved>} : vector<32xbf16> -> vector<16xf32>
    %unpack3A_717 = tpu.unpack_subelements %bitcast3A_713, 1 {pack_format = #tpu.pack_format<interleaved>} : vector<32xbf16> -> vector<16xf32>
    %add3A_718 = arith.addf %unpack3A_714, %unpack3A_716 : vector<16xf32>
    %swap3A_719 = arith.constant 3 : i32
    %swap3A_720 = arith.index_cast %swap3A_719 : i32 to index
    %swap3A_721 = arith.constant 96 : index
    %swap3A_722 = tpu.vector_load %arg12[%swap3A_720, %swap3A_721] {strides = array<i32>} : memref<104x256xf32, #tpu.memory_space<vmem>>, vector<16xf32>,
    tpu.vector_store %arg12[%swap3A_720, %swap3A_721], %add3A_718 {strides = array<i32>} : memref<104x256xf32, #tpu.memory_space<vmem>>, vector<16xf32>,
    %add3A_723 = arith.addf %unpack3A_715, %unpack3A_717 : vector<16xf32>
    %swap3A_724 = arith.constant 3 : i32
    %swap3A_725 = arith.index_cast %swap3A_724 : i32 to index
    %swap3A_726 = arith.constant 112 : index
    %swap3A_727 = tpu.vector_load %arg12[%swap3A_725, %swap3A_726] {strides = array<i32>} : memref<104x256xf32, #tpu.memory_space<vmem>>, vector<16xf32>,
    tpu.vector_store %arg12[%swap3A_725, %swap3A_726], %add3A_723 {strides = array<i32>} : memref<104x256xf32, #tpu.memory_space<vmem>>, vector<16xf32>,
    %get3A_728 = arith.constant 3 : i32
    %get3A_729 = arith.index_cast %get3A_728 : i32 to index
    %get3A_730 = arith.constant 64 : index
    %get3A_731 = tpu.vector_load %arg8[%get3A_729, %get3A_730] {strides = array<i32>} : memref<104x128xi32, #tpu.memory_space<vmem>>, vector<16xi32>,
    %bitcast3A_732 = vector.bitcast %get3A_731 : vector<16xi32> to vector<32xbf16>
    %get3A_733 = arith.constant 3 : i32
    %get3A_734 = arith.index_cast %get3A_733 : i32 to index
    %get3A_735 = arith.constant 64 : index
    %get3A_736 = tpu.vector_load %arg10[%get3A_734, %get3A_735] {strides = array<i32>} : memref<104x128xi32, #tpu.memory_space<vmem>>, vector<16xi32>,
    %bitcast3A_737 = vector.bitcast %get3A_736 : vector<16xi32> to vector<32xbf16>
    %unpack3A_738 = tpu.unpack_subelements %bitcast3A_732, 0 {pack_format = #tpu.pack_format<interleaved>} : vector<32xbf16> -> vector<16xf32>
    %unpack3A_739 = tpu.unpack_subelements %bitcast3A_732, 1 {pack_format = #tpu.pack_format<interleaved>} : vector<32xbf16> -> vector<16xf32>
    %unpack3A_740 = tpu.unpack_subelements %bitcast3A_737, 0 {pack_format = #tpu.pack_format<interleaved>} : vector<32xbf16> -> vector<16xf32>
    %unpack3A_741 = tpu.unpack_subelements %bitcast3A_737, 1 {pack_format = #tpu.pack_format<interleaved>} : vector<32xbf16> -> vector<16xf32>
    %add3A_742 = arith.addf %unpack3A_738, %unpack3A_740 : vector<16xf32>
    %swap3A_743 = arith.constant 3 : i32
    %swap3A_744 = arith.index_cast %swap3A_743 : i32 to index
    %swap3A_745 = arith.constant 128 : index
    %swap3A_746 = tpu.vector_load %arg12[%swap3A_744, %swap3A_745] {strides = array<i32>} : memref<104x256xf32, #tpu.memory_space<vmem>>, vector<16xf32>,
    tpu.vector_store %arg12[%swap3A_744, %swap3A_745], %add3A_742 {strides = array<i32>} : memref<104x256xf32, #tpu.memory_space<vmem>>, vector<16xf32>,
    %add3A_747 = arith.addf %unpack3A_739, %unpack3A_741 : vector<16xf32>
    %swap3A_748 = arith.constant 3 : i32
    %swap3A_749 = arith.index_cast %swap3A_748 : i32 to index
    %swap3A_750 = arith.constant 144 : index
    %swap3A_751 = tpu.vector_load %arg12[%swap3A_749, %swap3A_750] {strides = array<i32>} : memref<104x256xf32, #tpu.memory_space<vmem>>, vector<16xf32>,
    tpu.vector_store %arg12[%swap3A_749, %swap3A_750], %add3A_747 {strides = array<i32>} : memref<104x256xf32, #tpu.memory_space<vmem>>, vector<16xf32>,
    %get3A_752 = arith.constant 3 : i32
    %get3A_753 = arith.index_cast %get3A_752 : i32 to index
    %get3A_754 = arith.constant 80 : index
    %get3A_755 = tpu.vector_load %arg8[%get3A_753, %get3A_754] {strides = array<i32>} : memref<104x128xi32, #tpu.memory_space<vmem>>, vector<16xi32>,
    %bitcast3A_756 = vector.bitcast %get3A_755 : vector<16xi32> to vector<32xbf16>
    %get3A_757 = arith.constant 3 : i32
    %get3A_758 = arith.index_cast %get3A_757 : i32 to index
    %get3A_759 = arith.constant 80 : index
    %get3A_760 = tpu.vector_load %arg10[%get3A_758, %get3A_759] {strides = array<i32>} : memref<104x128xi32, #tpu.memory_space<vmem>>, vector<16xi32>,
    %bitcast3A_761 = vector.bitcast %get3A_760 : vector<16xi32> to vector<32xbf16>
    %unpack3A_762 = tpu.unpack_subelements %bitcast3A_756, 0 {pack_format = #tpu.pack_format<interleaved>} : vector<32xbf16> -> vector<16xf32>
    %unpack3A_763 = tpu.unpack_subelements %bitcast3A_756, 1 {pack_format = #tpu.pack_format<interleaved>} : vector<32xbf16> -> vector<16xf32>
    %unpack3A_764 = tpu.unpack_subelements %bitcast3A_761, 0 {pack_format = #tpu.pack_format<interleaved>} : vector<32xbf16> -> vector<16xf32>
    %unpack3A_765 = tpu.unpack_subelements %bitcast3A_761, 1 {pack_format = #tpu.pack_format<interleaved>} : vector<32xbf16> -> vector<16xf32>
    %add3A_766 = arith.addf %unpack3A_762, %unpack3A_764 : vector<16xf32>
    %swap3A_767 = arith.constant 3 : i32
    %swap3A_768 = arith.index_cast %swap3A_767 : i32 to index
    %swap3A_769 = arith.constant 160 : index
    %swap3A_770 = tpu.vector_load %arg12[%swap3A_768, %swap3A_769] {strides = array<i32>} : memref<104x256xf32, #tpu.memory_space<vmem>>, vector<16xf32>,
    tpu.vector_store %arg12[%swap3A_768, %swap3A_769], %add3A_766 {strides = array<i32>} : memref<104x256xf32, #tpu.memory_space<vmem>>, vector<16xf32>,
    %add3A_771 = arith.addf %unpack3A_763, %unpack3A_765 : vector<16xf32>
    %swap3A_772 = arith.constant 3 : i32
    %swap3A_773 = arith.index_cast %swap3A_772 : i32 to index
    %swap3A_774 = arith.constant 176 : index
    %swap3A_775 = tpu.vector_load %arg12[%swap3A_773, %swap3A_774] {strides = array<i32>} : memref<104x256xf32, #tpu.memory_space<vmem>>, vector<16xf32>,
    tpu.vector_store %arg12[%swap3A_773, %swap3A_774], %add3A_771 {strides = array<i32>} : memref<104x256xf32, #tpu.memory_space<vmem>>, vector<16xf32>,
    %get3A_776 = arith.constant 3 : i32
    %get3A_777 = arith.index_cast %get3A_776 : i32 to index
    %get3A_778 = arith.constant 96 : index
    %get3A_779 = tpu.vector_load %arg8[%get3A_777, %get3A_778] {strides = array<i32>} : memref<104x128xi32, #tpu.memory_space<vmem>>, vector<16xi32>,
    %bitcast3A_780 = vector.bitcast %get3A_779 : vector<16xi32> to vector<32xbf16>
    %get3A_781 = arith.constant 3 : i32
    %get3A_782 = arith.index_cast %get3A_781 : i32 to index
    %get3A_783 = arith.constant 96 : index
    %get3A_784 = tpu.vector_load %arg10[%get3A_782, %get3A_783] {strides = array<i32>} : memref<104x128xi32, #tpu.memory_space<vmem>>, vector<16xi32>,
    %bitcast3A_785 = vector.bitcast %get3A_784 : vector<16xi32> to vector<32xbf16>
    %unpack3A_786 = tpu.unpack_subelements %bitcast3A_780, 0 {pack_format = #tpu.pack_format<interleaved>} : vector<32xbf16> -> vector<16xf32>
    %unpack3A_787 = tpu.unpack_subelements %bitcast3A_780, 1 {pack_format = #tpu.pack_format<interleaved>} : vector<32xbf16> -> vector<16xf32>
    %unpack3A_788 = tpu.unpack_subelements %bitcast3A_785, 0 {pack_format = #tpu.pack_format<interleaved>} : vector<32xbf16> -> vector<16xf32>
    %unpack3A_789 = tpu.unpack_subelements %bitcast3A_785, 1 {pack_format = #tpu.pack_format<interleaved>} : vector<32xbf16> -> vector<16xf32>
    %add3A_790 = arith.addf %unpack3A_786, %unpack3A_788 : vector<16xf32>
    %swap3A_791 = arith.constant 3 : i32
    %swap3A_792 = arith.index_cast %swap3A_791 : i32 to index
    %swap3A_793 = arith.constant 192 : index
    %swap3A_794 = tpu.vector_load %arg12[%swap3A_792, %swap3A_793] {strides = array<i32>} : memref<104x256xf32, #tpu.memory_space<vmem>>, vector<16xf32>,
    tpu.vector_store %arg12[%swap3A_792, %swap3A_793], %add3A_790 {strides = array<i32>} : memref<104x256xf32, #tpu.memory_space<vmem>>, vector<16xf32>,
    %add3A_795 = arith.addf %unpack3A_787, %unpack3A_789 : vector<16xf32>
    %swap3A_796 = arith.constant 3 : i32
    %swap3A_797 = arith.index_cast %swap3A_796 : i32 to index
    %swap3A_798 = arith.constant 208 : index
    %swap3A_799 = tpu.vector_load %arg12[%swap3A_797, %swap3A_798] {strides = array<i32>} : memref<104x256xf32, #tpu.memory_space<vmem>>, vector<16xf32>,
    tpu.vector_store %arg12[%swap3A_797, %swap3A_798], %add3A_795 {strides = array<i32>} : memref<104x256xf32, #tpu.memory_space<vmem>>, vector<16xf32>,
    %get3A_800 = arith.constant 3 : i32
    %get3A_801 = arith.index_cast %get3A_800 : i32 to index
    %get3A_802 = arith.constant 112 : index
    %get3A_803 = tpu.vector_load %arg8[%get3A_801, %get3A_802] {strides = array<i32>} : memref<104x128xi32, #tpu.memory_space<vmem>>, vector<16xi32>,
    %bitcast3A_804 = vector.bitcast %get3A_803 : vector<16xi32> to vector<32xbf16>
    %get3A_805 = arith.constant 3 : i32
    %get3A_806 = arith.index_cast %get3A_805 : i32 to index
    %get3A_807 = arith.constant 112 : index
    %get3A_808 = tpu.vector_load %arg10[%get3A_806, %get3A_807] {strides = array<i32>} : memref<104x128xi32, #tpu.memory_space<vmem>>, vector<16xi32>,
    %bitcast3A_809 = vector.bitcast %get3A_808 : vector<16xi32> to vector<32xbf16>
    %unpack3A_810 = tpu.unpack_subelements %bitcast3A_804, 0 {pack_format = #tpu.pack_format<interleaved>} : vector<32xbf16> -> vector<16xf32>
    %unpack3A_811 = tpu.unpack_subelements %bitcast3A_804, 1 {pack_format = #tpu.pack_format<interleaved>} : vector<32xbf16> -> vector<16xf32>
    %unpack3A_812 = tpu.unpack_subelements %bitcast3A_809, 0 {pack_format = #tpu.pack_format<interleaved>} : vector<32xbf16> -> vector<16xf32>
    %unpack3A_813 = tpu.unpack_subelements %bitcast3A_809, 1 {pack_format = #tpu.pack_format<interleaved>} : vector<32xbf16> -> vector<16xf32>
    %add3A_814 = arith.addf %unpack3A_810, %unpack3A_812 : vector<16xf32>
    %swap3A_815 = arith.constant 3 : i32
    %swap3A_816 = arith.index_cast %swap3A_815 : i32 to index
    %swap3A_817 = arith.constant 224 : index
    %swap3A_818 = tpu.vector_load %arg12[%swap3A_816, %swap3A_817] {strides = array<i32>} : memref<104x256xf32, #tpu.memory_space<vmem>>, vector<16xf32>,
    tpu.vector_store %arg12[%swap3A_816, %swap3A_817], %add3A_814 {strides = array<i32>} : memref<104x256xf32, #tpu.memory_space<vmem>>, vector<16xf32>,
    %add3A_819 = arith.addf %unpack3A_811, %unpack3A_813 : vector<16xf32>
    %swap3A_820 = arith.constant 3 : i32
    %swap3A_821 = arith.index_cast %swap3A_820 : i32 to index
    %swap3A_822 = arith.constant 240 : index
    %swap3A_823 = tpu.vector_load %arg12[%swap3A_821, %swap3A_822] {strides = array<i32>} : memref<104x256xf32, #tpu.memory_space<vmem>>, vector<16xf32>,
    tpu.vector_store %arg12[%swap3A_821, %swap3A_822], %add3A_819 {strides = array<i32>} : memref<104x256xf32, #tpu.memory_space<vmem>>, vector<16xf32>,
    %get3A_824 = arith.constant 4 : i32
    %get3A_825 = arith.index_cast %get3A_824 : i32 to index
    %get3A_826 = arith.constant 0 : index
    %get3A_827 = tpu.vector_load %arg8[%get3A_825, %get3A_826] {strides = array<i32>} : memref<104x128xi32, #tpu.memory_space<vmem>>, vector<16xi32>,
    %bitcast3A_828 = vector.bitcast %get3A_827 : vector<16xi32> to vector<32xbf16>
    %get3A_829 = arith.constant 4 : i32
    %get3A_830 = arith.index_cast %get3A_829 : i32 to index
    %get3A_831 = arith.constant 0 : index
    %get3A_832 = tpu.vector_load %arg10[%get3A_830, %get3A_831] {strides = array<i32>} : memref<104x128xi32, #tpu.memory_space<vmem>>, vector<16xi32>,
    %bitcast3A_833 = vector.bitcast %get3A_832 : vector<16xi32> to vector<32xbf16>
    %unpack3A_834 = tpu.unpack_subelements %bitcast3A_828, 0 {pack_format = #tpu.pack_format<interleaved>} : vector<32xbf16> -> vector<16xf32>
    %unpack3A_835 = tpu.unpack_subelements %bitcast3A_828, 1 {pack_format = #tpu.pack_format<interleaved>} : vector<32xbf16> -> vector<16xf32>
    %unpack3A_836 = tpu.unpack_subelements %bitcast3A_833, 0 {pack_format = #tpu.pack_format<interleaved>} : vector<32xbf16> -> vector<16xf32>
    %unpack3A_837 = tpu.unpack_subelements %bitcast3A_833, 1 {pack_format = #tpu.pack_format<interleaved>} : vector<32xbf16> -> vector<16xf32>
    %add3A_838 = arith.addf %unpack3A_834, %unpack3A_836 : vector<16xf32>
    %swap3A_839 = arith.constant 4 : i32
    %swap3A_840 = arith.index_cast %swap3A_839 : i32 to index
    %swap3A_841 = arith.constant 0 : index
    %swap3A_842 = tpu.vector_load %arg12[%swap3A_840, %swap3A_841] {strides = array<i32>} : memref<104x256xf32, #tpu.memory_space<vmem>>, vector<16xf32>,
    tpu.vector_store %arg12[%swap3A_840, %swap3A_841], %add3A_838 {strides = array<i32>} : memref<104x256xf32, #tpu.memory_space<vmem>>, vector<16xf32>,
    %add3A_843 = arith.addf %unpack3A_835, %unpack3A_837 : vector<16xf32>
    %swap3A_844 = arith.constant 4 : i32
    %swap3A_845 = arith.index_cast %swap3A_844 : i32 to index
    %swap3A_846 = arith.constant 16 : index
    %swap3A_847 = tpu.vector_load %arg12[%swap3A_845, %swap3A_846] {strides = array<i32>} : memref<104x256xf32, #tpu.memory_space<vmem>>, vector<16xf32>,
    tpu.vector_store %arg12[%swap3A_845, %swap3A_846], %add3A_843 {strides = array<i32>} : memref<104x256xf32, #tpu.memory_space<vmem>>, vector<16xf32>,
    %get3A_848 = arith.constant 4 : i32
    %get3A_849 = arith.index_cast %get3A_848 : i32 to index
    %get3A_850 = arith.constant 16 : index
    %get3A_851 = tpu.vector_load %arg8[%get3A_849, %get3A_850] {strides = array<i32>} : memref<104x128xi32, #tpu.memory_space<vmem>>, vector<16xi32>,
    %bitcast3A_852 = vector.bitcast %get3A_851 : vector<16xi32> to vector<32xbf16>
    %get3A_853 = arith.constant 4 : i32
    %get3A_854 = arith.index_cast %get3A_853 : i32 to index
    %get3A_855 = arith.constant 16 : index
    %get3A_856 = tpu.vector_load %arg10[%get3A_854, %get3A_855] {strides = array<i32>} : memref<104x128xi32, #tpu.memory_space<vmem>>, vector<16xi32>,
    %bitcast3A_857 = vector.bitcast %get3A_856 : vector<16xi32> to vector<32xbf16>
    %unpack3A_858 = tpu.unpack_subelements %bitcast3A_852, 0 {pack_format = #tpu.pack_format<interleaved>} : vector<32xbf16> -> vector<16xf32>
    %unpack3A_859 = tpu.unpack_subelements %bitcast3A_852, 1 {pack_format = #tpu.pack_format<interleaved>} : vector<32xbf16> -> vector<16xf32>
    %unpack3A_860 = tpu.unpack_subelements %bitcast3A_857, 0 {pack_format = #tpu.pack_format<interleaved>} : vector<32xbf16> -> vector<16xf32>
    %unpack3A_861 = tpu.unpack_subelements %bitcast3A_857, 1 {pack_format = #tpu.pack_format<interleaved>} : vector<32xbf16> -> vector<16xf32>
    %add3A_862 = arith.addf %unpack3A_858, %unpack3A_860 : vector<16xf32>
    %swap3A_863 = arith.constant 4 : i32
    %swap3A_864 = arith.index_cast %swap3A_863 : i32 to index
    %swap3A_865 = arith.constant 32 : index
    %swap3A_866 = tpu.vector_load %arg12[%swap3A_864, %swap3A_865] {strides = array<i32>} : memref<104x256xf32, #tpu.memory_space<vmem>>, vector<16xf32>,
    tpu.vector_store %arg12[%swap3A_864, %swap3A_865], %add3A_862 {strides = array<i32>} : memref<104x256xf32, #tpu.memory_space<vmem>>, vector<16xf32>,
    %add3A_867 = arith.addf %unpack3A_859, %unpack3A_861 : vector<16xf32>
    %swap3A_868 = arith.constant 4 : i32
    %swap3A_869 = arith.index_cast %swap3A_868 : i32 to index
    %swap3A_870 = arith.constant 48 : index
    %swap3A_871 = tpu.vector_load %arg12[%swap3A_869, %swap3A_870] {strides = array<i32>} : memref<104x256xf32, #tpu.memory_space<vmem>>, vector<16xf32>,
    tpu.vector_store %arg12[%swap3A_869, %swap3A_870], %add3A_867 {strides = array<i32>} : memref<104x256xf32, #tpu.memory_space<vmem>>, vector<16xf32>,
    %get3A_872 = arith.constant 4 : i32
    %get3A_873 = arith.index_cast %get3A_872 : i32 to index
    %get3A_874 = arith.constant 32 : index
    %get3A_875 = tpu.vector_load %arg8[%get3A_873, %get3A_874] {strides = array<i32>} : memref<104x128xi32, #tpu.memory_space<vmem>>, vector<16xi32>,
    %bitcast3A_876 = vector.bitcast %get3A_875 : vector<16xi32> to vector<32xbf16>
    %get3A_877 = arith.constant 4 : i32
    %get3A_878 = arith.index_cast %get3A_877 : i32 to index
    %get3A_879 = arith.constant 32 : index
    %get3A_880 = tpu.vector_load %arg10[%get3A_878, %get3A_879] {strides = array<i32>} : memref<104x128xi32, #tpu.memory_space<vmem>>, vector<16xi32>,
    %bitcast3A_881 = vector.bitcast %get3A_880 : vector<16xi32> to vector<32xbf16>
    %unpack3A_882 = tpu.unpack_subelements %bitcast3A_876, 0 {pack_format = #tpu.pack_format<interleaved>} : vector<32xbf16> -> vector<16xf32>
    %unpack3A_883 = tpu.unpack_subelements %bitcast3A_876, 1 {pack_format = #tpu.pack_format<interleaved>} : vector<32xbf16> -> vector<16xf32>
    %unpack3A_884 = tpu.unpack_subelements %bitcast3A_881, 0 {pack_format = #tpu.pack_format<interleaved>} : vector<32xbf16> -> vector<16xf32>
    %unpack3A_885 = tpu.unpack_subelements %bitcast3A_881, 1 {pack_format = #tpu.pack_format<interleaved>} : vector<32xbf16> -> vector<16xf32>
    %add3A_886 = arith.addf %unpack3A_882, %unpack3A_884 : vector<16xf32>
    %swap3A_887 = arith.constant 4 : i32
    %swap3A_888 = arith.index_cast %swap3A_887 : i32 to index
    %swap3A_889 = arith.constant 64 : index
    %swap3A_890 = tpu.vector_load %arg12[%swap3A_888, %swap3A_889] {strides = array<i32>} : memref<104x256xf32, #tpu.memory_space<vmem>>, vector<16xf32>,
    tpu.vector_store %arg12[%swap3A_888, %swap3A_889], %add3A_886 {strides = array<i32>} : memref<104x256xf32, #tpu.memory_space<vmem>>, vector<16xf32>,
    %add3A_891 = arith.addf %unpack3A_883, %unpack3A_885 : vector<16xf32>
    %swap3A_892 = arith.constant 4 : i32
    %swap3A_893 = arith.index_cast %swap3A_892 : i32 to index
    %swap3A_894 = arith.constant 80 : index
    %swap3A_895 = tpu.vector_load %arg12[%swap3A_893, %swap3A_894] {strides = array<i32>} : memref<104x256xf32, #tpu.memory_space<vmem>>, vector<16xf32>,
    tpu.vector_store %arg12[%swap3A_893, %swap3A_894], %add3A_891 {strides = array<i32>} : memref<104x256xf32, #tpu.memory_space<vmem>>, vector<16xf32>,
    %get3A_896 = arith.constant 4 : i32
    %get3A_897 = arith.index_cast %get3A_896 : i32 to index
    %get3A_898 = arith.constant 48 : index
    %get3A_899 = tpu.vector_load %arg8[%get3A_897, %get3A_898] {strides = array<i32>} : memref<104x128xi32, #tpu.memory_space<vmem>>, vector<16xi32>,
    %bitcast3A_900 = vector.bitcast %get3A_899 : vector<16xi32> to vector<32xbf16>
    %get3A_901 = arith.constant 4 : i32
    %get3A_902 = arith.index_cast %get3A_901 : i32 to index
    %get3A_903 = arith.constant 48 : index
    %get3A_904 = tpu.vector_load %arg10[%get3A_902, %get3A_903] {strides = array<i32>} : memref<104x128xi32, #tpu.memory_space<vmem>>, vector<16xi32>,
    %bitcast3A_905 = vector.bitcast %get3A_904 : vector<16xi32> to vector<32xbf16>
    %unpack3A_906 = tpu.unpack_subelements %bitcast3A_900, 0 {pack_format = #tpu.pack_format<interleaved>} : vector<32xbf16> -> vector<16xf32>
    %unpack3A_907 = tpu.unpack_subelements %bitcast3A_900, 1 {pack_format = #tpu.pack_format<interleaved>} : vector<32xbf16> -> vector<16xf32>
    %unpack3A_908 = tpu.unpack_subelements %bitcast3A_905, 0 {pack_format = #tpu.pack_format<interleaved>} : vector<32xbf16> -> vector<16xf32>
    %unpack3A_909 = tpu.unpack_subelements %bitcast3A_905, 1 {pack_format = #tpu.pack_format<interleaved>} : vector<32xbf16> -> vector<16xf32>
    %add3A_910 = arith.addf %unpack3A_906, %unpack3A_908 : vector<16xf32>
    %swap3A_911 = arith.constant 4 : i32
    %swap3A_912 = arith.index_cast %swap3A_911 : i32 to index
    %swap3A_913 = arith.constant 96 : index
    %swap3A_914 = tpu.vector_load %arg12[%swap3A_912, %swap3A_913] {strides = array<i32>} : memref<104x256xf32, #tpu.memory_space<vmem>>, vector<16xf32>,
    tpu.vector_store %arg12[%swap3A_912, %swap3A_913], %add3A_910 {strides = array<i32>} : memref<104x256xf32, #tpu.memory_space<vmem>>, vector<16xf32>,
    %add3A_915 = arith.addf %unpack3A_907, %unpack3A_909 : vector<16xf32>
    %swap3A_916 = arith.constant 4 : i32
    %swap3A_917 = arith.index_cast %swap3A_916 : i32 to index
    %swap3A_918 = arith.constant 112 : index
    %swap3A_919 = tpu.vector_load %arg12[%swap3A_917, %swap3A_918] {strides = array<i32>} : memref<104x256xf32, #tpu.memory_space<vmem>>, vector<16xf32>,
    tpu.vector_store %arg12[%swap3A_917, %swap3A_918], %add3A_915 {strides = array<i32>} : memref<104x256xf32, #tpu.memory_space<vmem>>, vector<16xf32>,
    %get3A_920 = arith.constant 4 : i32
    %get3A_921 = arith.index_cast %get3A_920 : i32 to index
    %get3A_922 = arith.constant 64 : index
    %get3A_923 = tpu.vector_load %arg8[%get3A_921, %get3A_922] {strides = array<i32>} : memref<104x128xi32, #tpu.memory_space<vmem>>, vector<16xi32>,
    %bitcast3A_924 = vector.bitcast %get3A_923 : vector<16xi32> to vector<32xbf16>
    %get3A_925 = arith.constant 4 : i32
    %get3A_926 = arith.index_cast %get3A_925 : i32 to index
    %get3A_927 = arith.constant 64 : index
    %get3A_928 = tpu.vector_load %arg10[%get3A_926, %get3A_927] {strides = array<i32>} : memref<104x128xi32, #tpu.memory_space<vmem>>, vector<16xi32>,
    %bitcast3A_929 = vector.bitcast %get3A_928 : vector<16xi32> to vector<32xbf16>
    %unpack3A_930 = tpu.unpack_subelements %bitcast3A_924, 0 {pack_format = #tpu.pack_format<interleaved>} : vector<32xbf16> -> vector<16xf32>
    %unpack3A_931 = tpu.unpack_subelements %bitcast3A_924, 1 {pack_format = #tpu.pack_format<interleaved>} : vector<32xbf16> -> vector<16xf32>
    %unpack3A_932 = tpu.unpack_subelements %bitcast3A_929, 0 {pack_format = #tpu.pack_format<interleaved>} : vector<32xbf16> -> vector<16xf32>
    %unpack3A_933 = tpu.unpack_subelements %bitcast3A_929, 1 {pack_format = #tpu.pack_format<interleaved>} : vector<32xbf16> -> vector<16xf32>
    %add3A_934 = arith.addf %unpack3A_930, %unpack3A_932 : vector<16xf32>
    %swap3A_935 = arith.constant 4 : i32
    %swap3A_936 = arith.index_cast %swap3A_935 : i32 to index
    %swap3A_937 = arith.constant 128 : index
    %swap3A_938 = tpu.vector_load %arg12[%swap3A_936, %swap3A_937] {strides = array<i32>} : memref<104x256xf32, #tpu.memory_space<vmem>>, vector<16xf32>,
    tpu.vector_store %arg12[%swap3A_936, %swap3A_937], %add3A_934 {strides = array<i32>} : memref<104x256xf32, #tpu.memory_space<vmem>>, vector<16xf32>,
    %add3A_939 = arith.addf %unpack3A_931, %unpack3A_933 : vector<16xf32>
    %swap3A_940 = arith.constant 4 : i32
    %swap3A_941 = arith.index_cast %swap3A_940 : i32 to index
    %swap3A_942 = arith.constant 144 : index
    %swap3A_943 = tpu.vector_load %arg12[%swap3A_941, %swap3A_942] {strides = array<i32>} : memref<104x256xf32, #tpu.memory_space<vmem>>, vector<16xf32>,
    tpu.vector_store %arg12[%swap3A_941, %swap3A_942], %add3A_939 {strides = array<i32>} : memref<104x256xf32, #tpu.memory_space<vmem>>, vector<16xf32>,
    %get3A_944 = arith.constant 4 : i32
    %get3A_945 = arith.index_cast %get3A_944 : i32 to index
    %get3A_946 = arith.constant 80 : index
    %get3A_947 = tpu.vector_load %arg8[%get3A_945, %get3A_946] {strides = array<i32>} : memref<104x128xi32, #tpu.memory_space<vmem>>, vector<16xi32>,
    %bitcast3A_948 = vector.bitcast %get3A_947 : vector<16xi32> to vector<32xbf16>
    %get3A_949 = arith.constant 4 : i32
    %get3A_950 = arith.index_cast %get3A_949 : i32 to index
    %get3A_951 = arith.constant 80 : index
    %get3A_952 = tpu.vector_load %arg10[%get3A_950, %get3A_951] {strides = array<i32>} : memref<104x128xi32, #tpu.memory_space<vmem>>, vector<16xi32>,
    %bitcast3A_953 = vector.bitcast %get3A_952 : vector<16xi32> to vector<32xbf16>
    %unpack3A_954 = tpu.unpack_subelements %bitcast3A_948, 0 {pack_format = #tpu.pack_format<interleaved>} : vector<32xbf16> -> vector<16xf32>
    %unpack3A_955 = tpu.unpack_subelements %bitcast3A_948, 1 {pack_format = #tpu.pack_format<interleaved>} : vector<32xbf16> -> vector<16xf32>
    %unpack3A_956 = tpu.unpack_subelements %bitcast3A_953, 0 {pack_format = #tpu.pack_format<interleaved>} : vector<32xbf16> -> vector<16xf32>
    %unpack3A_957 = tpu.unpack_subelements %bitcast3A_953, 1 {pack_format = #tpu.pack_format<interleaved>} : vector<32xbf16> -> vector<16xf32>
    %add3A_958 = arith.addf %unpack3A_954, %unpack3A_956 : vector<16xf32>
    %swap3A_959 = arith.constant 4 : i32
    %swap3A_960 = arith.index_cast %swap3A_959 : i32 to index
    %swap3A_961 = arith.constant 160 : index
    %swap3A_962 = tpu.vector_load %arg12[%swap3A_960, %swap3A_961] {strides = array<i32>} : memref<104x256xf32, #tpu.memory_space<vmem>>, vector<16xf32>,
    tpu.vector_store %arg12[%swap3A_960, %swap3A_961], %add3A_958 {strides = array<i32>} : memref<104x256xf32, #tpu.memory_space<vmem>>, vector<16xf32>,
    %add3A_963 = arith.addf %unpack3A_955, %unpack3A_957 : vector<16xf32>
    %swap3A_964 = arith.constant 4 : i32
    %swap3A_965 = arith.index_cast %swap3A_964 : i32 to index
    %swap3A_966 = arith.constant 176 : index
    %swap3A_967 = tpu.vector_load %arg12[%swap3A_965, %swap3A_966] {strides = array<i32>} : memref<104x256xf32, #tpu.memory_space<vmem>>, vector<16xf32>,
    tpu.vector_store %arg12[%swap3A_965, %swap3A_966], %add3A_963 {strides = array<i32>} : memref<104x256xf32, #tpu.memory_space<vmem>>, vector<16xf32>,
    %get3A_968 = arith.constant 4 : i32
    %get3A_969 = arith.index_cast %get3A_968 : i32 to index
    %get3A_970 = arith.constant 96 : index
    %get3A_971 = tpu.vector_load %arg8[%get3A_969, %get3A_970] {strides = array<i32>} : memref<104x128xi32, #tpu.memory_space<vmem>>, vector<16xi32>,
    %bitcast3A_972 = vector.bitcast %get3A_971 : vector<16xi32> to vector<32xbf16>
    %get3A_973 = arith.constant 4 : i32
    %get3A_974 = arith.index_cast %get3A_973 : i32 to index
    %get3A_975 = arith.constant 96 : index
    %get3A_976 = tpu.vector_load %arg10[%get3A_974, %get3A_975] {strides = array<i32>} : memref<104x128xi32, #tpu.memory_space<vmem>>, vector<16xi32>,
    %bitcast3A_977 = vector.bitcast %get3A_976 : vector<16xi32> to vector<32xbf16>
    %unpack3A_978 = tpu.unpack_subelements %bitcast3A_972, 0 {pack_format = #tpu.pack_format<interleaved>} : vector<32xbf16> -> vector<16xf32>
    %unpack3A_979 = tpu.unpack_subelements %bitcast3A_972, 1 {pack_format = #tpu.pack_format<interleaved>} : vector<32xbf16> -> vector<16xf32>
    %unpack3A_980 = tpu.unpack_subelements %bitcast3A_977, 0 {pack_format = #tpu.pack_format<interleaved>} : vector<32xbf16> -> vector<16xf32>
    %unpack3A_981 = tpu.unpack_subelements %bitcast3A_977, 1 {pack_format = #tpu.pack_format<interleaved>} : vector<32xbf16> -> vector<16xf32>
    %add3A_982 = arith.addf %unpack3A_978, %unpack3A_980 : vector<16xf32>
    %swap3A_983 = arith.constant 4 : i32
    %swap3A_984 = arith.index_cast %swap3A_983 : i32 to index
    %swap3A_985 = arith.constant 192 : index
    %swap3A_986 = tpu.vector_load %arg12[%swap3A_984, %swap3A_985] {strides = array<i32>} : memref<104x256xf32, #tpu.memory_space<vmem>>, vector<16xf32>,
    tpu.vector_store %arg12[%swap3A_984, %swap3A_985], %add3A_982 {strides = array<i32>} : memref<104x256xf32, #tpu.memory_space<vmem>>, vector<16xf32>,
    %add3A_987 = arith.addf %unpack3A_979, %unpack3A_981 : vector<16xf32>
    %swap3A_988 = arith.constant 4 : i32
    %swap3A_989 = arith.index_cast %swap3A_988 : i32 to index
    %swap3A_990 = arith.constant 208 : index
    %swap3A_991 = tpu.vector_load %arg12[%swap3A_989, %swap3A_990] {strides = array<i32>} : memref<104x256xf32, #tpu.memory_space<vmem>>, vector<16xf32>,
    tpu.vector_store %arg12[%swap3A_989, %swap3A_990], %add3A_987 {strides = array<i32>} : memref<104x256xf32, #tpu.memory_space<vmem>>, vector<16xf32>,
    %get3A_992 = arith.constant 4 : i32
    %get3A_993 = arith.index_cast %get3A_992 : i32 to index
    %get3A_994 = arith.constant 112 : index
    %get3A_995 = tpu.vector_load %arg8[%get3A_993, %get3A_994] {strides = array<i32>} : memref<104x128xi32, #tpu.memory_space<vmem>>, vector<16xi32>,
    %bitcast3A_996 = vector.bitcast %get3A_995 : vector<16xi32> to vector<32xbf16>
    %get3A_997 = arith.constant 4 : i32
    %get3A_998 = arith.index_cast %get3A_997 : i32 to index
    %get3A_999 = arith.constant 112 : index
    %get3A_1000 = tpu.vector_load %arg10[%get3A_998, %get3A_999] {strides = array<i32>} : memref<104x128xi32, #tpu.memory_space<vmem>>, vector<16xi32>,
    %bitcast3A_1001 = vector.bitcast %get3A_1000 : vector<16xi32> to vector<32xbf16>
    %unpack3A_1002 = tpu.unpack_subelements %bitcast3A_996, 0 {pack_format = #tpu.pack_format<interleaved>} : vector<32xbf16> -> vector<16xf32>
    %unpack3A_1003 = tpu.unpack_subelements %bitcast3A_996, 1 {pack_format = #tpu.pack_format<interleaved>} : vector<32xbf16> -> vector<16xf32>
    %unpack3A_1004 = tpu.unpack_subelements %bitcast3A_1001, 0 {pack_format = #tpu.pack_format<interleaved>} : vector<32xbf16> -> vector<16xf32>
    %unpack3A_1005 = tpu.unpack_subelements %bitcast3A_1001, 1 {pack_format = #tpu.pack_format<interleaved>} : vector<32xbf16> -> vector<16xf32>
    %add3A_1006 = arith.addf %unpack3A_1002, %unpack3A_1004 : vector<16xf32>
    %swap3A_1007 = arith.constant 4 : i32
    %swap3A_1008 = arith.index_cast %swap3A_1007 : i32 to index
    %swap3A_1009 = arith.constant 224 : index
    %swap3A_1010 = tpu.vector_load %arg12[%swap3A_1008, %swap3A_1009] {strides = array<i32>} : memref<104x256xf32, #tpu.memory_space<vmem>>, vector<16xf32>,
    tpu.vector_store %arg12[%swap3A_1008, %swap3A_1009], %add3A_1006 {strides = array<i32>} : memref<104x256xf32, #tpu.memory_space<vmem>>, vector<16xf32>,
    %add3A_1011 = arith.addf %unpack3A_1003, %unpack3A_1005 : vector<16xf32>
    %swap3A_1012 = arith.constant 4 : i32
    %swap3A_1013 = arith.index_cast %swap3A_1012 : i32 to index
    %swap3A_1014 = arith.constant 240 : index
    %swap3A_1015 = tpu.vector_load %arg12[%swap3A_1013, %swap3A_1014] {strides = array<i32>} : memref<104x256xf32, #tpu.memory_space<vmem>>, vector<16xf32>,
    tpu.vector_store %arg12[%swap3A_1013, %swap3A_1014], %add3A_1011 {strides = array<i32>} : memref<104x256xf32, #tpu.memory_space<vmem>>, vector<16xf32>,
    %get3A_1016 = arith.constant 5 : i32
    %get3A_1017 = arith.index_cast %get3A_1016 : i32 to index
    %get3A_1018 = arith.constant 0 : index
    %get3A_1019 = tpu.vector_load %arg8[%get3A_1017, %get3A_1018] {strides = array<i32>} : memref<104x128xi32, #tpu.memory_space<vmem>>, vector<16xi32>,
    %bitcast3A_1020 = vector.bitcast %get3A_1019 : vector<16xi32> to vector<32xbf16>
    %get3A_1021 = arith.constant 5 : i32
    %get3A_1022 = arith.index_cast %get3A_1021 : i32 to index
    %get3A_1023 = arith.constant 0 : index
    %get3A_1024 = tpu.vector_load %arg10[%get3A_1022, %get3A_1023] {strides = array<i32>} : memref<104x128xi32, #tpu.memory_space<vmem>>, vector<16xi32>,
    %bitcast3A_1025 = vector.bitcast %get3A_1024 : vector<16xi32> to vector<32xbf16>
    %unpack3A_1026 = tpu.unpack_subelements %bitcast3A_1020, 0 {pack_format = #tpu.pack_format<interleaved>} : vector<32xbf16> -> vector<16xf32>
    %unpack3A_1027 = tpu.unpack_subelements %bitcast3A_1020, 1 {pack_format = #tpu.pack_format<interleaved>} : vector<32xbf16> -> vector<16xf32>
    %unpack3A_1028 = tpu.unpack_subelements %bitcast3A_1025, 0 {pack_format = #tpu.pack_format<interleaved>} : vector<32xbf16> -> vector<16xf32>
    %unpack3A_1029 = tpu.unpack_subelements %bitcast3A_1025, 1 {pack_format = #tpu.pack_format<interleaved>} : vector<32xbf16> -> vector<16xf32>
    %add3A_1030 = arith.addf %unpack3A_1026, %unpack3A_1028 : vector<16xf32>
    %swap3A_1031 = arith.constant 5 : i32
    %swap3A_1032 = arith.index_cast %swap3A_1031 : i32 to index
    %swap3A_1033 = arith.constant 0 : index
    %swap3A_1034 = tpu.vector_load %arg12[%swap3A_1032, %swap3A_1033] {strides = array<i32>} : memref<104x256xf32, #tpu.memory_space<vmem>>, vector<16xf32>,
    tpu.vector_store %arg12[%swap3A_1032, %swap3A_1033], %add3A_1030 {strides = array<i32>} : memref<104x256xf32, #tpu.memory_space<vmem>>, vector<16xf32>,
    %add3A_1035 = arith.addf %unpack3A_1027, %unpack3A_1029 : vector<16xf32>
    %swap3A_1036 = arith.constant 5 : i32
    %swap3A_1037 = arith.index_cast %swap3A_1036 : i32 to index
    %swap3A_1038 = arith.constant 16 : index
    %swap3A_1039 = tpu.vector_load %arg12[%swap3A_1037, %swap3A_1038] {strides = array<i32>} : memref<104x256xf32, #tpu.memory_space<vmem>>, vector<16xf32>,
    tpu.vector_store %arg12[%swap3A_1037, %swap3A_1038], %add3A_1035 {strides = array<i32>} : memref<104x256xf32, #tpu.memory_space<vmem>>, vector<16xf32>,
    %get3A_1040 = arith.constant 5 : i32
    %get3A_1041 = arith.index_cast %get3A_1040 : i32 to index
    %get3A_1042 = arith.constant 16 : index
    %get3A_1043 = tpu.vector_load %arg8[%get3A_1041, %get3A_1042] {strides = array<i32>} : memref<104x128xi32, #tpu.memory_space<vmem>>, vector<16xi32>,
    %bitcast3A_1044 = vector.bitcast %get3A_1043 : vector<16xi32> to vector<32xbf16>
    %get3A_1045 = arith.constant 5 : i32
    %get3A_1046 = arith.index_cast %get3A_1045 : i32 to index
    %get3A_1047 = arith.constant 16 : index
    %get3A_1048 = tpu.vector_load %arg10[%get3A_1046, %get3A_1047] {strides = array<i32>} : memref<104x128xi32, #tpu.memory_space<vmem>>, vector<16xi32>,
    %bitcast3A_1049 = vector.bitcast %get3A_1048 : vector<16xi32> to vector<32xbf16>
    %unpack3A_1050 = tpu.unpack_subelements %bitcast3A_1044, 0 {pack_format = #tpu.pack_format<interleaved>} : vector<32xbf16> -> vector<16xf32>
    %unpack3A_1051 = tpu.unpack_subelements %bitcast3A_1044, 1 {pack_format = #tpu.pack_format<interleaved>} : vector<32xbf16> -> vector<16xf32>
    %unpack3A_1052 = tpu.unpack_subelements %bitcast3A_1049, 0 {pack_format = #tpu.pack_format<interleaved>} : vector<32xbf16> -> vector<16xf32>
    %unpack3A_1053 = tpu.unpack_subelements %bitcast3A_1049, 1 {pack_format = #tpu.pack_format<interleaved>} : vector<32xbf16> -> vector<16xf32>
    %add3A_1054 = arith.addf %unpack3A_1050, %unpack3A_1052 : vector<16xf32>
    %swap3A_1055 = arith.constant 5 : i32
    %swap3A_1056 = arith.index_cast %swap3A_1055 : i32 to index
    %swap3A_1057 = arith.constant 32 : index
    %swap3A_1058 = tpu.vector_load %arg12[%swap3A_1056, %swap3A_1057] {strides = array<i32>} : memref<104x256xf32, #tpu.memory_space<vmem>>, vector<16xf32>,
    tpu.vector_store %arg12[%swap3A_1056, %swap3A_1057], %add3A_1054 {strides = array<i32>} : memref<104x256xf32, #tpu.memory_space<vmem>>, vector<16xf32>,
    %add3A_1059 = arith.addf %unpack3A_1051, %unpack3A_1053 : vector<16xf32>
    %swap3A_1060 = arith.constant 5 : i32
    %swap3A_1061 = arith.index_cast %swap3A_1060 : i32 to index
    %swap3A_1062 = arith.constant 48 : index
    %swap3A_1063 = tpu.vector_load %arg12[%swap3A_1061, %swap3A_1062] {strides = array<i32>} : memref<104x256xf32, #tpu.memory_space<vmem>>, vector<16xf32>,
    tpu.vector_store %arg12[%swap3A_1061, %swap3A_1062], %add3A_1059 {strides = array<i32>} : memref<104x256xf32, #tpu.memory_space<vmem>>, vector<16xf32>,
    %get3A_1064 = arith.constant 5 : i32
    %get3A_1065 = arith.index_cast %get3A_1064 : i32 to index
    %get3A_1066 = arith.constant 32 : index
    %get3A_1067 = tpu.vector_load %arg8[%get3A_1065, %get3A_1066] {strides = array<i32>} : memref<104x128xi32, #tpu.memory_space<vmem>>, vector<16xi32>,
    %bitcast3A_1068 = vector.bitcast %get3A_1067 : vector<16xi32> to vector<32xbf16>
    %get3A_1069 = arith.constant 5 : i32
    %get3A_1070 = arith.index_cast %get3A_1069 : i32 to index
    %get3A_1071 = arith.constant 32 : index
    %get3A_1072 = tpu.vector_load %arg10[%get3A_1070, %get3A_1071] {strides = array<i32>} : memref<104x128xi32, #tpu.memory_space<vmem>>, vector<16xi32>,
    %bitcast3A_1073 = vector.bitcast %get3A_1072 : vector<16xi32> to vector<32xbf16>
    %unpack3A_1074 = tpu.unpack_subelements %bitcast3A_1068, 0 {pack_format = #tpu.pack_format<interleaved>} : vector<32xbf16> -> vector<16xf32>
    %unpack3A_1075 = tpu.unpack_subelements %bitcast3A_1068, 1 {pack_format = #tpu.pack_format<interleaved>} : vector<32xbf16> -> vector<16xf32>
    %unpack3A_1076 = tpu.unpack_subelements %bitcast3A_1073, 0 {pack_format = #tpu.pack_format<interleaved>} : vector<32xbf16> -> vector<16xf32>
    %unpack3A_1077 = tpu.unpack_subelements %bitcast3A_1073, 1 {pack_format = #tpu.pack_format<interleaved>} : vector<32xbf16> -> vector<16xf32>
    %add3A_1078 = arith.addf %unpack3A_1074, %unpack3A_1076 : vector<16xf32>
    %swap3A_1079 = arith.constant 5 : i32
    %swap3A_1080 = arith.index_cast %swap3A_1079 : i32 to index
    %swap3A_1081 = arith.constant 64 : index
    %swap3A_1082 = tpu.vector_load %arg12[%swap3A_1080, %swap3A_1081] {strides = array<i32>} : memref<104x256xf32, #tpu.memory_space<vmem>>, vector<16xf32>,
    tpu.vector_store %arg12[%swap3A_1080, %swap3A_1081], %add3A_1078 {strides = array<i32>} : memref<104x256xf32, #tpu.memory_space<vmem>>, vector<16xf32>,
    %add3A_1083 = arith.addf %unpack3A_1075, %unpack3A_1077 : vector<16xf32>
    %swap3A_1084 = arith.constant 5 : i32
    %swap3A_1085 = arith.index_cast %swap3A_1084 : i32 to index
    %swap3A_1086 = arith.constant 80 : index
    %swap3A_1087 = tpu.vector_load %arg12[%swap3A_1085, %swap3A_1086] {strides = array<i32>} : memref<104x256xf32, #tpu.memory_space<vmem>>, vector<16xf32>,
    tpu.vector_store %arg12[%swap3A_1085, %swap3A_1086], %add3A_1083 {strides = array<i32>} : memref<104x256xf32, #tpu.memory_space<vmem>>, vector<16xf32>,
    %get3A_1088 = arith.constant 5 : i32
    %get3A_1089 = arith.index_cast %get3A_1088 : i32 to index
    %get3A_1090 = arith.constant 48 : index
    %get3A_1091 = tpu.vector_load %arg8[%get3A_1089, %get3A_1090] {strides = array<i32>} : memref<104x128xi32, #tpu.memory_space<vmem>>, vector<16xi32>,
    %bitcast3A_1092 = vector.bitcast %get3A_1091 : vector<16xi32> to vector<32xbf16>
    %get3A_1093 = arith.constant 5 : i32
    %get3A_1094 = arith.index_cast %get3A_1093 : i32 to index
    %get3A_1095 = arith.constant 48 : index
    %get3A_1096 = tpu.vector_load %arg10[%get3A_1094, %get3A_1095] {strides = array<i32>} : memref<104x128xi32, #tpu.memory_space<vmem>>, vector<16xi32>,
    %bitcast3A_1097 = vector.bitcast %get3A_1096 : vector<16xi32> to vector<32xbf16>
    %unpack3A_1098 = tpu.unpack_subelements %bitcast3A_1092, 0 {pack_format = #tpu.pack_format<interleaved>} : vector<32xbf16> -> vector<16xf32>
    %unpack3A_1099 = tpu.unpack_subelements %bitcast3A_1092, 1 {pack_format = #tpu.pack_format<interleaved>} : vector<32xbf16> -> vector<16xf32>
    %unpack3A_1100 = tpu.unpack_subelements %bitcast3A_1097, 0 {pack_format = #tpu.pack_format<interleaved>} : vector<32xbf16> -> vector<16xf32>
    %unpack3A_1101 = tpu.unpack_subelements %bitcast3A_1097, 1 {pack_format = #tpu.pack_format<interleaved>} : vector<32xbf16> -> vector<16xf32>
    %add3A_1102 = arith.addf %unpack3A_1098, %unpack3A_1100 : vector<16xf32>
    %swap3A_1103 = arith.constant 5 : i32
    %swap3A_1104 = arith.index_cast %swap3A_1103 : i32 to index
    %swap3A_1105 = arith.constant 96 : index
    %swap3A_1106 = tpu.vector_load %arg12[%swap3A_1104, %swap3A_1105] {strides = array<i32>} : memref<104x256xf32, #tpu.memory_space<vmem>>, vector<16xf32>,
    tpu.vector_store %arg12[%swap3A_1104, %swap3A_1105], %add3A_1102 {strides = array<i32>} : memref<104x256xf32, #tpu.memory_space<vmem>>, vector<16xf32>,
    %add3A_1107 = arith.addf %unpack3A_1099, %unpack3A_1101 : vector<16xf32>
    %swap3A_1108 = arith.constant 5 : i32
    %swap3A_1109 = arith.index_cast %swap3A_1108 : i32 to index
    %swap3A_1110 = arith.constant 112 : index
    %swap3A_1111 = tpu.vector_load %arg12[%swap3A_1109, %swap3A_1110] {strides = array<i32>} : memref<104x256xf32, #tpu.memory_space<vmem>>, vector<16xf32>,
    tpu.vector_store %arg12[%swap3A_1109, %swap3A_1110], %add3A_1107 {strides = array<i32>} : memref<104x256xf32, #tpu.memory_space<vmem>>, vector<16xf32>,
    %get3A_1112 = arith.constant 5 : i32
    %get3A_1113 = arith.index_cast %get3A_1112 : i32 to index
    %get3A_1114 = arith.constant 64 : index
    %get3A_1115 = tpu.vector_load %arg8[%get3A_1113, %get3A_1114] {strides = array<i32>} : memref<104x128xi32, #tpu.memory_space<vmem>>, vector<16xi32>,
    %bitcast3A_1116 = vector.bitcast %get3A_1115 : vector<16xi32> to vector<32xbf16>
    %get3A_1117 = arith.constant 5 : i32
    %get3A_1118 = arith.index_cast %get3A_1117 : i32 to index
    %get3A_1119 = arith.constant 64 : index
    %get3A_1120 = tpu.vector_load %arg10[%get3A_1118, %get3A_1119] {strides = array<i32>} : memref<104x128xi32, #tpu.memory_space<vmem>>, vector<16xi32>,
    %bitcast3A_1121 = vector.bitcast %get3A_1120 : vector<16xi32> to vector<32xbf16>
    %unpack3A_1122 = tpu.unpack_subelements %bitcast3A_1116, 0 {pack_format = #tpu.pack_format<interleaved>} : vector<32xbf16> -> vector<16xf32>
    %unpack3A_1123 = tpu.unpack_subelements %bitcast3A_1116, 1 {pack_format = #tpu.pack_format<interleaved>} : vector<32xbf16> -> vector<16xf32>
    %unpack3A_1124 = tpu.unpack_subelements %bitcast3A_1121, 0 {pack_format = #tpu.pack_format<interleaved>} : vector<32xbf16> -> vector<16xf32>
    %unpack3A_1125 = tpu.unpack_subelements %bitcast3A_1121, 1 {pack_format = #tpu.pack_format<interleaved>} : vector<32xbf16> -> vector<16xf32>
    %add3A_1126 = arith.addf %unpack3A_1122, %unpack3A_1124 : vector<16xf32>
    %swap3A_1127 = arith.constant 5 : i32
    %swap3A_1128 = arith.index_cast %swap3A_1127 : i32 to index
    %swap3A_1129 = arith.constant 128 : index
    %swap3A_1130 = tpu.vector_load %arg12[%swap3A_1128, %swap3A_1129] {strides = array<i32>} : memref<104x256xf32, #tpu.memory_space<vmem>>, vector<16xf32>,
    tpu.vector_store %arg12[%swap3A_1128, %swap3A_1129], %add3A_1126 {strides = array<i32>} : memref<104x256xf32, #tpu.memory_space<vmem>>, vector<16xf32>,
    %add3A_1131 = arith.addf %unpack3A_1123, %unpack3A_1125 : vector<16xf32>
    %swap3A_1132 = arith.constant 5 : i32
    %swap3A_1133 = arith.index_cast %swap3A_1132 : i32 to index
    %swap3A_1134 = arith.constant 144 : index
    %swap3A_1135 = tpu.vector_load %arg12[%swap3A_1133, %swap3A_1134] {strides = array<i32>} : memref<104x256xf32, #tpu.memory_space<vmem>>, vector<16xf32>,
    tpu.vector_store %arg12[%swap3A_1133, %swap3A_1134], %add3A_1131 {strides = array<i32>} : memref<104x256xf32, #tpu.memory_space<vmem>>, vector<16xf32>,
    %get3A_1136 = arith.constant 5 : i32
    %get3A_1137 = arith.index_cast %get3A_1136 : i32 to index
    %get3A_1138 = arith.constant 80 : index
    %get3A_1139 = tpu.vector_load %arg8[%get3A_1137, %get3A_1138] {strides = array<i32>} : memref<104x128xi32, #tpu.memory_space<vmem>>, vector<16xi32>,
    %bitcast3A_1140 = vector.bitcast %get3A_1139 : vector<16xi32> to vector<32xbf16>
    %get3A_1141 = arith.constant 5 : i32
    %get3A_1142 = arith.index_cast %get3A_1141 : i32 to index
    %get3A_1143 = arith.constant 80 : index
    %get3A_1144 = tpu.vector_load %arg10[%get3A_1142, %get3A_1143] {strides = array<i32>} : memref<104x128xi32, #tpu.memory_space<vmem>>, vector<16xi32>,
    %bitcast3A_1145 = vector.bitcast %get3A_1144 : vector<16xi32> to vector<32xbf16>
    %unpack3A_1146 = tpu.unpack_subelements %bitcast3A_1140, 0 {pack_format = #tpu.pack_format<interleaved>} : vector<32xbf16> -> vector<16xf32>
    %unpack3A_1147 = tpu.unpack_subelements %bitcast3A_1140, 1 {pack_format = #tpu.pack_format<interleaved>} : vector<32xbf16> -> vector<16xf32>
    %unpack3A_1148 = tpu.unpack_subelements %bitcast3A_1145, 0 {pack_format = #tpu.pack_format<interleaved>} : vector<32xbf16> -> vector<16xf32>
    %unpack3A_1149 = tpu.unpack_subelements %bitcast3A_1145, 1 {pack_format = #tpu.pack_format<interleaved>} : vector<32xbf16> -> vector<16xf32>
    %add3A_1150 = arith.addf %unpack3A_1146, %unpack3A_1148 : vector<16xf32>
    %swap3A_1151 = arith.constant 5 : i32
    %swap3A_1152 = arith.index_cast %swap3A_1151 : i32 to index
    %swap3A_1153 = arith.constant 160 : index
    %swap3A_1154 = tpu.vector_load %arg12[%swap3A_1152, %swap3A_1153] {strides = array<i32>} : memref<104x256xf32, #tpu.memory_space<vmem>>, vector<16xf32>,
    tpu.vector_store %arg12[%swap3A_1152, %swap3A_1153], %add3A_1150 {strides = array<i32>} : memref<104x256xf32, #tpu.memory_space<vmem>>, vector<16xf32>,
    %add3A_1155 = arith.addf %unpack3A_1147, %unpack3A_1149 : vector<16xf32>
    %swap3A_1156 = arith.constant 5 : i32
    %swap3A_1157 = arith.index_cast %swap3A_1156 : i32 to index
    %swap3A_1158 = arith.constant 176 : index
    %swap3A_1159 = tpu.vector_load %arg12[%swap3A_1157, %swap3A_1158] {strides = array<i32>} : memref<104x256xf32, #tpu.memory_space<vmem>>, vector<16xf32>,
    tpu.vector_store %arg12[%swap3A_1157, %swap3A_1158], %add3A_1155 {strides = array<i32>} : memref<104x256xf32, #tpu.memory_space<vmem>>, vector<16xf32>,
    %get3A_1160 = arith.constant 5 : i32
    %get3A_1161 = arith.index_cast %get3A_1160 : i32 to index
    %get3A_1162 = arith.constant 96 : index
    %get3A_1163 = tpu.vector_load %arg8[%get3A_1161, %get3A_1162] {strides = array<i32>} : memref<104x128xi32, #tpu.memory_space<vmem>>, vector<16xi32>,
    %bitcast3A_1164 = vector.bitcast %get3A_1163 : vector<16xi32> to vector<32xbf16>
    %get3A_1165 = arith.constant 5 : i32
    %get3A_1166 = arith.index_cast %get3A_1165 : i32 to index
    %get3A_1167 = arith.constant 96 : index
    %get3A_1168 = tpu.vector_load %arg10[%get3A_1166, %get3A_1167] {strides = array<i32>} : memref<104x128xi32, #tpu.memory_space<vmem>>, vector<16xi32>,
    %bitcast3A_1169 = vector.bitcast %get3A_1168 : vector<16xi32> to vector<32xbf16>
    %unpack3A_1170 = tpu.unpack_subelements %bitcast3A_1164, 0 {pack_format = #tpu.pack_format<interleaved>} : vector<32xbf16> -> vector<16xf32>
    %unpack3A_1171 = tpu.unpack_subelements %bitcast3A_1164, 1 {pack_format = #tpu.pack_format<interleaved>} : vector<32xbf16> -> vector<16xf32>
    %unpack3A_1172 = tpu.unpack_subelements %bitcast3A_1169, 0 {pack_format = #tpu.pack_format<interleaved>} : vector<32xbf16> -> vector<16xf32>
    %unpack3A_1173 = tpu.unpack_subelements %bitcast3A_1169, 1 {pack_format = #tpu.pack_format<interleaved>} : vector<32xbf16> -> vector<16xf32>
    %add3A_1174 = arith.addf %unpack3A_1170, %unpack3A_1172 : vector<16xf32>
    %swap3A_1175 = arith.constant 5 : i32
    %swap3A_1176 = arith.index_cast %swap3A_1175 : i32 to index
    %swap3A_1177 = arith.constant 192 : index
    %swap3A_1178 = tpu.vector_load %arg12[%swap3A_1176, %swap3A_1177] {strides = array<i32>} : memref<104x256xf32, #tpu.memory_space<vmem>>, vector<16xf32>,
    tpu.vector_store %arg12[%swap3A_1176, %swap3A_1177], %add3A_1174 {strides = array<i32>} : memref<104x256xf32, #tpu.memory_space<vmem>>, vector<16xf32>,
    %add3A_1179 = arith.addf %unpack3A_1171, %unpack3A_1173 : vector<16xf32>
    %swap3A_1180 = arith.constant 5 : i32
    %swap3A_1181 = arith.index_cast %swap3A_1180 : i32 to index
    %swap3A_1182 = arith.constant 208 : index
    %swap3A_1183 = tpu.vector_load %arg12[%swap3A_1181, %swap3A_1182] {strides = array<i32>} : memref<104x256xf32, #tpu.memory_space<vmem>>, vector<16xf32>,
    tpu.vector_store %arg12[%swap3A_1181, %swap3A_1182], %add3A_1179 {strides = array<i32>} : memref<104x256xf32, #tpu.memory_space<vmem>>, vector<16xf32>,
    %get3A_1184 = arith.constant 5 : i32
    %get3A_1185 = arith.index_cast %get3A_1184 : i32 to index
    %get3A_1186 = arith.constant 112 : index
    %get3A_1187 = tpu.vector_load %arg8[%get3A_1185, %get3A_1186] {strides = array<i32>} : memref<104x128xi32, #tpu.memory_space<vmem>>, vector<16xi32>,
    %bitcast3A_1188 = vector.bitcast %get3A_1187 : vector<16xi32> to vector<32xbf16>
    %get3A_1189 = arith.constant 5 : i32
    %get3A_1190 = arith.index_cast %get3A_1189 : i32 to index
    %get3A_1191 = arith.constant 112 : index
    %get3A_1192 = tpu.vector_load %arg10[%get3A_1190, %get3A_1191] {strides = array<i32>} : memref<104x128xi32, #tpu.memory_space<vmem>>, vector<16xi32>,
    %bitcast3A_1193 = vector.bitcast %get3A_1192 : vector<16xi32> to vector<32xbf16>
    %unpack3A_1194 = tpu.unpack_subelements %bitcast3A_1188, 0 {pack_format = #tpu.pack_format<interleaved>} : vector<32xbf16> -> vector<16xf32>
    %unpack3A_1195 = tpu.unpack_subelements %bitcast3A_1188, 1 {pack_format = #tpu.pack_format<interleaved>} : vector<32xbf16> -> vector<16xf32>
    %unpack3A_1196 = tpu.unpack_subelements %bitcast3A_1193, 0 {pack_format = #tpu.pack_format<interleaved>} : vector<32xbf16> -> vector<16xf32>
    %unpack3A_1197 = tpu.unpack_subelements %bitcast3A_1193, 1 {pack_format = #tpu.pack_format<interleaved>} : vector<32xbf16> -> vector<16xf32>
    %add3A_1198 = arith.addf %unpack3A_1194, %unpack3A_1196 : vector<16xf32>
    %swap3A_1199 = arith.constant 5 : i32
    %swap3A_1200 = arith.index_cast %swap3A_1199 : i32 to index
    %swap3A_1201 = arith.constant 224 : index
    %swap3A_1202 = tpu.vector_load %arg12[%swap3A_1200, %swap3A_1201] {strides = array<i32>} : memref<104x256xf32, #tpu.memory_space<vmem>>, vector<16xf32>,
    tpu.vector_store %arg12[%swap3A_1200, %swap3A_1201], %add3A_1198 {strides = array<i32>} : memref<104x256xf32, #tpu.memory_space<vmem>>, vector<16xf32>,
    %add3A_1203 = arith.addf %unpack3A_1195, %unpack3A_1197 : vector<16xf32>
    %swap3A_1204 = arith.constant 5 : i32
    %swap3A_1205 = arith.index_cast %swap3A_1204 : i32 to index
    %swap3A_1206 = arith.constant 240 : index
    %swap3A_1207 = tpu.vector_load %arg12[%swap3A_1205, %swap3A_1206] {strides = array<i32>} : memref<104x256xf32, #tpu.memory_space<vmem>>, vector<16xf32>,
    tpu.vector_store %arg12[%swap3A_1205, %swap3A_1206], %add3A_1203 {strides = array<i32>} : memref<104x256xf32, #tpu.memory_space<vmem>>, vector<16xf32>,
    %get3A_1208 = arith.constant 6 : i32
    %get3A_1209 = arith.index_cast %get3A_1208 : i32 to index
    %get3A_1210 = arith.constant 0 : index
    %get3A_1211 = tpu.vector_load %arg8[%get3A_1209, %get3A_1210] {strides = array<i32>} : memref<104x128xi32, #tpu.memory_space<vmem>>, vector<16xi32>,
    %bitcast3A_1212 = vector.bitcast %get3A_1211 : vector<16xi32> to vector<32xbf16>
    %get3A_1213 = arith.constant 6 : i32
    %get3A_1214 = arith.index_cast %get3A_1213 : i32 to index
    %get3A_1215 = arith.constant 0 : index
    %get3A_1216 = tpu.vector_load %arg10[%get3A_1214, %get3A_1215] {strides = array<i32>} : memref<104x128xi32, #tpu.memory_space<vmem>>, vector<16xi32>,
    %bitcast3A_1217 = vector.bitcast %get3A_1216 : vector<16xi32> to vector<32xbf16>
    %unpack3A_1218 = tpu.unpack_subelements %bitcast3A_1212, 0 {pack_format = #tpu.pack_format<interleaved>} : vector<32xbf16> -> vector<16xf32>
    %unpack3A_1219 = tpu.unpack_subelements %bitcast3A_1212, 1 {pack_format = #tpu.pack_format<interleaved>} : vector<32xbf16> -> vector<16xf32>
    %unpack3A_1220 = tpu.unpack_subelements %bitcast3A_1217, 0 {pack_format = #tpu.pack_format<interleaved>} : vector<32xbf16> -> vector<16xf32>
    %unpack3A_1221 = tpu.unpack_subelements %bitcast3A_1217, 1 {pack_format = #tpu.pack_format<interleaved>} : vector<32xbf16> -> vector<16xf32>
    %add3A_1222 = arith.addf %unpack3A_1218, %unpack3A_1220 : vector<16xf32>
    %swap3A_1223 = arith.constant 6 : i32
    %swap3A_1224 = arith.index_cast %swap3A_1223 : i32 to index
    %swap3A_1225 = arith.constant 0 : index
    %swap3A_1226 = tpu.vector_load %arg12[%swap3A_1224, %swap3A_1225] {strides = array<i32>} : memref<104x256xf32, #tpu.memory_space<vmem>>, vector<16xf32>,
    tpu.vector_store %arg12[%swap3A_1224, %swap3A_1225], %add3A_1222 {strides = array<i32>} : memref<104x256xf32, #tpu.memory_space<vmem>>, vector<16xf32>,
    %add3A_1227 = arith.addf %unpack3A_1219, %unpack3A_1221 : vector<16xf32>
    %swap3A_1228 = arith.constant 6 : i32
    %swap3A_1229 = arith.index_cast %swap3A_1228 : i32 to index
    %swap3A_1230 = arith.constant 16 : index
    %swap3A_1231 = tpu.vector_load %arg12[%swap3A_1229, %swap3A_1230] {strides = array<i32>} : memref<104x256xf32, #tpu.memory_space<vmem>>, vector<16xf32>,
    tpu.vector_store %arg12[%swap3A_1229, %swap3A_1230], %add3A_1227 {strides = array<i32>} : memref<104x256xf32, #tpu.memory_space<vmem>>, vector<16xf32>,
    %get3A_1232 = arith.constant 6 : i32
    %get3A_1233 = arith.index_cast %get3A_1232 : i32 to index
    %get3A_1234 = arith.constant 16 : index
    %get3A_1235 = tpu.vector_load %arg8[%get3A_1233, %get3A_1234] {strides = array<i32>} : memref<104x128xi32, #tpu.memory_space<vmem>>, vector<16xi32>,
    %bitcast3A_1236 = vector.bitcast %get3A_1235 : vector<16xi32> to vector<32xbf16>
    %get3A_1237 = arith.constant 6 : i32
    %get3A_1238 = arith.index_cast %get3A_1237 : i32 to index
    %get3A_1239 = arith.constant 16 : index
    %get3A_1240 = tpu.vector_load %arg10[%get3A_1238, %get3A_1239] {strides = array<i32>} : memref<104x128xi32, #tpu.memory_space<vmem>>, vector<16xi32>,
    %bitcast3A_1241 = vector.bitcast %get3A_1240 : vector<16xi32> to vector<32xbf16>
    %unpack3A_1242 = tpu.unpack_subelements %bitcast3A_1236, 0 {pack_format = #tpu.pack_format<interleaved>} : vector<32xbf16> -> vector<16xf32>
    %unpack3A_1243 = tpu.unpack_subelements %bitcast3A_1236, 1 {pack_format = #tpu.pack_format<interleaved>} : vector<32xbf16> -> vector<16xf32>
    %unpack3A_1244 = tpu.unpack_subelements %bitcast3A_1241, 0 {pack_format = #tpu.pack_format<interleaved>} : vector<32xbf16> -> vector<16xf32>
    %unpack3A_1245 = tpu.unpack_subelements %bitcast3A_1241, 1 {pack_format = #tpu.pack_format<interleaved>} : vector<32xbf16> -> vector<16xf32>
    %add3A_1246 = arith.addf %unpack3A_1242, %unpack3A_1244 : vector<16xf32>
    %swap3A_1247 = arith.constant 6 : i32
    %swap3A_1248 = arith.index_cast %swap3A_1247 : i32 to index
    %swap3A_1249 = arith.constant 32 : index
    %swap3A_1250 = tpu.vector_load %arg12[%swap3A_1248, %swap3A_1249] {strides = array<i32>} : memref<104x256xf32, #tpu.memory_space<vmem>>, vector<16xf32>,
    tpu.vector_store %arg12[%swap3A_1248, %swap3A_1249], %add3A_1246 {strides = array<i32>} : memref<104x256xf32, #tpu.memory_space<vmem>>, vector<16xf32>,
    %add3A_1251 = arith.addf %unpack3A_1243, %unpack3A_1245 : vector<16xf32>
    %swap3A_1252 = arith.constant 6 : i32
    %swap3A_1253 = arith.index_cast %swap3A_1252 : i32 to index
    %swap3A_1254 = arith.constant 48 : index
    %swap3A_1255 = tpu.vector_load %arg12[%swap3A_1253, %swap3A_1254] {strides = array<i32>} : memref<104x256xf32, #tpu.memory_space<vmem>>, vector<16xf32>,
    tpu.vector_store %arg12[%swap3A_1253, %swap3A_1254], %add3A_1251 {strides = array<i32>} : memref<104x256xf32, #tpu.memory_space<vmem>>, vector<16xf32>,
    %get3A_1256 = arith.constant 6 : i32
    %get3A_1257 = arith.index_cast %get3A_1256 : i32 to index
    %get3A_1258 = arith.constant 32 : index
    %get3A_1259 = tpu.vector_load %arg8[%get3A_1257, %get3A_1258] {strides = array<i32>} : memref<104x128xi32, #tpu.memory_space<vmem>>, vector<16xi32>,
    %bitcast3A_1260 = vector.bitcast %get3A_1259 : vector<16xi32> to vector<32xbf16>
    %get3A_1261 = arith.constant 6 : i32
    %get3A_1262 = arith.index_cast %get3A_1261 : i32 to index
    %get3A_1263 = arith.constant 32 : index
    %get3A_1264 = tpu.vector_load %arg10[%get3A_1262, %get3A_1263] {strides = array<i32>} : memref<104x128xi32, #tpu.memory_space<vmem>>, vector<16xi32>,
    %bitcast3A_1265 = vector.bitcast %get3A_1264 : vector<16xi32> to vector<32xbf16>
    %unpack3A_1266 = tpu.unpack_subelements %bitcast3A_1260, 0 {pack_format = #tpu.pack_format<interleaved>} : vector<32xbf16> -> vector<16xf32>
    %unpack3A_1267 = tpu.unpack_subelements %bitcast3A_1260, 1 {pack_format = #tpu.pack_format<interleaved>} : vector<32xbf16> -> vector<16xf32>
    %unpack3A_1268 = tpu.unpack_subelements %bitcast3A_1265, 0 {pack_format = #tpu.pack_format<interleaved>} : vector<32xbf16> -> vector<16xf32>
    %unpack3A_1269 = tpu.unpack_subelements %bitcast3A_1265, 1 {pack_format = #tpu.pack_format<interleaved>} : vector<32xbf16> -> vector<16xf32>
    %add3A_1270 = arith.addf %unpack3A_1266, %unpack3A_1268 : vector<16xf32>
    %swap3A_1271 = arith.constant 6 : i32
    %swap3A_1272 = arith.index_cast %swap3A_1271 : i32 to index
    %swap3A_1273 = arith.constant 64 : index
    %swap3A_1274 = tpu.vector_load %arg12[%swap3A_1272, %swap3A_1273] {strides = array<i32>} : memref<104x256xf32, #tpu.memory_space<vmem>>, vector<16xf32>,
    tpu.vector_store %arg12[%swap3A_1272, %swap3A_1273], %add3A_1270 {strides = array<i32>} : memref<104x256xf32, #tpu.memory_space<vmem>>, vector<16xf32>,
    %add3A_1275 = arith.addf %unpack3A_1267, %unpack3A_1269 : vector<16xf32>
    %swap3A_1276 = arith.constant 6 : i32
    %swap3A_1277 = arith.index_cast %swap3A_1276 : i32 to index
    %swap3A_1278 = arith.constant 80 : index
    %swap3A_1279 = tpu.vector_load %arg12[%swap3A_1277, %swap3A_1278] {strides = array<i32>} : memref<104x256xf32, #tpu.memory_space<vmem>>, vector<16xf32>,
    tpu.vector_store %arg12[%swap3A_1277, %swap3A_1278], %add3A_1275 {strides = array<i32>} : memref<104x256xf32, #tpu.memory_space<vmem>>, vector<16xf32>,
    %get3A_1280 = arith.constant 6 : i32
    %get3A_1281 = arith.index_cast %get3A_1280 : i32 to index
    %get3A_1282 = arith.constant 48 : index
    %get3A_1283 = tpu.vector_load %arg8[%get3A_1281, %get3A_1282] {strides = array<i32>} : memref<104x128xi32, #tpu.memory_space<vmem>>, vector<16xi32>,
    %bitcast3A_1284 = vector.bitcast %get3A_1283 : vector<16xi32> to vector<32xbf16>
    %get3A_1285 = arith.constant 6 : i32
    %get3A_1286 = arith.index_cast %get3A_1285 : i32 to index
    %get3A_1287 = arith.constant 48 : index
    %get3A_1288 = tpu.vector_load %arg10[%get3A_1286, %get3A_1287] {strides = array<i32>} : memref<104x128xi32, #tpu.memory_space<vmem>>, vector<16xi32>,
    %bitcast3A_1289 = vector.bitcast %get3A_1288 : vector<16xi32> to vector<32xbf16>
    %unpack3A_1290 = tpu.unpack_subelements %bitcast3A_1284, 0 {pack_format = #tpu.pack_format<interleaved>} : vector<32xbf16> -> vector<16xf32>
    %unpack3A_1291 = tpu.unpack_subelements %bitcast3A_1284, 1 {pack_format = #tpu.pack_format<interleaved>} : vector<32xbf16> -> vector<16xf32>
    %unpack3A_1292 = tpu.unpack_subelements %bitcast3A_1289, 0 {pack_format = #tpu.pack_format<interleaved>} : vector<32xbf16> -> vector<16xf32>
    %unpack3A_1293 = tpu.unpack_subelements %bitcast3A_1289, 1 {pack_format = #tpu.pack_format<interleaved>} : vector<32xbf16> -> vector<16xf32>
    %add3A_1294 = arith.addf %unpack3A_1290, %unpack3A_1292 : vector<16xf32>
    %swap3A_1295 = arith.constant 6 : i32
    %swap3A_1296 = arith.index_cast %swap3A_1295 : i32 to index
    %swap3A_1297 = arith.constant 96 : index
    %swap3A_1298 = tpu.vector_load %arg12[%swap3A_1296, %swap3A_1297] {strides = array<i32>} : memref<104x256xf32, #tpu.memory_space<vmem>>, vector<16xf32>,
    tpu.vector_store %arg12[%swap3A_1296, %swap3A_1297], %add3A_1294 {strides = array<i32>} : memref<104x256xf32, #tpu.memory_space<vmem>>, vector<16xf32>,
    %add3A_1299 = arith.addf %unpack3A_1291, %unpack3A_1293 : vector<16xf32>
    %swap3A_1300 = arith.constant 6 : i32
    %swap3A_1301 = arith.index_cast %swap3A_1300 : i32 to index
    %swap3A_1302 = arith.constant 112 : index
    %swap3A_1303 = tpu.vector_load %arg12[%swap3A_1301, %swap3A_1302] {strides = array<i32>} : memref<104x256xf32, #tpu.memory_space<vmem>>, vector<16xf32>,
    tpu.vector_store %arg12[%swap3A_1301, %swap3A_1302], %add3A_1299 {strides = array<i32>} : memref<104x256xf32, #tpu.memory_space<vmem>>, vector<16xf32>,
    %get3A_1304 = arith.constant 6 : i32
    %get3A_1305 = arith.index_cast %get3A_1304 : i32 to index
    %get3A_1306 = arith.constant 64 : index
    %get3A_1307 = tpu.vector_load %arg8[%get3A_1305, %get3A_1306] {strides = array<i32>} : memref<104x128xi32, #tpu.memory_space<vmem>>, vector<16xi32>,
    %bitcast3A_1308 = vector.bitcast %get3A_1307 : vector<16xi32> to vector<32xbf16>
    %get3A_1309 = arith.constant 6 : i32
    %get3A_1310 = arith.index_cast %get3A_1309 : i32 to index
    %get3A_1311 = arith.constant 64 : index
    %get3A_1312 = tpu.vector_load %arg10[%get3A_1310, %get3A_1311] {strides = array<i32>} : memref<104x128xi32, #tpu.memory_space<vmem>>, vector<16xi32>,
    %bitcast3A_1313 = vector.bitcast %get3A_1312 : vector<16xi32> to vector<32xbf16>
    %unpack3A_1314 = tpu.unpack_subelements %bitcast3A_1308, 0 {pack_format = #tpu.pack_format<interleaved>} : vector<32xbf16> -> vector<16xf32>
    %unpack3A_1315 = tpu.unpack_subelements %bitcast3A_1308, 1 {pack_format = #tpu.pack_format<interleaved>} : vector<32xbf16> -> vector<16xf32>
    %unpack3A_1316 = tpu.unpack_subelements %bitcast3A_1313, 0 {pack_format = #tpu.pack_format<interleaved>} : vector<32xbf16> -> vector<16xf32>
    %unpack3A_1317 = tpu.unpack_subelements %bitcast3A_1313, 1 {pack_format = #tpu.pack_format<interleaved>} : vector<32xbf16> -> vector<16xf32>
    %add3A_1318 = arith.addf %unpack3A_1314, %unpack3A_1316 : vector<16xf32>
    %swap3A_1319 = arith.constant 6 : i32
    %swap3A_1320 = arith.index_cast %swap3A_1319 : i32 to index
    %swap3A_1321 = arith.constant 128 : index
    %swap3A_1322 = tpu.vector_load %arg12[%swap3A_1320, %swap3A_1321] {strides = array<i32>} : memref<104x256xf32, #tpu.memory_space<vmem>>, vector<16xf32>,
    tpu.vector_store %arg12[%swap3A_1320, %swap3A_1321], %add3A_1318 {strides = array<i32>} : memref<104x256xf32, #tpu.memory_space<vmem>>, vector<16xf32>,
    %add3A_1323 = arith.addf %unpack3A_1315, %unpack3A_1317 : vector<16xf32>
    %swap3A_1324 = arith.constant 6 : i32
    %swap3A_1325 = arith.index_cast %swap3A_1324 : i32 to index
    %swap3A_1326 = arith.constant 144 : index
    %swap3A_1327 = tpu.vector_load %arg12[%swap3A_1325, %swap3A_1326] {strides = array<i32>} : memref<104x256xf32, #tpu.memory_space<vmem>>, vector<16xf32>,
    tpu.vector_store %arg12[%swap3A_1325, %swap3A_1326], %add3A_1323 {strides = array<i32>} : memref<104x256xf32, #tpu.memory_space<vmem>>, vector<16xf32>,
    %get3A_1328 = arith.constant 6 : i32
    %get3A_1329 = arith.index_cast %get3A_1328 : i32 to index
    %get3A_1330 = arith.constant 80 : index
    %get3A_1331 = tpu.vector_load %arg8[%get3A_1329, %get3A_1330] {strides = array<i32>} : memref<104x128xi32, #tpu.memory_space<vmem>>, vector<16xi32>,
    %bitcast3A_1332 = vector.bitcast %get3A_1331 : vector<16xi32> to vector<32xbf16>
    %get3A_1333 = arith.constant 6 : i32
    %get3A_1334 = arith.index_cast %get3A_1333 : i32 to index
    %get3A_1335 = arith.constant 80 : index
    %get3A_1336 = tpu.vector_load %arg10[%get3A_1334, %get3A_1335] {strides = array<i32>} : memref<104x128xi32, #tpu.memory_space<vmem>>, vector<16xi32>,
    %bitcast3A_1337 = vector.bitcast %get3A_1336 : vector<16xi32> to vector<32xbf16>
    %unpack3A_1338 = tpu.unpack_subelements %bitcast3A_1332, 0 {pack_format = #tpu.pack_format<interleaved>} : vector<32xbf16> -> vector<16xf32>
    %unpack3A_1339 = tpu.unpack_subelements %bitcast3A_1332, 1 {pack_format = #tpu.pack_format<interleaved>} : vector<32xbf16> -> vector<16xf32>
    %unpack3A_1340 = tpu.unpack_subelements %bitcast3A_1337, 0 {pack_format = #tpu.pack_format<interleaved>} : vector<32xbf16> -> vector<16xf32>
    %unpack3A_1341 = tpu.unpack_subelements %bitcast3A_1337, 1 {pack_format = #tpu.pack_format<interleaved>} : vector<32xbf16> -> vector<16xf32>
    %add3A_1342 = arith.addf %unpack3A_1338, %unpack3A_1340 : vector<16xf32>
    %swap3A_1343 = arith.constant 6 : i32
    %swap3A_1344 = arith.index_cast %swap3A_1343 : i32 to index
    %swap3A_1345 = arith.constant 160 : index
    %swap3A_1346 = tpu.vector_load %arg12[%swap3A_1344, %swap3A_1345] {strides = array<i32>} : memref<104x256xf32, #tpu.memory_space<vmem>>, vector<16xf32>,
    tpu.vector_store %arg12[%swap3A_1344, %swap3A_1345], %add3A_1342 {strides = array<i32>} : memref<104x256xf32, #tpu.memory_space<vmem>>, vector<16xf32>,
    %add3A_1347 = arith.addf %unpack3A_1339, %unpack3A_1341 : vector<16xf32>
    %swap3A_1348 = arith.constant 6 : i32
    %swap3A_1349 = arith.index_cast %swap3A_1348 : i32 to index
    %swap3A_1350 = arith.constant 176 : index
    %swap3A_1351 = tpu.vector_load %arg12[%swap3A_1349, %swap3A_1350] {strides = array<i32>} : memref<104x256xf32, #tpu.memory_space<vmem>>, vector<16xf32>,
    tpu.vector_store %arg12[%swap3A_1349, %swap3A_1350], %add3A_1347 {strides = array<i32>} : memref<104x256xf32, #tpu.memory_space<vmem>>, vector<16xf32>,
    %get3A_1352 = arith.constant 6 : i32
    %get3A_1353 = arith.index_cast %get3A_1352 : i32 to index
    %get3A_1354 = arith.constant 96 : index
    %get3A_1355 = tpu.vector_load %arg8[%get3A_1353, %get3A_1354] {strides = array<i32>} : memref<104x128xi32, #tpu.memory_space<vmem>>, vector<16xi32>,
    %bitcast3A_1356 = vector.bitcast %get3A_1355 : vector<16xi32> to vector<32xbf16>
    %get3A_1357 = arith.constant 6 : i32
    %get3A_1358 = arith.index_cast %get3A_1357 : i32 to index
    %get3A_1359 = arith.constant 96 : index
    %get3A_1360 = tpu.vector_load %arg10[%get3A_1358, %get3A_1359] {strides = array<i32>} : memref<104x128xi32, #tpu.memory_space<vmem>>, vector<16xi32>,
    %bitcast3A_1361 = vector.bitcast %get3A_1360 : vector<16xi32> to vector<32xbf16>
    %unpack3A_1362 = tpu.unpack_subelements %bitcast3A_1356, 0 {pack_format = #tpu.pack_format<interleaved>} : vector<32xbf16> -> vector<16xf32>
    %unpack3A_1363 = tpu.unpack_subelements %bitcast3A_1356, 1 {pack_format = #tpu.pack_format<interleaved>} : vector<32xbf16> -> vector<16xf32>
    %unpack3A_1364 = tpu.unpack_subelements %bitcast3A_1361, 0 {pack_format = #tpu.pack_format<interleaved>} : vector<32xbf16> -> vector<16xf32>
    %unpack3A_1365 = tpu.unpack_subelements %bitcast3A_1361, 1 {pack_format = #tpu.pack_format<interleaved>} : vector<32xbf16> -> vector<16xf32>
    %add3A_1366 = arith.addf %unpack3A_1362, %unpack3A_1364 : vector<16xf32>
    %swap3A_1367 = arith.constant 6 : i32
    %swap3A_1368 = arith.index_cast %swap3A_1367 : i32 to index
    %swap3A_1369 = arith.constant 192 : index
    %swap3A_1370 = tpu.vector_load %arg12[%swap3A_1368, %swap3A_1369] {strides = array<i32>} : memref<104x256xf32, #tpu.memory_space<vmem>>, vector<16xf32>,
    tpu.vector_store %arg12[%swap3A_1368, %swap3A_1369], %add3A_1366 {strides = array<i32>} : memref<104x256xf32, #tpu.memory_space<vmem>>, vector<16xf32>,
    %add3A_1371 = arith.addf %unpack3A_1363, %unpack3A_1365 : vector<16xf32>
    %swap3A_1372 = arith.constant 6 : i32
    %swap3A_1373 = arith.index_cast %swap3A_1372 : i32 to index
    %swap3A_1374 = arith.constant 208 : index
    %swap3A_1375 = tpu.vector_load %arg12[%swap3A_1373, %swap3A_1374] {strides = array<i32>} : memref<104x256xf32, #tpu.memory_space<vmem>>, vector<16xf32>,
    tpu.vector_store %arg12[%swap3A_1373, %swap3A_1374], %add3A_1371 {strides = array<i32>} : memref<104x256xf32, #tpu.memory_space<vmem>>, vector<16xf32>,
    %get3A_1376 = arith.constant 6 : i32
    %get3A_1377 = arith.index_cast %get3A_1376 : i32 to index
    %get3A_1378 = arith.constant 112 : index
    %get3A_1379 = tpu.vector_load %arg8[%get3A_1377, %get3A_1378] {strides = array<i32>} : memref<104x128xi32, #tpu.memory_space<vmem>>, vector<16xi32>,
    %bitcast3A_1380 = vector.bitcast %get3A_1379 : vector<16xi32> to vector<32xbf16>
    %get3A_1381 = arith.constant 6 : i32
    %get3A_1382 = arith.index_cast %get3A_1381 : i32 to index
    %get3A_1383 = arith.constant 112 : index
    %get3A_1384 = tpu.vector_load %arg10[%get3A_1382, %get3A_1383] {strides = array<i32>} : memref<104x128xi32, #tpu.memory_space<vmem>>, vector<16xi32>,
    %bitcast3A_1385 = vector.bitcast %get3A_1384 : vector<16xi32> to vector<32xbf16>
    %unpack3A_1386 = tpu.unpack_subelements %bitcast3A_1380, 0 {pack_format = #tpu.pack_format<interleaved>} : vector<32xbf16> -> vector<16xf32>
    %unpack3A_1387 = tpu.unpack_subelements %bitcast3A_1380, 1 {pack_format = #tpu.pack_format<interleaved>} : vector<32xbf16> -> vector<16xf32>
    %unpack3A_1388 = tpu.unpack_subelements %bitcast3A_1385, 0 {pack_format = #tpu.pack_format<interleaved>} : vector<32xbf16> -> vector<16xf32>
    %unpack3A_1389 = tpu.unpack_subelements %bitcast3A_1385, 1 {pack_format = #tpu.pack_format<interleaved>} : vector<32xbf16> -> vector<16xf32>
    %add3A_1390 = arith.addf %unpack3A_1386, %unpack3A_1388 : vector<16xf32>
    %swap3A_1391 = arith.constant 6 : i32
    %swap3A_1392 = arith.index_cast %swap3A_1391 : i32 to index
    %swap3A_1393 = arith.constant 224 : index
    %swap3A_1394 = tpu.vector_load %arg12[%swap3A_1392, %swap3A_1393] {strides = array<i32>} : memref<104x256xf32, #tpu.memory_space<vmem>>, vector<16xf32>,
    tpu.vector_store %arg12[%swap3A_1392, %swap3A_1393], %add3A_1390 {strides = array<i32>} : memref<104x256xf32, #tpu.memory_space<vmem>>, vector<16xf32>,
    %add3A_1395 = arith.addf %unpack3A_1387, %unpack3A_1389 : vector<16xf32>
    %swap3A_1396 = arith.constant 6 : i32
    %swap3A_1397 = arith.index_cast %swap3A_1396 : i32 to index
    %swap3A_1398 = arith.constant 240 : index
    %swap3A_1399 = tpu.vector_load %arg12[%swap3A_1397, %swap3A_1398] {strides = array<i32>} : memref<104x256xf32, #tpu.memory_space<vmem>>, vector<16xf32>,
    tpu.vector_store %arg12[%swap3A_1397, %swap3A_1398], %add3A_1395 {strides = array<i32>} : memref<104x256xf32, #tpu.memory_space<vmem>>, vector<16xf32>,
    %get3A_1400 = arith.constant 7 : i32
    %get3A_1401 = arith.index_cast %get3A_1400 : i32 to index
    %get3A_1402 = arith.constant 0 : index
    %get3A_1403 = tpu.vector_load %arg8[%get3A_1401, %get3A_1402] {strides = array<i32>} : memref<104x128xi32, #tpu.memory_space<vmem>>, vector<16xi32>,
    %bitcast3A_1404 = vector.bitcast %get3A_1403 : vector<16xi32> to vector<32xbf16>
    %get3A_1405 = arith.constant 7 : i32
    %get3A_1406 = arith.index_cast %get3A_1405 : i32 to index
    %get3A_1407 = arith.constant 0 : index
    %get3A_1408 = tpu.vector_load %arg10[%get3A_1406, %get3A_1407] {strides = array<i32>} : memref<104x128xi32, #tpu.memory_space<vmem>>, vector<16xi32>,
    %bitcast3A_1409 = vector.bitcast %get3A_1408 : vector<16xi32> to vector<32xbf16>
    %unpack3A_1410 = tpu.unpack_subelements %bitcast3A_1404, 0 {pack_format = #tpu.pack_format<interleaved>} : vector<32xbf16> -> vector<16xf32>
    %unpack3A_1411 = tpu.unpack_subelements %bitcast3A_1404, 1 {pack_format = #tpu.pack_format<interleaved>} : vector<32xbf16> -> vector<16xf32>
    %unpack3A_1412 = tpu.unpack_subelements %bitcast3A_1409, 0 {pack_format = #tpu.pack_format<interleaved>} : vector<32xbf16> -> vector<16xf32>
    %unpack3A_1413 = tpu.unpack_subelements %bitcast3A_1409, 1 {pack_format = #tpu.pack_format<interleaved>} : vector<32xbf16> -> vector<16xf32>
    %add3A_1414 = arith.addf %unpack3A_1410, %unpack3A_1412 : vector<16xf32>
    %swap3A_1415 = arith.constant 7 : i32
    %swap3A_1416 = arith.index_cast %swap3A_1415 : i32 to index
    %swap3A_1417 = arith.constant 0 : index
    %swap3A_1418 = tpu.vector_load %arg12[%swap3A_1416, %swap3A_1417] {strides = array<i32>} : memref<104x256xf32, #tpu.memory_space<vmem>>, vector<16xf32>,
    tpu.vector_store %arg12[%swap3A_1416, %swap3A_1417], %add3A_1414 {strides = array<i32>} : memref<104x256xf32, #tpu.memory_space<vmem>>, vector<16xf32>,
    %add3A_1419 = arith.addf %unpack3A_1411, %unpack3A_1413 : vector<16xf32>
    %swap3A_1420 = arith.constant 7 : i32
    %swap3A_1421 = arith.index_cast %swap3A_1420 : i32 to index
    %swap3A_1422 = arith.constant 16 : index
    %swap3A_1423 = tpu.vector_load %arg12[%swap3A_1421, %swap3A_1422] {strides = array<i32>} : memref<104x256xf32, #tpu.memory_space<vmem>>, vector<16xf32>,
    tpu.vector_store %arg12[%swap3A_1421, %swap3A_1422], %add3A_1419 {strides = array<i32>} : memref<104x256xf32, #tpu.memory_space<vmem>>, vector<16xf32>,
    %get3A_1424 = arith.constant 7 : i32
    %get3A_1425 = arith.index_cast %get3A_1424 : i32 to index
    %get3A_1426 = arith.constant 16 : index
    %get3A_1427 = tpu.vector_load %arg8[%get3A_1425, %get3A_1426] {strides = array<i32>} : memref<104x128xi32, #tpu.memory_space<vmem>>, vector<16xi32>,
    %bitcast3A_1428 = vector.bitcast %get3A_1427 : vector<16xi32> to vector<32xbf16>
    %get3A_1429 = arith.constant 7 : i32
    %get3A_1430 = arith.index_cast %get3A_1429 : i32 to index
    %get3A_1431 = arith.constant 16 : index
    %get3A_1432 = tpu.vector_load %arg10[%get3A_1430, %get3A_1431] {strides = array<i32>} : memref<104x128xi32, #tpu.memory_space<vmem>>, vector<16xi32>,
    %bitcast3A_1433 = vector.bitcast %get3A_1432 : vector<16xi32> to vector<32xbf16>
    %unpack3A_1434 = tpu.unpack_subelements %bitcast3A_1428, 0 {pack_format = #tpu.pack_format<interleaved>} : vector<32xbf16> -> vector<16xf32>
    %unpack3A_1435 = tpu.unpack_subelements %bitcast3A_1428, 1 {pack_format = #tpu.pack_format<interleaved>} : vector<32xbf16> -> vector<16xf32>
    %unpack3A_1436 = tpu.unpack_subelements %bitcast3A_1433, 0 {pack_format = #tpu.pack_format<interleaved>} : vector<32xbf16> -> vector<16xf32>
    %unpack3A_1437 = tpu.unpack_subelements %bitcast3A_1433, 1 {pack_format = #tpu.pack_format<interleaved>} : vector<32xbf16> -> vector<16xf32>
    %add3A_1438 = arith.addf %unpack3A_1434, %unpack3A_1436 : vector<16xf32>
    %swap3A_1439 = arith.constant 7 : i32
    %swap3A_1440 = arith.index_cast %swap3A_1439 : i32 to index
    %swap3A_1441 = arith.constant 32 : index
    %swap3A_1442 = tpu.vector_load %arg12[%swap3A_1440, %swap3A_1441] {strides = array<i32>} : memref<104x256xf32, #tpu.memory_space<vmem>>, vector<16xf32>,
    tpu.vector_store %arg12[%swap3A_1440, %swap3A_1441], %add3A_1438 {strides = array<i32>} : memref<104x256xf32, #tpu.memory_space<vmem>>, vector<16xf32>,
    %add3A_1443 = arith.addf %unpack3A_1435, %unpack3A_1437 : vector<16xf32>
    %swap3A_1444 = arith.constant 7 : i32
    %swap3A_1445 = arith.index_cast %swap3A_1444 : i32 to index
    %swap3A_1446 = arith.constant 48 : index
    %swap3A_1447 = tpu.vector_load %arg12[%swap3A_1445, %swap3A_1446] {strides = array<i32>} : memref<104x256xf32, #tpu.memory_space<vmem>>, vector<16xf32>,
    tpu.vector_store %arg12[%swap3A_1445, %swap3A_1446], %add3A_1443 {strides = array<i32>} : memref<104x256xf32, #tpu.memory_space<vmem>>, vector<16xf32>,
    %get3A_1448 = arith.constant 7 : i32
    %get3A_1449 = arith.index_cast %get3A_1448 : i32 to index
    %get3A_1450 = arith.constant 32 : index
    %get3A_1451 = tpu.vector_load %arg8[%get3A_1449, %get3A_1450] {strides = array<i32>} : memref<104x128xi32, #tpu.memory_space<vmem>>, vector<16xi32>,
    %bitcast3A_1452 = vector.bitcast %get3A_1451 : vector<16xi32> to vector<32xbf16>
    %get3A_1453 = arith.constant 7 : i32
    %get3A_1454 = arith.index_cast %get3A_1453 : i32 to index
    %get3A_1455 = arith.constant 32 : index
    %get3A_1456 = tpu.vector_load %arg10[%get3A_1454, %get3A_1455] {strides = array<i32>} : memref<104x128xi32, #tpu.memory_space<vmem>>, vector<16xi32>,
    %bitcast3A_1457 = vector.bitcast %get3A_1456 : vector<16xi32> to vector<32xbf16>
    %unpack3A_1458 = tpu.unpack_subelements %bitcast3A_1452, 0 {pack_format = #tpu.pack_format<interleaved>} : vector<32xbf16> -> vector<16xf32>
    %unpack3A_1459 = tpu.unpack_subelements %bitcast3A_1452, 1 {pack_format = #tpu.pack_format<interleaved>} : vector<32xbf16> -> vector<16xf32>
    %unpack3A_1460 = tpu.unpack_subelements %bitcast3A_1457, 0 {pack_format = #tpu.pack_format<interleaved>} : vector<32xbf16> -> vector<16xf32>
    %unpack3A_1461 = tpu.unpack_subelements %bitcast3A_1457, 1 {pack_format = #tpu.pack_format<interleaved>} : vector<32xbf16> -> vector<16xf32>
    %add3A_1462 = arith.addf %unpack3A_1458, %unpack3A_1460 : vector<16xf32>
    %swap3A_1463 = arith.constant 7 : i32
    %swap3A_1464 = arith.index_cast %swap3A_1463 : i32 to index
    %swap3A_1465 = arith.constant 64 : index
    %swap3A_1466 = tpu.vector_load %arg12[%swap3A_1464, %swap3A_1465] {strides = array<i32>} : memref<104x256xf32, #tpu.memory_space<vmem>>, vector<16xf32>,
    tpu.vector_store %arg12[%swap3A_1464, %swap3A_1465], %add3A_1462 {strides = array<i32>} : memref<104x256xf32, #tpu.memory_space<vmem>>, vector<16xf32>,
    %add3A_1467 = arith.addf %unpack3A_1459, %unpack3A_1461 : vector<16xf32>
    %swap3A_1468 = arith.constant 7 : i32
    %swap3A_1469 = arith.index_cast %swap3A_1468 : i32 to index
    %swap3A_1470 = arith.constant 80 : index
    %swap3A_1471 = tpu.vector_load %arg12[%swap3A_1469, %swap3A_1470] {strides = array<i32>} : memref<104x256xf32, #tpu.memory_space<vmem>>, vector<16xf32>,
    tpu.vector_store %arg12[%swap3A_1469, %swap3A_1470], %add3A_1467 {strides = array<i32>} : memref<104x256xf32, #tpu.memory_space<vmem>>, vector<16xf32>,
    %get3A_1472 = arith.constant 7 : i32
    %get3A_1473 = arith.index_cast %get3A_1472 : i32 to index
    %get3A_1474 = arith.constant 48 : index
    %get3A_1475 = tpu.vector_load %arg8[%get3A_1473, %get3A_1474] {strides = array<i32>} : memref<104x128xi32, #tpu.memory_space<vmem>>, vector<16xi32>,
    %bitcast3A_1476 = vector.bitcast %get3A_1475 : vector<16xi32> to vector<32xbf16>
    %get3A_1477 = arith.constant 7 : i32
    %get3A_1478 = arith.index_cast %get3A_1477 : i32 to index
    %get3A_1479 = arith.constant 48 : index
    %get3A_1480 = tpu.vector_load %arg10[%get3A_1478, %get3A_1479] {strides = array<i32>} : memref<104x128xi32, #tpu.memory_space<vmem>>, vector<16xi32>,
    %bitcast3A_1481 = vector.bitcast %get3A_1480 : vector<16xi32> to vector<32xbf16>
    %unpack3A_1482 = tpu.unpack_subelements %bitcast3A_1476, 0 {pack_format = #tpu.pack_format<interleaved>} : vector<32xbf16> -> vector<16xf32>
    %unpack3A_1483 = tpu.unpack_subelements %bitcast3A_1476, 1 {pack_format = #tpu.pack_format<interleaved>} : vector<32xbf16> -> vector<16xf32>
    %unpack3A_1484 = tpu.unpack_subelements %bitcast3A_1481, 0 {pack_format = #tpu.pack_format<interleaved>} : vector<32xbf16> -> vector<16xf32>
    %unpack3A_1485 = tpu.unpack_subelements %bitcast3A_1481, 1 {pack_format = #tpu.pack_format<interleaved>} : vector<32xbf16> -> vector<16xf32>
    %add3A_1486 = arith.addf %unpack3A_1482, %unpack3A_1484 : vector<16xf32>
    %swap3A_1487 = arith.constant 7 : i32
    %swap3A_1488 = arith.index_cast %swap3A_1487 : i32 to index
    %swap3A_1489 = arith.constant 96 : index
    %swap3A_1490 = tpu.vector_load %arg12[%swap3A_1488, %swap3A_1489] {strides = array<i32>} : memref<104x256xf32, #tpu.memory_space<vmem>>, vector<16xf32>,
    tpu.vector_store %arg12[%swap3A_1488, %swap3A_1489], %add3A_1486 {strides = array<i32>} : memref<104x256xf32, #tpu.memory_space<vmem>>, vector<16xf32>,
    %add3A_1491 = arith.addf %unpack3A_1483, %unpack3A_1485 : vector<16xf32>
    %swap3A_1492 = arith.constant 7 : i32
    %swap3A_1493 = arith.index_cast %swap3A_1492 : i32 to index
    %swap3A_1494 = arith.constant 112 : index
    %swap3A_1495 = tpu.vector_load %arg12[%swap3A_1493, %swap3A_1494] {strides = array<i32>} : memref<104x256xf32, #tpu.memory_space<vmem>>, vector<16xf32>,
    tpu.vector_store %arg12[%swap3A_1493, %swap3A_1494], %add3A_1491 {strides = array<i32>} : memref<104x256xf32, #tpu.memory_space<vmem>>, vector<16xf32>,
    %get3A_1496 = arith.constant 7 : i32
    %get3A_1497 = arith.index_cast %get3A_1496 : i32 to index
    %get3A_1498 = arith.constant 64 : index
    %get3A_1499 = tpu.vector_load %arg8[%get3A_1497, %get3A_1498] {strides = array<i32>} : memref<104x128xi32, #tpu.memory_space<vmem>>, vector<16xi32>,
    %bitcast3A_1500 = vector.bitcast %get3A_1499 : vector<16xi32> to vector<32xbf16>
    %get3A_1501 = arith.constant 7 : i32
    %get3A_1502 = arith.index_cast %get3A_1501 : i32 to index
    %get3A_1503 = arith.constant 64 : index
    %get3A_1504 = tpu.vector_load %arg10[%get3A_1502, %get3A_1503] {strides = array<i32>} : memref<104x128xi32, #tpu.memory_space<vmem>>, vector<16xi32>,
    %bitcast3A_1505 = vector.bitcast %get3A_1504 : vector<16xi32> to vector<32xbf16>
    %unpack3A_1506 = tpu.unpack_subelements %bitcast3A_1500, 0 {pack_format = #tpu.pack_format<interleaved>} : vector<32xbf16> -> vector<16xf32>
    %unpack3A_1507 = tpu.unpack_subelements %bitcast3A_1500, 1 {pack_format = #tpu.pack_format<interleaved>} : vector<32xbf16> -> vector<16xf32>
    %unpack3A_1508 = tpu.unpack_subelements %bitcast3A_1505, 0 {pack_format = #tpu.pack_format<interleaved>} : vector<32xbf16> -> vector<16xf32>
    %unpack3A_1509 = tpu.unpack_subelements %bitcast3A_1505, 1 {pack_format = #tpu.pack_format<interleaved>} : vector<32xbf16> -> vector<16xf32>
    %add3A_1510 = arith.addf %unpack3A_1506, %unpack3A_1508 : vector<16xf32>
    %swap3A_1511 = arith.constant 7 : i32
    %swap3A_1512 = arith.index_cast %swap3A_1511 : i32 to index
    %swap3A_1513 = arith.constant 128 : index
    %swap3A_1514 = tpu.vector_load %arg12[%swap3A_1512, %swap3A_1513] {strides = array<i32>} : memref<104x256xf32, #tpu.memory_space<vmem>>, vector<16xf32>,
    tpu.vector_store %arg12[%swap3A_1512, %swap3A_1513], %add3A_1510 {strides = array<i32>} : memref<104x256xf32, #tpu.memory_space<vmem>>, vector<16xf32>,
    %add3A_1515 = arith.addf %unpack3A_1507, %unpack3A_1509 : vector<16xf32>
    %swap3A_1516 = arith.constant 7 : i32
    %swap3A_1517 = arith.index_cast %swap3A_1516 : i32 to index
    %swap3A_1518 = arith.constant 144 : index
    %swap3A_1519 = tpu.vector_load %arg12[%swap3A_1517, %swap3A_1518] {strides = array<i32>} : memref<104x256xf32, #tpu.memory_space<vmem>>, vector<16xf32>,
    tpu.vector_store %arg12[%swap3A_1517, %swap3A_1518], %add3A_1515 {strides = array<i32>} : memref<104x256xf32, #tpu.memory_space<vmem>>, vector<16xf32>,
    %get3A_1520 = arith.constant 7 : i32
    %get3A_1521 = arith.index_cast %get3A_1520 : i32 to index
    %get3A_1522 = arith.constant 80 : index
    %get3A_1523 = tpu.vector_load %arg8[%get3A_1521, %get3A_1522] {strides = array<i32>} : memref<104x128xi32, #tpu.memory_space<vmem>>, vector<16xi32>,
    %bitcast3A_1524 = vector.bitcast %get3A_1523 : vector<16xi32> to vector<32xbf16>
    %get3A_1525 = arith.constant 7 : i32
    %get3A_1526 = arith.index_cast %get3A_1525 : i32 to index
    %get3A_1527 = arith.constant 80 : index
    %get3A_1528 = tpu.vector_load %arg10[%get3A_1526, %get3A_1527] {strides = array<i32>} : memref<104x128xi32, #tpu.memory_space<vmem>>, vector<16xi32>,
    %bitcast3A_1529 = vector.bitcast %get3A_1528 : vector<16xi32> to vector<32xbf16>
    %unpack3A_1530 = tpu.unpack_subelements %bitcast3A_1524, 0 {pack_format = #tpu.pack_format<interleaved>} : vector<32xbf16> -> vector<16xf32>
    %unpack3A_1531 = tpu.unpack_subelements %bitcast3A_1524, 1 {pack_format = #tpu.pack_format<interleaved>} : vector<32xbf16> -> vector<16xf32>
    %unpack3A_1532 = tpu.unpack_subelements %bitcast3A_1529, 0 {pack_format = #tpu.pack_format<interleaved>} : vector<32xbf16> -> vector<16xf32>
    %unpack3A_1533 = tpu.unpack_subelements %bitcast3A_1529, 1 {pack_format = #tpu.pack_format<interleaved>} : vector<32xbf16> -> vector<16xf32>
    %add3A_1534 = arith.addf %unpack3A_1530, %unpack3A_1532 : vector<16xf32>
    %swap3A_1535 = arith.constant 7 : i32
    %swap3A_1536 = arith.index_cast %swap3A_1535 : i32 to index
    %swap3A_1537 = arith.constant 160 : index
    %swap3A_1538 = tpu.vector_load %arg12[%swap3A_1536, %swap3A_1537] {strides = array<i32>} : memref<104x256xf32, #tpu.memory_space<vmem>>, vector<16xf32>,
    tpu.vector_store %arg12[%swap3A_1536, %swap3A_1537], %add3A_1534 {strides = array<i32>} : memref<104x256xf32, #tpu.memory_space<vmem>>, vector<16xf32>,
    %add3A_1539 = arith.addf %unpack3A_1531, %unpack3A_1533 : vector<16xf32>
    %swap3A_1540 = arith.constant 7 : i32
    %swap3A_1541 = arith.index_cast %swap3A_1540 : i32 to index
    %swap3A_1542 = arith.constant 176 : index
    %swap3A_1543 = tpu.vector_load %arg12[%swap3A_1541, %swap3A_1542] {strides = array<i32>} : memref<104x256xf32, #tpu.memory_space<vmem>>, vector<16xf32>,
    tpu.vector_store %arg12[%swap3A_1541, %swap3A_1542], %add3A_1539 {strides = array<i32>} : memref<104x256xf32, #tpu.memory_space<vmem>>, vector<16xf32>,
    %get3A_1544 = arith.constant 7 : i32
    %get3A_1545 = arith.index_cast %get3A_1544 : i32 to index
    %get3A_1546 = arith.constant 96 : index
    %get3A_1547 = tpu.vector_load %arg8[%get3A_1545, %get3A_1546] {strides = array<i32>} : memref<104x128xi32, #tpu.memory_space<vmem>>, vector<16xi32>,
    %bitcast3A_1548 = vector.bitcast %get3A_1547 : vector<16xi32> to vector<32xbf16>
    %get3A_1549 = arith.constant 7 : i32
    %get3A_1550 = arith.index_cast %get3A_1549 : i32 to index
    %get3A_1551 = arith.constant 96 : index
    %get3A_1552 = tpu.vector_load %arg10[%get3A_1550, %get3A_1551] {strides = array<i32>} : memref<104x128xi32, #tpu.memory_space<vmem>>, vector<16xi32>,
    %bitcast3A_1553 = vector.bitcast %get3A_1552 : vector<16xi32> to vector<32xbf16>
    %unpack3A_1554 = tpu.unpack_subelements %bitcast3A_1548, 0 {pack_format = #tpu.pack_format<interleaved>} : vector<32xbf16> -> vector<16xf32>
    %unpack3A_1555 = tpu.unpack_subelements %bitcast3A_1548, 1 {pack_format = #tpu.pack_format<interleaved>} : vector<32xbf16> -> vector<16xf32>
    %unpack3A_1556 = tpu.unpack_subelements %bitcast3A_1553, 0 {pack_format = #tpu.pack_format<interleaved>} : vector<32xbf16> -> vector<16xf32>
    %unpack3A_1557 = tpu.unpack_subelements %bitcast3A_1553, 1 {pack_format = #tpu.pack_format<interleaved>} : vector<32xbf16> -> vector<16xf32>
    %add3A_1558 = arith.addf %unpack3A_1554, %unpack3A_1556 : vector<16xf32>
    %swap3A_1559 = arith.constant 7 : i32
    %swap3A_1560 = arith.index_cast %swap3A_1559 : i32 to index
    %swap3A_1561 = arith.constant 192 : index
    %swap3A_1562 = tpu.vector_load %arg12[%swap3A_1560, %swap3A_1561] {strides = array<i32>} : memref<104x256xf32, #tpu.memory_space<vmem>>, vector<16xf32>,
    tpu.vector_store %arg12[%swap3A_1560, %swap3A_1561], %add3A_1558 {strides = array<i32>} : memref<104x256xf32, #tpu.memory_space<vmem>>, vector<16xf32>,
    %add3A_1563 = arith.addf %unpack3A_1555, %unpack3A_1557 : vector<16xf32>
    %swap3A_1564 = arith.constant 7 : i32
    %swap3A_1565 = arith.index_cast %swap3A_1564 : i32 to index
    %swap3A_1566 = arith.constant 208 : index
    %swap3A_1567 = tpu.vector_load %arg12[%swap3A_1565, %swap3A_1566] {strides = array<i32>} : memref<104x256xf32, #tpu.memory_space<vmem>>, vector<16xf32>,
    tpu.vector_store %arg12[%swap3A_1565, %swap3A_1566], %add3A_1563 {strides = array<i32>} : memref<104x256xf32, #tpu.memory_space<vmem>>, vector<16xf32>,
    %get3A_1568 = arith.constant 7 : i32
    %get3A_1569 = arith.index_cast %get3A_1568 : i32 to index
    %get3A_1570 = arith.constant 112 : index
    %get3A_1571 = tpu.vector_load %arg8[%get3A_1569, %get3A_1570] {strides = array<i32>} : memref<104x128xi32, #tpu.memory_space<vmem>>, vector<16xi32>,
    %bitcast3A_1572 = vector.bitcast %get3A_1571 : vector<16xi32> to vector<32xbf16>
    %get3A_1573 = arith.constant 7 : i32
    %get3A_1574 = arith.index_cast %get3A_1573 : i32 to index
    %get3A_1575 = arith.constant 112 : index
    %get3A_1576 = tpu.vector_load %arg10[%get3A_1574, %get3A_1575] {strides = array<i32>} : memref<104x128xi32, #tpu.memory_space<vmem>>, vector<16xi32>,
    %bitcast3A_1577 = vector.bitcast %get3A_1576 : vector<16xi32> to vector<32xbf16>
    %unpack3A_1578 = tpu.unpack_subelements %bitcast3A_1572, 0 {pack_format = #tpu.pack_format<interleaved>} : vector<32xbf16> -> vector<16xf32>
    %unpack3A_1579 = tpu.unpack_subelements %bitcast3A_1572, 1 {pack_format = #tpu.pack_format<interleaved>} : vector<32xbf16> -> vector<16xf32>
    %unpack3A_1580 = tpu.unpack_subelements %bitcast3A_1577, 0 {pack_format = #tpu.pack_format<interleaved>} : vector<32xbf16> -> vector<16xf32>
    %unpack3A_1581 = tpu.unpack_subelements %bitcast3A_1577, 1 {pack_format = #tpu.pack_format<interleaved>} : vector<32xbf16> -> vector<16xf32>
    %add3A_1582 = arith.addf %unpack3A_1578, %unpack3A_1580 : vector<16xf32>
    %swap3A_1583 = arith.constant 7 : i32
    %swap3A_1584 = arith.index_cast %swap3A_1583 : i32 to index
    %swap3A_1585 = arith.constant 224 : index
    %swap3A_1586 = tpu.vector_load %arg12[%swap3A_1584, %swap3A_1585] {strides = array<i32>} : memref<104x256xf32, #tpu.memory_space<vmem>>, vector<16xf32>,
    tpu.vector_store %arg12[%swap3A_1584, %swap3A_1585], %add3A_1582 {strides = array<i32>} : memref<104x256xf32, #tpu.memory_space<vmem>>, vector<16xf32>,
    %add3A_1587 = arith.addf %unpack3A_1579, %unpack3A_1581 : vector<16xf32>
    %swap3A_1588 = arith.constant 7 : i32
    %swap3A_1589 = arith.index_cast %swap3A_1588 : i32 to index
    %swap3A_1590 = arith.constant 240 : index
    %swap3A_1591 = tpu.vector_load %arg12[%swap3A_1589, %swap3A_1590] {strides = array<i32>} : memref<104x256xf32, #tpu.memory_space<vmem>>, vector<16xf32>,
    tpu.vector_store %arg12[%swap3A_1589, %swap3A_1590], %add3A_1587 {strides = array<i32>} : memref<104x256xf32, #tpu.memory_space<vmem>>, vector<16xf32>,
    %add3A_1592 = arith.constant 4992 : i32
    %add3A_1593 = arith.addi %mul3A_2, %add3A_1592 : i32
    "tpu.region"() ({
      %run_scoped3A = tpu.sem_alloc : memref<!tpu.dma_semaphore, #tpu.memory_space<semaphore_mem>>
      %dma_start3A_1594 = arith.constant 0 : i32
      %dma_start3A_1595 = arith.constant 0 : i32
      %dma_start3A_1596 = tpu.memref_slice %arg12[%dma_start3A_1594, %dma_start3A_1595] : memref<104x256xf32, #tpu.memory_space<vmem>> -> memref<8x256xf32, #tpu.memory_space<vmem>>
      %dma_start3A_1597 = arith.constant 0 : i32
      %dma_start3A_1598 = tpu.memref_slice %arg5[%add3A_1593, %dma_start3A_1597] : memref<160000x256xf32, #tpu.memory_space<hbm>> -> memref<8x256xf32, #tpu.memory_space<hbm>>
      %dma_start3A_1599 = arith.constant 0 : i32
      %dma_start3A_1600 = tpu.memref_slice %arg5[%add3A_1593, %dma_start3A_1599] : memref<160000x256xf32, #tpu.memory_space<hbm>> -> memref<8x256xf32, #tpu.memory_space<hbm>>
      %dma_start3A_1601 = arith.constant 0 : i32
      %dma_start3A_1602 = arith.constant 0 : i32
      %dma_start3A_1603 = tpu.memref_slice %arg12[%dma_start3A_1601, %dma_start3A_1602] : memref<104x256xf32, #tpu.memory_space<vmem>> -> memref<8x256xf32, #tpu.memory_space<vmem>>
      tpu.enqueue_dma source(%dma_start3A_1603 : memref<8x256xf32, #tpu.memory_space<vmem>>) target(%dma_start3A_1600 : memref<8x256xf32, #tpu.memory_space<hbm>>) target_semaphore(%run_scoped3A : memref<!tpu.dma_semaphore, #tpu.memory_space<semaphore_mem>>)
      %dma_wait3A_1604 = arith.constant 0 : i32
      %dma_wait3A_1605 = arith.constant 0 : i32
      %dma_wait3A_1606 = tpu.memref_slice %arg12[%dma_wait3A_1604, %dma_wait3A_1605] : memref<104x256xf32, #tpu.memory_space<vmem>> -> memref<8x256xf32, #tpu.memory_space<vmem>>
      %dma_wait3A_1607 = arith.constant 0 : i32
      %dma_wait3A_1608 = tpu.memref_slice %arg5[%add3A_1593, %dma_wait3A_1607] : memref<160000x256xf32, #tpu.memory_space<hbm>> -> memref<8x256xf32, #tpu.memory_space<hbm>>
      %dma_wait3A_1609 = arith.constant 0 : i32
      %dma_wait3A_1610 = tpu.memref_slice %arg5[%add3A_1593, %dma_wait3A_1609] : memref<160000x256xf32, #tpu.memory_space<hbm>> -> memref<8x256xf32, #tpu.memory_space<hbm>>
      %dma_wait3A_1611 = arith.constant 0 : i32
      %dma_wait3A_1612 = arith.constant 0 : i32
      %dma_wait3A_1613 = tpu.memref_slice %arg12[%dma_wait3A_1611, %dma_wait3A_1612] : memref<104x256xf32, #tpu.memory_space<vmem>> -> memref<8x256xf32, #tpu.memory_space<vmem>>
      tpu.wait_dma2 semaphore(%run_scoped3A : memref<!tpu.dma_semaphore, #tpu.memory_space<semaphore_mem>>) src(%dma_wait3A_1613 : memref<8x256xf32, #tpu.memory_space<vmem>>) dst(%dma_wait3A_1610 : memref<8x256xf32, #tpu.memory_space<hbm>>)
      tpu.yield
    }) : () -> ()
    return
  }
}

module attributes {stable_mosaic.version = 14 : i64} {
  func.func @_node_matmul_body(%arg0: i32, %arg1: memref<1000x256xf32, #tpu.memory_space<vmem>>, %arg2: memref<128x256xf32, #tpu.memory_space<vmem>>, %arg3: memref<128x256xf32, #tpu.memory_space<vmem>>, %arg4: memref<1x128xf32, #tpu.memory_space<vmem>>, %arg5: memref<1x128xf32, #tpu.memory_space<vmem>>, %arg6: memref<1000x128xi32, #tpu.memory_space<vmem>>) attributes {dimension_semantics = [#tpu.dimension_semantics<arbitrary>], iteration_bounds = array<i64: 10>, scalar_prefetch = 0 : i64, scratch_operands = 0 : i64, tpu.core_type = #tpu.core_type<tc>, window_params = [{transform_indices = @transform_0, window_bounds = array<i64: 1000, 256>}, {pipeline_mode = #tpu.pipeline_mode<synchronous>, transform_indices = @transform_1, window_bounds = array<i64: 128, 256>}, {pipeline_mode = #tpu.pipeline_mode<synchronous>, transform_indices = @transform_2, window_bounds = array<i64: 128, 256>}, {pipeline_mode = #tpu.pipeline_mode<synchronous>, transform_indices = @transform_3, window_bounds = array<i64: 1, 128>}, {pipeline_mode = #tpu.pipeline_mode<synchronous>, transform_indices = @transform_4, window_bounds = array<i64: 1, 128>}, {transform_indices = @transform_5, window_bounds = array<i64: 1000, 128>}]} {
    %get3A = arith.constant 0 : index
    %get3A_0 = arith.constant 0 : index
    %get3A_1 = vector.load %arg1[%get3A, %get3A_0] : memref<1000x256xf32, #tpu.memory_space<vmem>>, vector<1000x256xf32>
    %get3A_2 = arith.constant 0 : index
    %get3A_3 = arith.constant 0 : index
    %get3A_4 = vector.load %arg2[%get3A_2, %get3A_3] : memref<128x256xf32, #tpu.memory_space<vmem>>, vector<128x256xf32>
    %dot_general3A = arith.constant dense<0.000000e+00> : vector<1000x128xf32>
    %dot_general3A_5 = tpu.matmul %get3A_1, %get3A_4, %dot_general3A {dimension_numbers = #tpu.dot_dimension_numbers<[1], [1], [0], [0], [0, 0, 1, 0], [], []>, transpose_lhs_hint = false} : vector<1000x256xf32>, vector<128x256xf32>, vector<1000x128xf32> -> vector<1000x128xf32>
    %get3A_6 = arith.constant 0 : index
    %get3A_7 = arith.constant 0 : index
    %get3A_8 = vector.load %arg1[%get3A_6, %get3A_7] : memref<1000x256xf32, #tpu.memory_space<vmem>>, vector<1000x256xf32>
    %get3A_9 = arith.constant 0 : index
    %get3A_10 = arith.constant 0 : index
    %get3A_11 = vector.load %arg3[%get3A_9, %get3A_10] : memref<128x256xf32, #tpu.memory_space<vmem>>, vector<128x256xf32>
    %dot_general3A_12 = arith.constant dense<0.000000e+00> : vector<1000x128xf32>
    %dot_general3A_13 = tpu.matmul %get3A_8, %get3A_11, %dot_general3A_12 {dimension_numbers = #tpu.dot_dimension_numbers<[1], [1], [0], [0], [0, 0, 1, 0], [], []>, transpose_lhs_hint = false} : vector<1000x256xf32>, vector<128x256xf32>, vector<1000x128xf32> -> vector<1000x128xf32>
    %get3A_14 = arith.constant 0 : index
    %get3A_15 = arith.constant 0 : index
    %get3A_16 = vector.load %arg4[%get3A_14, %get3A_15] : memref<1x128xf32, #tpu.memory_space<vmem>>, vector<1x128xf32>
    %mul3A = arith.constant 5.000000e-01 : f32
    %mul3A_17 = vector.broadcast %mul3A : f32 to vector<1x128xf32>
    %mul3A_18 = arith.mulf %mul3A_17, %get3A_16 : vector<1x128xf32>
    %add3A = vector.broadcast %mul3A_18 : vector<1x128xf32> to vector<1000x128xf32>
    %add3A_19 = arith.addf %dot_general3A_5, %add3A : vector<1000x128xf32>
    %convert_element_type3A = arith.truncf %add3A_19 : vector<1000x128xf32> to vector<1000x128xbf16>
    %convert_element_type3A_20 = arith.extf %convert_element_type3A : vector<1000x128xbf16> to vector<1000x128xf32>
    %get3A_21 = arith.constant 0 : index
    %get3A_22 = arith.constant 0 : index
    %get3A_23 = vector.load %arg5[%get3A_21, %get3A_22] : memref<1x128xf32, #tpu.memory_space<vmem>>, vector<1x128xf32>
    %mul3A_24 = arith.constant 5.000000e-01 : f32
    %mul3A_25 = vector.broadcast %mul3A_24 : f32 to vector<1x128xf32>
    %mul3A_26 = arith.mulf %mul3A_25, %get3A_23 : vector<1x128xf32>
    %add3A_27 = vector.broadcast %mul3A_26 : vector<1x128xf32> to vector<1000x128xf32>
    %add3A_28 = arith.addf %dot_general3A_13, %add3A_27 : vector<1000x128xf32>
    %convert_element_type3A_29 = arith.truncf %add3A_28 : vector<1000x128xf32> to vector<1000x128xbf16>
    %convert_element_type3A_30 = arith.extf %convert_element_type3A_29 : vector<1000x128xbf16> to vector<1000x128xf32>
    %bitcast_convert_type3A = tpu.bitcast %convert_element_type3A_20 : vector<1000x128xf32> -> vector<1000x128xi32>
    %shift_right_logical3A = arith.constant 16 : i32
    %shift_right_logical3A_31 = vector.broadcast %shift_right_logical3A : i32 to vector<1000x128xi32>
    %shift_right_logical3A_32 = arith.shrui %bitcast_convert_type3A, %shift_right_logical3A_31 : vector<1000x128xi32>
    %bitcast_convert_type3A_33 = tpu.bitcast %convert_element_type3A_30 : vector<1000x128xf32> -> vector<1000x128xi32>
    %or3A = arith.ori %bitcast_convert_type3A_33, %shift_right_logical3A_32 : vector<1000x128xi32>
    %swap3A = arith.constant 0 : index
    %swap3A_34 = arith.constant 0 : index
    %swap3A_35 = vector.load %arg6[%swap3A, %swap3A_34] : memref<1000x128xi32, #tpu.memory_space<vmem>>, vector<1000x128xi32>
    tpu.vector_store %arg6[%swap3A, %swap3A_34], %or3A {strides = array<i32>} : memref<1000x128xi32, #tpu.memory_space<vmem>>, vector<1000x128xi32>,
    return
  }
  func.func @transform_0(%arg0: i32) -> (i32, i32) {
    %c0_i32 = arith.constant 0 : i32
    %c0_i32_0 = arith.constant 0 : i32
    return %arg0, %c0_i32 : i32, i32
  }
  func.func @transform_1(%arg0: i32) -> (i32, i32) {
    %c0_i32 = arith.constant 0 : i32
    %c0_i32_0 = arith.constant 0 : i32
    %c0_i32_1 = arith.constant 0 : i32
    return %c0_i32, %c0_i32_0 : i32, i32
  }
  func.func @transform_2(%arg0: i32) -> (i32, i32) {
    %c0_i32 = arith.constant 0 : i32
    %c0_i32_0 = arith.constant 0 : i32
    %c0_i32_1 = arith.constant 0 : i32
    return %c0_i32, %c0_i32_0 : i32, i32
  }
  func.func @transform_3(%arg0: i32) -> (i32, i32) {
    %c0_i32 = arith.constant 0 : i32
    %c0_i32_0 = arith.constant 0 : i32
    %c0_i32_1 = arith.constant 0 : i32
    return %c0_i32, %c0_i32_0 : i32, i32
  }
  func.func @transform_4(%arg0: i32) -> (i32, i32) {
    %c0_i32 = arith.constant 0 : i32
    %c0_i32_0 = arith.constant 0 : i32
    %c0_i32_1 = arith.constant 0 : i32
    return %c0_i32, %c0_i32_0 : i32, i32
  }
  func.func @transform_5(%arg0: i32) -> (i32, i32) {
    %c0_i32 = arith.constant 0 : i32
    %c0_i32_0 = arith.constant 0 : i32
    return %arg0, %c0_i32 : i32, i32
  }
}

module attributes {stable_mosaic.version = 14 : i64} {
  func.func @_edge_matmul_body(%arg0: i32, %arg1: memref<8000x16xf32, #tpu.memory_space<vmem>>, %arg2: memref<16x16xf32, #tpu.memory_space<vmem>>, %arg3: memref<1x16xf32, #tpu.memory_space<vmem>>, %arg4: memref<8000x16xf32, #tpu.memory_space<vmem>>) attributes {dimension_semantics = [#tpu.dimension_semantics<arbitrary>], iteration_bounds = array<i64: 20>, scalar_prefetch = 0 : i64, scratch_operands = 0 : i64, tpu.core_type = #tpu.core_type<tc>, window_params = [{transform_indices = @transform_0, window_bounds = array<i64: 8000, 16>}, {pipeline_mode = #tpu.pipeline_mode<synchronous>, transform_indices = @transform_1, window_bounds = array<i64: 16, 16>}, {pipeline_mode = #tpu.pipeline_mode<synchronous>, transform_indices = @transform_2, window_bounds = array<i64: 1, 16>}, {transform_indices = @transform_3, window_bounds = array<i64: 8000, 16>}]} {
    %get3A = arith.constant 0 : index
    %get3A_0 = arith.constant 0 : index
    %get3A_1 = vector.load %arg1[%get3A, %get3A_0] : memref<8000x16xf32, #tpu.memory_space<vmem>>, vector<8000x16xf32>
    %get3A_2 = arith.constant 0 : index
    %get3A_3 = arith.constant 0 : index
    %get3A_4 = vector.load %arg2[%get3A_2, %get3A_3] : memref<16x16xf32, #tpu.memory_space<vmem>>, vector<16x16xf32>
    %dot_general3A = arith.constant dense<0.000000e+00> : vector<8000x16xf32>
    %dot_general3A_5 = tpu.matmul %get3A_1, %get3A_4, %dot_general3A {dimension_numbers = #tpu.dot_dimension_numbers<[1], [1], [0], [0], [0, 0, 1, 0], [], []>, transpose_lhs_hint = false} : vector<8000x16xf32>, vector<16x16xf32>, vector<8000x16xf32> -> vector<8000x16xf32>
    %get3A_6 = arith.constant 0 : index
    %get3A_7 = arith.constant 0 : index
    %get3A_8 = vector.load %arg3[%get3A_6, %get3A_7] : memref<1x16xf32, #tpu.memory_space<vmem>>, vector<1x16xf32>
    %add3A = vector.broadcast %get3A_8 : vector<1x16xf32> to vector<8000x16xf32>
    %add3A_9 = arith.addf %dot_general3A_5, %add3A : vector<8000x16xf32>
    %swap3A = arith.constant 0 : index
    %swap3A_10 = arith.constant 0 : index
    %swap3A_11 = vector.load %arg4[%swap3A, %swap3A_10] : memref<8000x16xf32, #tpu.memory_space<vmem>>, vector<8000x16xf32>
    tpu.vector_store %arg4[%swap3A, %swap3A_10], %add3A_9 {strides = array<i32>} : memref<8000x16xf32, #tpu.memory_space<vmem>>, vector<8000x16xf32>,
    return
  }
  func.func @transform_0(%arg0: i32) -> (i32, i32) {
    %c0_i32 = arith.constant 0 : i32
    %c0_i32_0 = arith.constant 0 : i32
    return %arg0, %c0_i32 : i32, i32
  }
  func.func @transform_1(%arg0: i32) -> (i32, i32) {
    %c0_i32 = arith.constant 0 : i32
    %c0_i32_0 = arith.constant 0 : i32
    %c0_i32_1 = arith.constant 0 : i32
    return %c0_i32, %c0_i32_0 : i32, i32
  }
  func.func @transform_2(%arg0: i32) -> (i32, i32) {
    %c0_i32 = arith.constant 0 : i32
    %c0_i32_0 = arith.constant 0 : i32
    %c0_i32_1 = arith.constant 0 : i32
    return %c0_i32, %c0_i32_0 : i32, i32
  }
  func.func @transform_3(%arg0: i32) -> (i32, i32) {
    %c0_i32 = arith.constant 0 : i32
    %c0_i32_0 = arith.constant 0 : i32
    return %arg0, %c0_i32 : i32, i32
  }
}

</mosaic_0001>

<sc_bundles>
// kernel: kernel.5.cloned.1.call-start
scs
__scs_entry_jumppad:
0x0: {  	(pc) =	sbr.rel $0x88, $3  }
0x1: {  	(tag) =	ssettag $0x0;
	lr =	simm.s32 $0x1  }
0x2: {  	[smem:$0x3F9A] =	sst lr;
	_ =	strace $0xD0000000  }
0x3: {  	_ = 	snop  }
0x4: {  	_ = 	snop  }
0x5: {  	_ = 	snop  }
0x6: {  	_ = 	snop  }
0x7: {  	_ = 	snop  }
__scs_overlays_trampoline_lowered:
0x8: {  	[smem:$0x3FA9] =	sst s0  }
0x9: {  	[smem:$0x3FAA] =	sst s1  }
0xa: {  	[smem:$0x3FAB] =	sst s2  }
0xb: {  	[smem:$0x3FAC] =	sst s3  }
0xc: {  	[smem:$0x3FAD] =	sst s4  }
0xd: {  	[smem:$0x3FAE] =	sst s5  }
0xe: {  	[smem:$0x3FAF] =	sst s6  }
0xf: {  	[smem:$0x3FB0] =	sst s7  }
0x10: {  	[smem:$0x3FB1] =	sst s8  }
0x11: {  	[smem:$0x3FB2] =	sst s9;
	s0 =	simm.s32 @!p0 $0x0  }
0x12: {  	s1 =	sld [smem:$0x3F98];
	s0 =	simm.s32 @p0 $0x1  }
0x13: {  	[smem:$0x3FB3] =	sst s0;
	s0 =	simm.s32 @!p1 $0x0  }
0x14: {  	s2 =	sld [smem:$0x3F97];
	s0 =	simm.s32 @p1 $0x1  }
0x15: {  	[smem:$0x3FB4] =	sst s0;
	s0 =	simm.s32 @!p2 $0x0  }
0x16: {  	s3 =	sld [smem:$0x3FDB];
	s0 =	simm.s32 @p2 $0x1  }
0x17: {  	s4 =	simm.s32 $0x1BF5;
	[smem:$0x3FB6] =	sst s0  }
0x18: {  	s0 =	sld [smem:$0x3F99];
	_ =	swait.ge [sflag:s4], $0x0  }
0x19: {  	s7 =	sld [smem:$0x3F9A]  }
0x1a: {  	s8 =	sadd.s32 $0xFFFFE003, lr  }
0x1b: {  	s9 =	sadd.s32 $0xFFFFFEF7, lr;
	s5 =	simm.s32 $0xFFFFFFFF;
	p2 =	slt.u32 s8, $0xFFFFF086  }
0x1c: {  	p1 =	slt.u32 s9, $0xF7A;
	s5 =	simm.s32 @!p2 $0x0  }
0x1d: {  	s5 =	simm.s32 @p1 $0x1;
	p0 =	seq.s32 s7, s2  }
0x1e: {  	s7 =	smul.u32 @!p0 $0xF7A, s2;
	p2 =	seq.s32 @!p0 s5, $0x0  }
0x1f: {  	s9 =	smul.u32 $0xF7A, s1;
	s8 =	simm.s32 @!p0 $0x1BF5;
	p2 =	por !p2, p0  }
0x20: {  	[sflag:s8] =	ssyncset.s32 @!p0 $0xFFFFF086;
	s6 =	sadd.s32 @!p0 s3, s7;
	s7 =	simm.s32 @!p0 $0x108  }
0x21: {  	s3 =	sadd.s32 s3, s9;
	s6 =	sadd.s32 @!p0 $0x88, s6;
	s7 =	simm.s32 @p2 $0x1082  }
0x22: {  	[simem:s7], [sflag:s8] =	dma.local @!p0 [hbm:s6], $0xF7A  }
0x23: {  	s9 =	sor.u32 $0xD0000000, s2;
	s6 =	simm.s32 $0x108;
	_ =	swait.ge @!p0 [sflag:s8], $0x0  }
0x24: {  	s3 =	sadd.s32 $0x88, s3;
	s6 =	simm.s32 @!p1 $0x1082;
	[sflag:s4] =	ssyncset.s32 $0xFFFFF086  }
0x25: {  	[simem:s6], [sflag:s4] =	dma.local [hbm:s3], $0xF7A  }
0x26: {  	[smem:$0x3F9A] =	sst s1;
	(tag) =	ssettag s2;
	_ =	strace s9  }
0x27: {  	s1 =	sld [smem:$0x3FAA]  }
0x28: {  	s2 =	sld [smem:$0x3FAB]  }
0x29: {  	s4 =	sld [smem:$0x3FAD]  }
0x2a: {  	p0 =	seq.s32 s5, $0x0;
	s5 =	sld [smem:$0x3FAE]  }
0x2b: {  	s6 =	sld [smem:$0x3FAF]  }
0x2c: {  	s7 =	sld [smem:$0x3FB0]  }
0x2d: {  	s3 =	simm.s32 $0x108;
	s8 =	sld [smem:$0x3FB1]  }
0x2e: {  	s3 =	simm.s32 @!p0 $0x1082;
	s9 =	sld [smem:$0x3FB2]  }
0x2f: {  	lr =	sadd.s32 s0, s3;
	s0 =	sld [smem:$0x3FA9]  }
0x30: {  	s3 =	sld [smem:$0x3FAC]  }
0x31: {  	[smem:$0x3FB5] =	sst s10  }
0x32: {  	s10 =	sld [smem:$0x3FB3];
	_ =	sdelay $0x3  }
0x33: {  	p0 =	seq.s32 s10, $0x1;
	s10 =	sld [smem:$0x3FB5];
	_ =	sdelay $0x3  }
0x34: {  	[smem:$0x3FB5] =	sst s10  }
0x35: {  	s10 =	sld [smem:$0x3FB4];
	_ =	sdelay $0x3  }
0x36: {  	p1 =	seq.s32 s10, $0x1;
	s10 =	sld [smem:$0x3FB5];
	_ =	sdelay $0x3  }
0x37: {  	[smem:$0x3FB5] =	sst s10  }
0x38: {  	s10 =	sld [smem:$0x3FB6]  }
0x39: {  	_ = 	snop;
	(pc) =	sbr.ind lr, $3  }
0x3a: {  	_ = 	snop  }
0x3b: {  	_ = 	snop  }
0x3c: {  	p2 =	seq.s32 s10, $0x1;
	s10 =	sld [smem:$0x3FB5]  }
0x3d: {  	_ =	shalt  }
0x3e: {  	_ =	shalt  }
0x3f: {  	_ =	shalt  }
0x40: {  	_ =	shalt  }
0x41: {  	_ =	shalt  }
0x42: {  	_ =	shalt  }
0x43: {  	_ =	shalt  }
0x44: {  	_ =	shalt  }
0x45: {  	_ =	shalt  }
0x46: {  	_ =	shalt  }
0x47: {  	_ =	shalt  }
0x48: {  	_ =	shalt  }
0x49: {  	_ =	shalt  }
0x4a: {  	_ =	shalt  }
0x4b: {  	_ =	shalt  }
0x4c: {  	_ =	shalt  }
0x4d: {  	_ =	shalt  }
0x4e: {  	_ =	shalt  }
0x4f: {  	_ =	shalt  }
0x50: {  	_ =	shalt  }
0x51: {  	_ =	shalt  }
0x52: {  	_ =	shalt  }
0x53: {  	_ =	shalt  }
0x54: {  	_ =	shalt  }
0x55: {  	_ =	shalt  }
0x56: {  	_ =	shalt  }
0x57: {  	_ =	shalt  }
0x58: {  	_ =	shalt  }
0x59: {  	_ =	shalt  }
0x5a: {  	_ =	shalt  }
0x5b: {  	_ =	shalt  }
0x5c: {  	_ =	shalt  }
0x5d: {  	_ =	shalt  }
0x5e: {  	_ =	shalt  }
0x5f: {  	_ =	shalt  }
0x60: {  	_ =	shalt  }
0x61: {  	_ =	shalt  }
0x62: {  	_ =	shalt  }
0x63: {  	_ =	shalt  }
0x64: {  	_ =	shalt  }
0x65: {  	_ =	shalt  }
0x66: {  	_ =	shalt  }
0x67: {  	_ =	shalt  }
0x68: {  	_ =	shalt  }
0x69: {  	_ =	shalt  }
0x6a: {  	_ =	shalt  }
0x6b: {  	_ =	shalt  }
0x6c: {  	_ =	shalt  }
0x6d: {  	_ =	shalt  }
0x6e: {  	_ =	shalt  }
0x6f: {  	_ =	shalt  }
0x70: {  	_ =	shalt  }
0x71: {  	_ =	shalt  }
0x72: {  	_ =	shalt  }
0x73: {  	_ =	shalt  }
0x74: {  	_ =	shalt  }
0x75: {  	_ =	shalt  }
0x76: {  	_ =	shalt  }
0x77: {  	_ =	shalt  }
0x78: {  	_ =	shalt  }
0x79: {  	_ =	shalt  }
0x7a: {  	_ =	shalt  }
0x7b: {  	_ =	shalt  }
0x7c: {  	_ =	shalt  }
0x7d: {  	_ =	shalt  }
0x7e: {  	_ =	shalt  }
0x7f: {  	_ =	shalt  }
0x80: {  	_ =	shalt  }
0x81: {  	_ =	shalt  }
0x82: {  	_ =	shalt  }
0x83: {  	_ =	shalt  }
0x84: {  	_ =	shalt  }
0x85: {  	_ =	shalt  }
0x86: {  	_ =	shalt  }
0x87: {  	_ =	shalt  }
.Lfunc_end0:
.L_simem_size_0:
called_computation.1_lowered:
.L_overlay_start_0:
0x88: {  	s2 =	sld [smem:$0x3FD9]  }
0x89: {  	s3 =	sld [smem:$0x3FFE];
	_ =	sdelay $0x1  }
0x8a: {  	s1 =	srdreg.scid  }
0x8b: {  	s0 =	sand.u32 $0x1, s1  }
0x8c: {  	s17 =	sshll.u32 s0, $0xA;
	s2 =	sadd.s32 s3, s2  }
0x8d: {  	s2 =	sadd.s32 s2, s17  }
0x8e: {  	[smem:$0x3FC1] =	sst s2  }
0x8f: {  	_ = 	snop  }
0x90: {  	s2 =	sld [smem:$0x3FD0];
	(tm) =	ssettm $0x1  }
0x91: {  	s18 =	sld [smem:$0x3FFB];
	_ =	sdelay $0x3  }
0x92: {  	_ =	strace s18  }
0x93: {  	s3 =	sld [smem:$0x3FFC];
	_ =	sdelay $0x3  }
0x94: {  	_ =	strace s3  }
0x95: {  	s3 =	sld [smem:$0x3FFD];
	_ =	sdelay $0x3  }
0x96: {  	_ =	strace s3  }
0x97: {  	_ =	strace $0x8FFFFFFF  }
0x98: {  	s19 =	sld [smem:$0x3FDB];
	_ =	sdelay $0x1  }
0x99: {  	s4 =	simm.s32 $_scs_section_size  }
0x9a: {  	s5 =	simm.s32 $_size__tile_overlayer_lowered;
	s6 =	simm.s32 $_tile_overlayer_lowered  }
0x9b: {  	s22 =	simm.s32 $0x1BFF;
	s21 =	sshll.u32 s6, $0x1;
	s3 =	sadd.s32 s4, s19  }
0x9c: {  	s7 =	simm.s32 $0x0;
	s20 =	sshll.u32 s5, $0x1;
	s5 =	sadd.s32 s21, s3  }
0x9d: {  	[timem:s7], [sflag:s22] =	dma.local [hbm:s5], s20  }
0x9e: {  	_ =	swait.ge [sflag:s22], s20  }
0x9f: {  	s4 =	ssub.s32 $0x0, s20;
	[sflag:s22] =	ssyncset.done $0x0  }
0xa0: {  	[sflag:s22] =	ssyncadd.s32 s4;
	_ =	sdelay $0x1  }
0xa1: {  	s23 =	simm.s32 $0x1B8B  }
0xa2: {  	_ =	swait.ge [sflag:s23], $0x1  }
0xa3: {  	[sflag:s23] =	ssyncset.done $0x0  }
0xa4: {  	s25 =	simm.s32 $0x1B8E;
	s24 =	sld [smem:$0x3FFE];
	[sflag:s23] =	ssyncadd.s32 $0xFFFFFFFF  }
0xa5: {  	s26 =	simm.s32 $execute0_lowered;
	[smem:$0x3FD2] =	sst s25  }
0xa6: {  	s5 =	sshll.u32 s26, $0x1;
	_ =	strace $0x80000046;
	[dreg:$0x1] =	wrdreg $0xFFFFFFFF  }
0xa7: {  	s28 =	simm.s32 $_size_execute0_lowered;
	s3 =	sadd.s32 s3, s5;
	[dreg:$0x0] =	wrdreg $0x0  }
0xa8: {  	s5 =	sshll.u32 s28, $0x1;
	[dreg:$0x2] =	wrdreg s3  }
0xa9: {  	[dreg:$0x3] =	wrdreg s5  }
0xaa: {  	[dreg:$0x4] =	wrdreg $0xC0  }
0xab: {  	_ =	task [dreg:s7], $0x5FFFF  }
0xac: {  	[dreg:$0x1] =	wrdreg $0xFFFFFFFF  }
0xad: {  	[dreg:$0x0] =	wrdreg $0x60  }
0xae: {  	[dreg:$0x2] =	wrdreg s24  }
0xaf: {  	[dreg:$0x3] =	wrdreg s2  }
0xb0: {  	[dreg:$0x4] =	wrdreg $0x9  }
0xb1: {  	_ =	task.clear_ibuf [dreg:s7], $0x5FFFF;
	_ =	strace $0x90000046  }
0xb2: {  	s29 =	simm.s32 $0x9;
	_ =	strace $0x80000048  }
0xb3: {  	_ =	swait.ge [sflag:s29], $0x1  }
0xb4: {  	[sflag:s29] =	ssyncadd.s32 $0xFFFFFFFF  }
0xb5: {  	_ =	strace $0x90000048  }
0xb6: {  	_ =	sfence  }
0xb7: {  	s30 =	sld [smem:$0x0];
	_ =	sdelay $0x2  }
0xb8: {  	s31 =	sshll.u32 s1, $0xD;
	s1 =	sshrl.u32 s1, $0x2  }
0xb9: {  	s3 =	sand.u32 $0x4000, s31;
	s1 =	sadd.s32 s1, s30  }
0xba: {  	s0 =	sor.u32 s3, s0;
	s1 =	sshll.u32 s1, $0x11  }
0xbb: {  	s0 =	sor.u32 s1, s0  }
0xbc: {  	s0 =	sadd.s32 $0x8F2B, s0  }
0xbd: {  	[sflag:s0] =	ssyncadd.remote.s32 $0x1  }
0xbe: {  	_ =	sfence.sel $0xFFFF  }
0xbf: {  	[dreg:$0x0] =	wrdreg $0xFFFFFFFF;
	(pc) =	sbr.abs _section_cstart, $3  }
0xc0: {  	[dreg:$0x1] =	wrdreg $0xFFFFFFFF  }
0xc1: {  	_ =	task.clear_ibuf [dreg:s7], $0x2FFFF;
	_ =	strace $0x9FFFFFFF  }
0xc2: {  	(tm) =	ssettm $0x7FFFFFFF  }
0xc3: {  	_ =	shalt  }
tec
execute0_lowered:
.L_overlay_start_1:
0x0: {  	(tag) =	ssettag $0x1  }
0x1: {  	s0 =	srdreg.scid;
	s2 =	stileid.u32  }
0x2: {  	s1 =	rddreg [dreg:$0x0];
	s10 =	simm.s32 $0x5;
	s12 =	simm.s32 $0x68  }
0x3: {  	s11 =	simm.s32 $0x9000;
	s15 =	simm.s32 $0x5C00;
	s16 =	simm.s32 $0xC400  }
0x4: {  	s17 =	simm.s32 $0x1;
	s18 =	simm.s32 $0xF800;
	s19 =	simm.s32 $0x3  }
0x5: {  	s20 =	simm.s32 $0x2;
	s21 =	simm.s32 $0x16000;
	s22 =	simm.s32 $0x4  }
0x6: {  	s23 =	simm.s32 $0x8;
	s0 =	sand.u32 $0x1, s0;
	s3 =	sshll.u32 s2, $0x1  }
0x7: {  	s26 =	simm.s32 $0x0;
	s2 =	rddreg [dreg:$0x1];
	s5 =	sor.u32 s0, s3  }
0x8: {  	s3 =	simm.s32 $0x0;
	s0 =	ssub.s32 $0x2, s0;
	s4 =	smul.u32 $0x1388, s5  }
0x9: {  	[smem:$0x7FF] =	sst s3;
	s6 =	smul.u32 $0x138800, s5;
	s5 =	sadd.s32 $0xAC00, s1  }
0xa: {  	s8 =	sshrl.u32 s0, $0x1;
	_ =	strace $0x80000047;
	s7 =	sshrl.u32 s4, $0x3  }
0xb: {  	s0 =	ssub.s32 s0, s8;
	s6 =	sshrl.u32 s6, $0x3;
	s1 =	sadd.s32 s7, s1  }
0xc: {  	s9 =	smax.u32 s0, $0x1;
	s31 =	sadd.s32 s2, s6;
	s6 =	sadd.s32 $0x5C00, s1  }
0xd: {  	s7 =	sadd.s32 $0xC00, s1;
	s8 =	sadd.s32 $0x27000, s31;
	s1 =	simm.s32 $0x2800  }
.LBB2_1:
0xe: {  	[tilespmem:s3], [sflag:$0x5] =	stream.linear.gather [hbm4b:s6+s3], $0x1388, $0x38;
	[tilespmem:$0x1C800] =	vst v63  }
0xf: {  	_ =	swait.ge [sflag:s10], $0x1388  }
0x10: {  	[sflag:s10] =	ssyncset.done $0x0  }
0x11: {  	s0 =	simm.s32 $0x1400;
	[sflag:s10] =	ssyncadd.s32 $0xFFFFEC78  }
0x12: {  	[tilespmem:s0], [sflag:$0x5] =	stream.linear.gather [hbm4b:s7+s3], $0x1388, $0x38;
	[tilespmem:$0x1C800] =	vst v63  }
0x13: {  	_ =	swait.ge [sflag:s10], $0x1388  }
0x14: {  	[sflag:s10] =	ssyncset.done $0x0  }
0x15: {  	[sflag:s10] =	ssyncadd.s32 $0xFFFFEC78  }
0x16: {  	[tilespmem:s1], [sflag:$0x1] =	stream.indirect.gather [hbm4b:s5+s12], $0x80, s3, s12, $0xb8;
	[tilespmem:$0x1C800] =	vst v63  }
0x17: {  	s28 =	simm.s32 $0x0  }
0x18: {  	[tilespmem:s11], [sflag:$0x1] =	stream.indirect.gather [hbm4b:s5+s12], $0x80, s0, s12, $0xb8;
	[tilespmem:$0x1C800] =	vst v63  }
.LBB2_2:
0x19: {  	p0 =	seq.s32 s28, $0x0  }
0x1a: {  	s0 =	simm.s32 @!p0 $0x4  }
0x1b: {  	s30 =	smul.u32 $0xD0, s28;
	_ =	swait.ge @!p0 [sflag:s0], $0x6800  }
0x1c: {  	[sflag:s0] =	ssyncset.done @!p0 $0x0  }
0x1d: {  	s29 =	sadd.s32 $0x68, s30;
	[sflag:s0] =	ssyncadd.s32 @!p0 $0xFFFF9800  }
0x1e: {  	[tilespmem:s15], [sflag:$0x2] =	stream.indirect.gather [hbm4b:s5+s12], $0x80, s29, s12, $0xb8;
	[tilespmem:$0x1C800] =	vst v63  }
0x1f: {  	s25 =	sadd.s32 $0x1468, s30  }
0x20: {  	[tilespmem:s16], [sflag:$0x2] =	stream.indirect.gather [hbm4b:s5+s12], $0x80, s25, s12, $0xb8;
	[tilespmem:$0x1C800] =	vst v63  }
0x21: {  	_ =	swait.ge [sflag:s17], $0x3400  }
0x22: {  	[sflag:s17] =	ssyncset.done $0x0  }
0x23: {  	[sflag:s17] =	ssyncadd.s32 $0xFFFFCC00  }
0x24: {  	_ =	swait.ge [sflag:s17], $0x3400  }
0x25: {  	[sflag:s17] =	ssyncset.done $0x0  }
0x26: {  	s31 =	simm.s32 $0x2840;
	[sflag:s17] =	ssyncadd.s32 $0xFFFFCC00  }
0x27: {  	s1 =	simm.s32 $0x9040;
	v0 =	vld [tilespmem:s31+$0xFFFFFFC0]  }
0x28: {  	v1 =	vld [tilespmem:s1+$0xFFFFFFC0];
	_ =	sdelay $0x4  }
0x29: {  	s0 =	simm.s32 $0x0;
	v2 =	vunpack.i.l.bf16.f32 v0;
	v3 =	vunpack.i.l.bf16.f32 v1  }
0x2a: {  	s11 =	sand.u32 $0x7800, s0;
	s13 =	sand.u32 $0x380, s0;
	v0 =	vunpack.i.u.bf16.f32 v0;
	v1 =	vunpack.i.u.bf16.f32 v1;
	v2 =	vadd.f32 v3, v2  }
0x2b: {  	s24 =	sor.u32 s13, s11;
	v0 =	vadd.f32 v1, v0  }
0x2c: {  	[tilespmem:s24+$0xF800] =	vst v2  }
0x2d: {  	[tilespmem:s24+$0xF810] =	vst v0  }
0x2e: {  	v0 =	vld [tilespmem:s31+$0xFFFFFFD0]  }
0x2f: {  	v1 =	vld [tilespmem:s1+$0xFFFFFFD0];
	_ =	sdelay $0x4  }
0x30: {  	v2 =	vunpack.i.l.bf16.f32 v0;
	v3 =	vunpack.i.l.bf16.f32 v1  }
0x31: {  	v0 =	vunpack.i.u.bf16.f32 v0;
	v1 =	vunpack.i.u.bf16.f32 v1;
	v2 =	vadd.f32 v3, v2  }
0x32: {  	v0 =	vadd.f32 v1, v0  }
0x33: {  	[tilespmem:s24+$0xF820] =	vst v2  }
0x34: {  	[tilespmem:s24+$0xF830] =	vst v0  }
0x35: {  	v0 =	vld [tilespmem:s31+$0xFFFFFFE0]  }
0x36: {  	v1 =	vld [tilespmem:s1+$0xFFFFFFE0];
	_ =	sdelay $0x4  }
0x37: {  	v2 =	vunpack.i.l.bf16.f32 v0;
	v3 =	vunpack.i.l.bf16.f32 v1  }
0x38: {  	v0 =	vunpack.i.u.bf16.f32 v0;
	v1 =	vunpack.i.u.bf16.f32 v1;
	v2 =	vadd.f32 v3, v2  }
0x39: {  	v0 =	vadd.f32 v1, v0  }
0x3a: {  	[tilespmem:s24+$0xF840] =	vst v2  }
0x3b: {  	[tilespmem:s24+$0xF850] =	vst v0  }
0x3c: {  	v0 =	vld [tilespmem:s31+$0xFFFFFFF0]  }
0x3d: {  	v1 =	vld [tilespmem:s1+$0xFFFFFFF0];
	_ =	sdelay $0x4  }
0x3e: {  	v2 =	vunpack.i.l.bf16.f32 v0;
	v3 =	vunpack.i.l.bf16.f32 v1  }
0x3f: {  	v0 =	vunpack.i.u.bf16.f32 v0;
	v1 =	vunpack.i.u.bf16.f32 v1;
	v2 =	vadd.f32 v3, v2  }
0x40: {  	v0 =	vadd.f32 v1, v0  }
0x41: {  	[tilespmem:s24+$0xF860] =	vst v2  }
0x42: {  	[tilespmem:s24+$0xF870] =	vst v0  }
0x43: {  	v0 =	vld [tilespmem:s31+$0x0]  }
0x44: {  	v1 =	vld [tilespmem:s1+$0x0];
	_ =	sdelay $0x4  }
0x45: {  	v2 =	vunpack.i.l.bf16.f32 v0;
	v3 =	vunpack.i.l.bf16.f32 v1  }
0x46: {  	v0 =	vunpack.i.u.bf16.f32 v0;
	v1 =	vunpack.i.u.bf16.f32 v1;
	v2 =	vadd.f32 v3, v2  }
0x47: {  	v0 =	vadd.f32 v1, v0  }
0x48: {  	[tilespmem:s24+$0xFC00] =	vst v2  }
0x49: {  	[tilespmem:s24+$0xFC10] =	vst v0  }
0x4a: {  	v0 =	vld [tilespmem:s31+$0x10]  }
0x4b: {  	v1 =	vld [tilespmem:s1+$0x10];
	_ =	sdelay $0x4  }
0x4c: {  	v2 =	vunpack.i.l.bf16.f32 v0;
	v3 =	vunpack.i.l.bf16.f32 v1  }
0x4d: {  	v0 =	vunpack.i.u.bf16.f32 v0;
	v1 =	vunpack.i.u.bf16.f32 v1;
	v2 =	vadd.f32 v3, v2  }
0x4e: {  	v0 =	vadd.f32 v1, v0  }
0x4f: {  	[tilespmem:s24+$0xFC20] =	vst v2  }
0x50: {  	[tilespmem:s24+$0xFC30] =	vst v0  }
0x51: {  	v2 =	vld [tilespmem:s31+$0x20]  }
0x52: {  	v1 =	vld [tilespmem:s1+$0x20];
	_ =	sdelay $0x3  }
0x53: {  	s13 =	simm.s32 $0x80;
	s11 =	simm.s32 $0x9040;
	s25 =	simm.s32 $0x2840;
	v0 =	vunpack.i.u.bf16.f32 v2;
	v2 =	vunpack.i.l.bf16.f32 v2  }
.LBB2_3:
0x54: {  	v3 =	vunpack.i.u.bf16.f32 v1;
	v1 =	vunpack.i.l.bf16.f32 v1;
	s0 =	sadd.s32 $0x100, s0;
	s31 =	sadd.s32 $0x80, s31;
	s1 =	sadd.s32 $0x80, s1  }
0x55: {  	p0 =	sne.s32 s13, $0x3380;
	s14 =	smov.u32 s13;
	s13 =	sadd.s32 $0x80, s13;
	v1 =	vadd.f32 v1, v2;
	v0 =	vadd.f32 v3, v0  }
0x56: {  	_ = 	snop  }
0x57: {  	[tilespmem:s24+$0xFC40] =	vst v1  }
0x58: {  	[tilespmem:s24+$0xFC50] =	vst v0  }
0x59: {  	v0 =	vld [tilespmem:s25+$0x30];
	s25 =	smov.u32 s31  }
0x5a: {  	v1 =	vld [tilespmem:s11+$0x30];
	s11 =	smov.u32 s1;
	_ =	sdelay $0x3  }
0x5b: {  	v2 =	vunpack.i.u.bf16.f32 v0;
	v0 =	vunpack.i.l.bf16.f32 v0  }
0x5c: {  	v3 =	vunpack.i.u.bf16.f32 v1;
	v1 =	vunpack.i.l.bf16.f32 v1  }
0x5d: {  	v0 =	vadd.f32 v1, v0;
	v1 =	vadd.f32 v3, v2;
	_ =	sdelay $0x1  }
0x5e: {  	[tilespmem:s24+$0xFC60] =	vst v0  }
0x5f: {  	[tilespmem:s24+$0xFC70] =	vst v1  }
0x60: {  	v0 =	vld [tilespmem:s31+$0xFFFFFFC0]  }
0x61: {  	v1 =	vld [tilespmem:s1+$0xFFFFFFC0];
	_ =	sdelay $0x3  }
0x62: {  	v2 =	vunpack.i.l.bf16.f32 v0  }
0x63: {  	v0 =	vunpack.i.u.bf16.f32 v0;
	v3 =	vunpack.i.u.bf16.f32 v1;
	v1 =	vunpack.i.l.bf16.f32 v1  }
0x64: {  	s14 =	sand.u32 $0x380, s14;
	s24 =	sand.u32 $0x7800, s0;
	v1 =	vadd.f32 v1, v2;
	v0 =	vadd.f32 v3, v0  }
0x65: {  	s24 =	sor.u32 s14, s24  }
0x66: {  	[tilespmem:s24+$0xF800] =	vst v1  }
0x67: {  	[tilespmem:s24+$0xF810] =	vst v0  }
0x68: {  	v0 =	vld [tilespmem:s31+$0xFFFFFFD0]  }
0x69: {  	v1 =	vld [tilespmem:s1+$0xFFFFFFD0];
	_ =	sdelay $0x3  }
0x6a: {  	v2 =	vunpack.i.u.bf16.f32 v0;
	v0 =	vunpack.i.l.bf16.f32 v0  }
0x6b: {  	v3 =	vunpack.i.u.bf16.f32 v1;
	v1 =	vunpack.i.l.bf16.f32 v1  }
0x6c: {  	v0 =	vadd.f32 v1, v0;
	v1 =	vadd.f32 v3, v2;
	_ =	sdelay $0x1  }
0x6d: {  	[tilespmem:s24+$0xF820] =	vst v0  }
0x6e: {  	[tilespmem:s24+$0xF830] =	vst v1  }
0x6f: {  	v0 =	vld [tilespmem:s31+$0xFFFFFFE0]  }
0x70: {  	v1 =	vld [tilespmem:s1+$0xFFFFFFE0];
	_ =	sdelay $0x3  }
0x71: {  	v2 =	vunpack.i.u.bf16.f32 v0;
	v0 =	vunpack.i.l.bf16.f32 v0  }
0x72: {  	v3 =	vunpack.i.u.bf16.f32 v1;
	v1 =	vunpack.i.l.bf16.f32 v1  }
0x73: {  	v0 =	vadd.f32 v1, v0;
	v1 =	vadd.f32 v3, v2;
	_ =	sdelay $0x1  }
0x74: {  	[tilespmem:s24+$0xF840] =	vst v0  }
0x75: {  	[tilespmem:s24+$0xF850] =	vst v1  }
0x76: {  	v0 =	vld [tilespmem:s31+$0xFFFFFFF0]  }
0x77: {  	v1 =	vld [tilespmem:s1+$0xFFFFFFF0];
	_ =	sdelay $0x3  }
0x78: {  	v2 =	vunpack.i.u.bf16.f32 v0;
	v0 =	vunpack.i.l.bf16.f32 v0  }
0x79: {  	v3 =	vunpack.i.u.bf16.f32 v1;
	v1 =	vunpack.i.l.bf16.f32 v1  }
0x7a: {  	v0 =	vadd.f32 v1, v0;
	v1 =	vadd.f32 v3, v2;
	_ =	sdelay $0x1  }
0x7b: {  	[tilespmem:s24+$0xF860] =	vst v0  }
0x7c: {  	[tilespmem:s24+$0xF870] =	vst v1  }
0x7d: {  	v0 =	vld [tilespmem:s31+$0x0]  }
0x7e: {  	v1 =	vld [tilespmem:s1+$0x0];
	_ =	sdelay $0x3  }
0x7f: {  	v2 =	vunpack.i.u.bf16.f32 v0;
	v0 =	vunpack.i.l.bf16.f32 v0  }
0x80: {  	v3 =	vunpack.i.u.bf16.f32 v1;
	v1 =	vunpack.i.l.bf16.f32 v1  }
0x81: {  	v0 =	vadd.f32 v1, v0;
	v1 =	vadd.f32 v3, v2;
	_ =	sdelay $0x1  }
0x82: {  	[tilespmem:s24+$0xFC00] =	vst v0  }
0x83: {  	[tilespmem:s24+$0xFC10] =	vst v1  }
0x84: {  	v0 =	vld [tilespmem:s31+$0x10]  }
0x85: {  	v1 =	vld [tilespmem:s1+$0x10];
	_ =	sdelay $0x3  }
0x86: {  	v2 =	vunpack.i.u.bf16.f32 v0;
	v0 =	vunpack.i.l.bf16.f32 v0  }
0x87: {  	v3 =	vunpack.i.u.bf16.f32 v1;
	v1 =	vunpack.i.l.bf16.f32 v1  }
0x88: {  	v0 =	vadd.f32 v1, v0;
	v1 =	vadd.f32 v3, v2;
	_ =	sdelay $0x1  }
0x89: {  	[tilespmem:s24+$0xFC20] =	vst v0  }
0x8a: {  	[tilespmem:s24+$0xFC30] =	vst v1  }
0x8b: {  	v2 =	vld [tilespmem:s31+$0x20]  }
.Ltmp0:
0x8c: {  	v1 =	vld [tilespmem:s1+$0x20];
	(pc) =	sbr.rel @p0 .LBB2_3-.Ltmp0, $2  }
0x8d: {  	_ =	sdelay $0x2  }
0x8e: {  	v0 =	vunpack.i.u.bf16.f32 v2;
	v2 =	vunpack.i.l.bf16.f32 v2  }
0x8f: {  	v3 =	vunpack.i.l.bf16.f32 v1  }
0x90: {  	v1 =	vunpack.i.u.bf16.f32 v1;
	v2 =	vadd.f32 v3, v2  }
0x91: {  	v0 =	vadd.f32 v1, v0  }
0x92: {  	[tilespmem:s24+$0xFC40] =	vst v2  }
0x93: {  	[tilespmem:s24+$0xFC50] =	vst v0  }
0x94: {  	v0 =	vld [tilespmem:s25+$0x30]  }
0x95: {  	v1 =	vld [tilespmem:s11+$0x30];
	_ =	sdelay $0x4  }
0x96: {  	v2 =	vunpack.i.l.bf16.f32 v0;
	v3 =	vunpack.i.l.bf16.f32 v1  }
0x97: {  	v0 =	vunpack.i.u.bf16.f32 v0;
	v1 =	vunpack.i.u.bf16.f32 v1;
	v2 =	vadd.f32 v3, v2  }
0x98: {  	s0 =	sadd.s32 s4, s30;
	v0 =	vadd.f32 v1, v0  }
0x99: {  	s0 =	sshll.u32 s0, $0x5;
	[tilespmem:s24+$0xFC60] =	vst v2  }
0x9a: {  	s0 =	sadd.s32 s2, s0;
	[tilespmem:s24+$0xFC70] =	vst v0  }
0x9b: {  	[hbm4b:s0+s3] =	stream.linear.scatter [tilespmem:s18], [sflag:$0x3], $0x6800, $0x38;
	[tilespmem:$0x1C800] =	vst v63  }
0x9c: {  	p0 =	seq.s32 s28, $0x17;
	_ =	swait.ge [sflag:s19], $0x6800  }
0x9d: {  	s1 =	simm.s32 @!p0 $0x68;
	[sflag:s19] =	ssyncset.done $0x0  }
0x9e: {  	s11 =	simm.s32 @!p0 $0x2800;
	s0 =	sadd.s32 @!p0 $0xD0, s30;
	[sflag:s19] =	ssyncadd.s32 $0xFFFF9800  }
0x9f: {  	[tilespmem:s11], [sflag:$0x1] =	stream.indirect.gather @!p0 [hbm4b:s5+s1], $0x80, s0, s1, $0xb8;
	[tilespmem:$0x1C800] =	vst v63  }
0xa0: {  	s0 =	sadd.s32 @!p0 $0x14D0, s30;
	s11 =	simm.s32 @!p0 $0x9000  }
0xa1: {  	[tilespmem:s11], [sflag:$0x1] =	stream.indirect.gather @!p0 [hbm4b:s5+s1], $0x80, s0, s1, $0xb8;
	[tilespmem:$0x1C800] =	vst v63  }
0xa2: {  	_ =	swait.ge [sflag:s20], $0x3400  }
0xa3: {  	[sflag:s20] =	ssyncset.done $0x0  }
0xa4: {  	[sflag:s20] =	ssyncadd.s32 $0xFFFFCC00  }
0xa5: {  	_ =	swait.ge [sflag:s20], $0x3400  }
0xa6: {  	[sflag:s20] =	ssyncset.done $0x0  }
0xa7: {  	s30 =	simm.s32 $0x5C40;
	[sflag:s20] =	ssyncadd.s32 $0xFFFFCC00  }
0xa8: {  	s31 =	simm.s32 $0xC440;
	v0 =	vld [tilespmem:s30+$0xFFFFFFC0]  }
0xa9: {  	v1 =	vld [tilespmem:s31+$0xFFFFFFC0];
	_ =	sdelay $0x4  }
0xaa: {  	s1 =	simm.s32 $0x0;
	v2 =	vunpack.i.l.bf16.f32 v0;
	v3 =	vunpack.i.l.bf16.f32 v1  }
0xab: {  	s24 =	sand.u32 $0x7800, s1;
	s25 =	sand.u32 $0x380, s1;
	v1 =	vunpack.i.u.bf16.f32 v1;
	v0 =	vunpack.i.u.bf16.f32 v0;
	v2 =	vadd.f32 v3, v2  }
0xac: {  	s11 =	sor.u32 s25, s24;
	v0 =	vadd.f32 v1, v0  }
0xad: {  	s0 =	sadd.s32 $0x16000, s11;
	[tilespmem:s11+$0x16000] =	vst v2  }
0xae: {  	[tilespmem:s0+$0x10] =	vst v0  }
0xaf: {  	v0 =	vld [tilespmem:s30+$0xFFFFFFD0]  }
0xb0: {  	v1 =	vld [tilespmem:s31+$0xFFFFFFD0];
	_ =	sdelay $0x4  }
0xb1: {  	v2 =	vunpack.i.l.bf16.f32 v0;
	v3 =	vunpack.i.l.bf16.f32 v1  }
0xb2: {  	v0 =	vunpack.i.u.bf16.f32 v0;
	v1 =	vunpack.i.u.bf16.f32 v1;
	v2 =	vadd.f32 v3, v2  }
0xb3: {  	v0 =	vadd.f32 v1, v0  }
0xb4: {  	[tilespmem:s0+$0x20] =	vst v2  }
0xb5: {  	[tilespmem:s0+$0x30] =	vst v0  }
0xb6: {  	v0 =	vld [tilespmem:s30+$0xFFFFFFE0]  }
0xb7: {  	v1 =	vld [tilespmem:s31+$0xFFFFFFE0];
	_ =	sdelay $0x4  }
0xb8: {  	v2 =	vunpack.i.l.bf16.f32 v0;
	v3 =	vunpack.i.l.bf16.f32 v1  }
0xb9: {  	v0 =	vunpack.i.u.bf16.f32 v0;
	v1 =	vunpack.i.u.bf16.f32 v1;
	v2 =	vadd.f32 v3, v2  }
0xba: {  	v0 =	vadd.f32 v1, v0  }
0xbb: {  	[tilespmem:s0+$0x40] =	vst v2  }
0xbc: {  	[tilespmem:s0+$0x50] =	vst v0  }
0xbd: {  	v0 =	vld [tilespmem:s30+$0xFFFFFFF0]  }
0xbe: {  	v1 =	vld [tilespmem:s31+$0xFFFFFFF0];
	_ =	sdelay $0x4  }
0xbf: {  	v2 =	vunpack.i.l.bf16.f32 v0;
	v3 =	vunpack.i.l.bf16.f32 v1  }
0xc0: {  	v0 =	vunpack.i.u.bf16.f32 v0;
	v1 =	vunpack.i.u.bf16.f32 v1;
	v2 =	vadd.f32 v3, v2  }
0xc1: {  	v0 =	vadd.f32 v1, v0  }
0xc2: {  	[tilespmem:s0+$0x60] =	vst v2  }
0xc3: {  	[tilespmem:s0+$0x70] =	vst v0  }
0xc4: {  	v0 =	vld [tilespmem:s30+$0x0]  }
0xc5: {  	v1 =	vld [tilespmem:s31+$0x0];
	_ =	sdelay $0x4  }
0xc6: {  	v2 =	vunpack.i.l.bf16.f32 v0;
	v3 =	vunpack.i.l.bf16.f32 v1  }
0xc7: {  	v0 =	vunpack.i.u.bf16.f32 v0;
	v1 =	vunpack.i.u.bf16.f32 v1;
	v2 =	vadd.f32 v3, v2  }
0xc8: {  	v0 =	vadd.f32 v1, v0  }
0xc9: {  	[tilespmem:s0+$0x400] =	vst v2  }
0xca: {  	[tilespmem:s0+$0x410] =	vst v0  }
0xcb: {  	v0 =	vld [tilespmem:s30+$0x10]  }
0xcc: {  	v1 =	vld [tilespmem:s31+$0x10];
	_ =	sdelay $0x4  }
0xcd: {  	v2 =	vunpack.i.l.bf16.f32 v0;
	v3 =	vunpack.i.l.bf16.f32 v1  }
0xce: {  	v0 =	vunpack.i.u.bf16.f32 v0;
	v1 =	vunpack.i.u.bf16.f32 v1;
	v2 =	vadd.f32 v3, v2  }
0xcf: {  	v0 =	vadd.f32 v1, v0  }
0xd0: {  	[tilespmem:s0+$0x420] =	vst v2  }
0xd1: {  	[tilespmem:s0+$0x430] =	vst v0  }
0xd2: {  	v1 =	vld [tilespmem:s30+$0x20]  }
0xd3: {  	v3 =	vld [tilespmem:s31+$0x20];
	_ =	sdelay $0x3  }
0xd4: {  	v0 =	vunpack.i.u.bf16.f32 v1  }
0xd5: {  	s25 =	simm.s32 $0x80;
	s24 =	simm.s32 $0xC440;
	s11 =	simm.s32 $0x5C40;
	v1 =	vunpack.i.l.bf16.f32 v1;
	v2 =	vunpack.i.u.bf16.f32 v3;
	v3 =	vunpack.i.l.bf16.f32 v3  }
.LBB2_5:
0xd6: {  	v1 =	vadd.f32 v3, v1;
	v0 =	vadd.f32 v2, v0;
	s1 =	sadd.s32 $0x100, s1;
	s30 =	sadd.s32 $0x80, s30;
	s31 =	sadd.s32 $0x80, s31  }
0xd7: {  	p0 =	sne.s32 s25, $0x3380;
	s13 =	smov.u32 s25;
	s25 =	sadd.s32 $0x80, s25  }
0xd8: {  	[tilespmem:s0+$0x440] =	vst v1  }
0xd9: {  	[tilespmem:s0+$0x450] =	vst v0  }
0xda: {  	v0 =	vld [tilespmem:s11+$0x30];
	s11 =	smov.u32 s30  }
0xdb: {  	v1 =	vld [tilespmem:s24+$0x30];
	s24 =	smov.u32 s31;
	_ =	sdelay $0x3  }
0xdc: {  	v2 =	vunpack.i.u.bf16.f32 v0;
	v0 =	vunpack.i.l.bf16.f32 v0  }
0xdd: {  	v3 =	vunpack.i.u.bf16.f32 v1;
	v1 =	vunpack.i.l.bf16.f32 v1  }
0xde: {  	v0 =	vadd.f32 v1, v0;
	v1 =	vadd.f32 v3, v2;
	_ =	sdelay $0x1  }
0xdf: {  	[tilespmem:s0+$0x460] =	vst v0  }
0xe0: {  	[tilespmem:s0+$0x470] =	vst v1  }
0xe1: {  	v0 =	vld [tilespmem:s30+$0xFFFFFFC0]  }
0xe2: {  	v1 =	vld [tilespmem:s31+$0xFFFFFFC0];
	_ =	sdelay $0x4  }
0xe3: {  	v2 =	vunpack.i.l.bf16.f32 v0;
	v3 =	vunpack.i.u.bf16.f32 v1;
	v1 =	vunpack.i.l.bf16.f32 v1  }
0xe4: {  	s13 =	sand.u32 $0x380, s13;
	s0 =	sand.u32 $0x7800, s1;
	v0 =	vunpack.i.u.bf16.f32 v0;
	v1 =	vadd.f32 v1, v2  }
0xe5: {  	s13 =	sor.u32 s13, s0;
	v0 =	vadd.f32 v3, v0  }
0xe6: {  	s0 =	sadd.s32 $0x16000, s13;
	[tilespmem:s13+$0x16000] =	vst v1  }
0xe7: {  	[tilespmem:s0+$0x10] =	vst v0  }
0xe8: {  	v0 =	vld [tilespmem:s30+$0xFFFFFFD0]  }
0xe9: {  	v1 =	vld [tilespmem:s31+$0xFFFFFFD0];
	_ =	sdelay $0x3  }
0xea: {  	v2 =	vunpack.i.u.bf16.f32 v0;
	v0 =	vunpack.i.l.bf16.f32 v0  }
0xeb: {  	v3 =	vunpack.i.u.bf16.f32 v1;
	v1 =	vunpack.i.l.bf16.f32 v1  }
0xec: {  	v0 =	vadd.f32 v1, v0;
	v1 =	vadd.f32 v3, v2;
	_ =	sdelay $0x1  }
0xed: {  	[tilespmem:s0+$0x20] =	vst v0  }
0xee: {  	[tilespmem:s0+$0x30] =	vst v1  }
0xef: {  	v0 =	vld [tilespmem:s30+$0xFFFFFFE0]  }
0xf0: {  	v1 =	vld [tilespmem:s31+$0xFFFFFFE0];
	_ =	sdelay $0x3  }
0xf1: {  	v2 =	vunpack.i.u.bf16.f32 v0;
	v0 =	vunpack.i.l.bf16.f32 v0  }
0xf2: {  	v3 =	vunpack.i.u.bf16.f32 v1;
	v1 =	vunpack.i.l.bf16.f32 v1  }
0xf3: {  	v0 =	vadd.f32 v1, v0;
	v1 =	vadd.f32 v3, v2;
	_ =	sdelay $0x1  }
0xf4: {  	[tilespmem:s0+$0x40] =	vst v0  }
0xf5: {  	[tilespmem:s0+$0x50] =	vst v1  }
0xf6: {  	v0 =	vld [tilespmem:s30+$0xFFFFFFF0]  }
0xf7: {  	v1 =	vld [tilespmem:s31+$0xFFFFFFF0];
	_ =	sdelay $0x3  }
0xf8: {  	v2 =	vunpack.i.u.bf16.f32 v0;
	v0 =	vunpack.i.l.bf16.f32 v0  }
0xf9: {  	v3 =	vunpack.i.u.bf16.f32 v1;
	v1 =	vunpack.i.l.bf16.f32 v1  }
0xfa: {  	v0 =	vadd.f32 v1, v0;
	v1 =	vadd.f32 v3, v2;
	_ =	sdelay $0x1  }
0xfb: {  	[tilespmem:s0+$0x60] =	vst v0  }
0xfc: {  	[tilespmem:s0+$0x70] =	vst v1  }
0xfd: {  	v0 =	vld [tilespmem:s30+$0x0]  }
0xfe: {  	v1 =	vld [tilespmem:s31+$0x0];
	_ =	sdelay $0x3  }
0xff: {  	v2 =	vunpack.i.u.bf16.f32 v0;
	v0 =	vunpack.i.l.bf16.f32 v0  }
0x100: {  	v3 =	vunpack.i.u.bf16.f32 v1;
	v1 =	vunpack.i.l.bf16.f32 v1  }
0x101: {  	v0 =	vadd.f32 v1, v0;
	v1 =	vadd.f32 v3, v2;
	_ =	sdelay $0x1  }
0x102: {  	[tilespmem:s0+$0x400] =	vst v0  }
0x103: {  	[tilespmem:s0+$0x410] =	vst v1  }
0x104: {  	v0 =	vld [tilespmem:s30+$0x10]  }
0x105: {  	v1 =	vld [tilespmem:s31+$0x10];
	_ =	sdelay $0x3  }
0x106: {  	v2 =	vunpack.i.u.bf16.f32 v0;
	v0 =	vunpack.i.l.bf16.f32 v0  }
0x107: {  	v3 =	vunpack.i.u.bf16.f32 v1;
	v1 =	vunpack.i.l.bf16.f32 v1  }
0x108: {  	v0 =	vadd.f32 v1, v0;
	v1 =	vadd.f32 v3, v2;
	_ =	sdelay $0x1  }
0x109: {  	[tilespmem:s0+$0x420] =	vst v0  }
0x10a: {  	[tilespmem:s0+$0x430] =	vst v1  }
0x10b: {  	v1 =	vld [tilespmem:s30+$0x20]  }
0x10c: {  	v3 =	vld [tilespmem:s31+$0x20]  }
.Ltmp1:
0x10d: {  	(pc) =	sbr.rel @p0 .LBB2_5-.Ltmp1, $3  }
0x10e: {  	_ =	sdelay $0x1  }
0x10f: {  	v0 =	vunpack.i.u.bf16.f32 v1;
	v1 =	vunpack.i.l.bf16.f32 v1  }
0x110: {  	v2 =	vunpack.i.u.bf16.f32 v3;
	v3 =	vunpack.i.l.bf16.f32 v3  }
0x111: {  	v1 =	vadd.f32 v3, v1  }
0x112: {  	v0 =	vadd.f32 v2, v0  }
0x113: {  	[tilespmem:s0+$0x440] =	vst v1  }
0x114: {  	[tilespmem:s0+$0x450] =	vst v0  }
0x115: {  	v0 =	vld [tilespmem:s11+$0x30]  }
0x116: {  	v1 =	vld [tilespmem:s24+$0x30];
	_ =	sdelay $0x3  }
0x117: {  	s28 =	sadd.s32 $0x1, s28  }
0x118: {  	p0 =	sne.s32 s28, $0x18;
	v62 =	vunpack.i.l.bf16.f32 v0;
	v63 =	vunpack.i.l.bf16.f32 v1  }
.Ltmp2:
0x119: {  	v0 =	vunpack.i.u.bf16.f32 v0;
	v1 =	vunpack.i.u.bf16.f32 v1;
	v2 =	vadd.f32 v63, v62;
	(pc) =	sbr.rel @p0 .LBB2_2-.Ltmp2, $4  }
0x11a: {  	s1 =	sadd.s32 s4, s29;
	v0 =	vadd.f32 v1, v0  }
0x11b: {  	s1 =	sshll.u32 s1, $0x5;
	[tilespmem:s0+$0x460] =	vst v2  }
0x11c: {  	s31 =	sadd.s32 s2, s1;
	[tilespmem:s0+$0x470] =	vst v0  }
0x11d: {  	[hbm4b:s31+s3] =	stream.linear.scatter [tilespmem:s21], [sflag:$0x4], $0x6800, $0x38;
	[tilespmem:$0x1C800] =	vst v63  }
0x11e: {  	_ =	swait.ge [sflag:s22], $0x6800  }
0x11f: {  	[sflag:s22] =	ssyncset.done $0x0  }
0x120: {  	s1 =	simm.s32 $0x2800;
	s0 =	simm.s32 $0x1380;
	[sflag:s22] =	ssyncadd.s32 $0xFFFF9800  }
0x121: {  	[tilespmem:s1], [sflag:$0x1] =	stream.indirect.gather [hbm4b:s5+s23], $0x80, s0, s23, $0xb8;
	[tilespmem:$0x1C800] =	vst v63  }
0x122: {  	s11 =	simm.s32 $0x9000;
	s31 =	simm.s32 $0x2780  }
0x123: {  	[tilespmem:s11], [sflag:$0x1] =	stream.indirect.gather [hbm4b:s5+s23], $0x80, s31, s23, $0xb8;
	[tilespmem:$0x1C800] =	vst v63  }
0x124: {  	_ =	swait.ge [sflag:s17], $0x400  }
0x125: {  	[sflag:s17] =	ssyncset.done $0x0  }
0x126: {  	[sflag:s17] =	ssyncadd.s32 $0xFFFFFC00  }
0x127: {  	_ =	swait.ge [sflag:s17], $0x400  }
0x128: {  	[sflag:s17] =	ssyncset.done $0x0  }
0x129: {  	[sflag:s17] =	ssyncadd.s32 $0xFFFFFC00  }
0x12a: {  	v0 =	vld [tilespmem:$0x2800]  }
0x12b: {  	v1 =	vld [tilespmem:$0x9000]  }
0x12c: {  	v2 =	vld [tilespmem:$0x2810]  }
0x12d: {  	v3 =	vld [tilespmem:$0x9010]  }
0x12e: {  	v4 =	vld [tilespmem:$0x2820]  }
0x12f: {  	v5 =	vld [tilespmem:$0x9020]  }
0x130: {  	v8 =	vld [tilespmem:$0x2830]  }
0x131: {  	v54 =	vld [tilespmem:$0x9030]  }
0x132: {  	v10 =	vld [tilespmem:$0x2840]  }
0x133: {  	v56 =	vld [tilespmem:$0x9040]  }
0x134: {  	v60 =	vld [tilespmem:$0x2850]  }
0x135: {  	v63 =	vld [tilespmem:$0x9050]  }
0x136: {  	v15 =	vld [tilespmem:$0x2860];
	v6 =	vunpack.i.l.bf16.f32 v0  }
0x137: {  	v17 =	vld [tilespmem:$0x9060];
	v7 =	vunpack.i.l.bf16.f32 v1;
	v0 =	vunpack.i.u.bf16.f32 v0;
	v1 =	vunpack.i.u.bf16.f32 v1  }
0x138: {  	v21 =	vld [tilespmem:$0x2870];
	v55 =	vunpack.i.l.bf16.f32 v2;
	v9 =	vunpack.i.l.bf16.f32 v3;
	v2 =	vunpack.i.u.bf16.f32 v2  }
0x139: {  	v23 =	vld [tilespmem:$0x9070];
	v3 =	vunpack.i.u.bf16.f32 v3;
	v58 =	vunpack.i.l.bf16.f32 v4;
	v6 =	vadd.f32 v7, v6  }
0x13a: {  	v27 =	vld [tilespmem:$0x2880];
	v59 =	vunpack.i.l.bf16.f32 v5;
	v61 =	vunpack.i.u.bf16.f32 v4;
	v0 =	vadd.f32 v1, v0  }
0x13b: {  	v39 =	vld [tilespmem:$0x28A0];
	v62 =	vunpack.i.u.bf16.f32 v5;
	v13 =	vunpack.i.l.bf16.f32 v8;
	v1 =	vadd.f32 v9, v55;
	[tilespmem:$0xF800] =	vst v6  }
0x13c: {  	v41 =	vld [tilespmem:$0x90A0];
	v14 =	vunpack.i.l.bf16.f32 v54;
	v16 =	vunpack.i.u.bf16.f32 v8;
	v57 =	vadd.f32 v3, v2;
	[tilespmem:$0xF810] =	vst v0  }
0x13d: {  	v29 =	vld [tilespmem:$0x9080];
	v19 =	vunpack.i.l.bf16.f32 v10;
	v20 =	vunpack.i.l.bf16.f32 v56;
	v2 =	vadd.f32 v59, v58;
	[tilespmem:$0xF820] =	vst v1  }
0x13e: {  	v33 =	vld [tilespmem:$0x2890];
	v34 =	vunpack.i.u.bf16.f32 v15;
	v4 =	vunpack.i.u.bf16.f32 v17;
	v12 =	vadd.f32 v62, v61;
	[tilespmem:$0xF830] =	vst v57  }
0x13f: {  	v35 =	vld [tilespmem:$0x9090];
	v22 =	vunpack.i.u.bf16.f32 v10;
	v7 =	vunpack.i.u.bf16.f32 v54;
	v36 =	vadd.f32 v4, v34;
	[tilespmem:$0xF840] =	vst v2  }
0x140: {  	v45 =	vld [tilespmem:$0x28B0];
	v28 =	vunpack.i.u.bf16.f32 v60;
	v3 =	vunpack.i.u.bf16.f32 v63;
	v18 =	vadd.f32 v7, v16;
	[tilespmem:$0xF850] =	vst v12  }
0x141: {  	v47 =	vld [tilespmem:$0x90B0];
	v58 =	vunpack.i.u.bf16.f32 v39;
	v4 =	vunpack.i.u.bf16.f32 v41;
	v30 =	vadd.f32 v3, v28;
	[tilespmem:$0xFC50] =	vst v36  }
0x142: {  	v51 =	vld [tilespmem:$0x28C0];
	v25 =	vunpack.i.l.bf16.f32 v60;
	v26 =	vunpack.i.l.bf16.f32 v63;
	v60 =	vadd.f32 v4, v58;
	[tilespmem:$0xF870] =	vst v18  }
0x143: {  	v53 =	vld [tilespmem:$0x90C0];
	v31 =	vunpack.i.l.bf16.f32 v15;
	v32 =	vunpack.i.l.bf16.f32 v17;
	v1 =	vadd.f32 v14, v13;
	[tilespmem:$0xFC30] =	vst v30  }
0x144: {  	v40 =	vunpack.i.u.bf16.f32 v21;
	v17 =	vld [tilespmem:$0x28F0];
	v7 =	vunpack.i.u.bf16.f32 v23;
	v2 =	vadd.f32 v20, v19;
	[tilespmem:$0xF8D0] =	vst v60  }
0x145: {  	v52 =	vunpack.i.u.bf16.f32 v33;
	v59 =	vld [tilespmem:$0x90D0];
	v3 =	vunpack.i.u.bf16.f32 v35;
	v42 =	vadd.f32 v7, v40;
	[tilespmem:$0xF860] =	vst v1  }
0x146: {  	v38 =	vunpack.i.l.bf16.f32 v23;
	v63 =	vld [tilespmem:$0x28E0];
	v6 =	vunpack.i.u.bf16.f32 v56;
	v54 =	vadd.f32 v3, v52;
	[tilespmem:$0xFC00] =	vst v2  }
0x147: {  	v23 =	vld [tilespmem:$0x2900];
	v12 =	vunpack.i.u.bf16.f32 v45;
	v7 =	vunpack.i.u.bf16.f32 v47;
	v24 =	vadd.f32 v6, v22;
	[tilespmem:$0xFC70] =	vst v42  }
0x148: {  	v37 =	vunpack.i.l.bf16.f32 v21;
	v50 =	vunpack.i.l.bf16.f32 v35;
	v35 =	vld [tilespmem:$0x2920];
	v14 =	vadd.f32 v7, v12;
	[tilespmem:$0xF8B0] =	vst v54  }
0x149: {  	v43 =	vunpack.i.l.bf16.f32 v27;
	v44 =	vunpack.i.l.bf16.f32 v29;
	v57 =	vld [tilespmem:$0x28D0];
	v1 =	vadd.f32 v26, v25;
	[tilespmem:$0xFC10] =	vst v24  }
0x14a: {  	v46 =	vunpack.i.u.bf16.f32 v27;
	v13 =	vld [tilespmem:$0x90E0];
	v6 =	vunpack.i.u.bf16.f32 v29;
	v2 =	vadd.f32 v32, v31;
	[tilespmem:$0xF8F0] =	vst v14  }
0x14b: {  	v19 =	vld [tilespmem:$0x90F0];
	v18 =	vunpack.i.u.bf16.f32 v51;
	v48 =	vadd.f32 v6, v46;
	v6 =	vunpack.i.u.bf16.f32 v53;
	[tilespmem:$0xFC20] =	vst v1  }
0x14c: {  	v49 =	vunpack.i.l.bf16.f32 v33;
	v56 =	vunpack.i.l.bf16.f32 v41;
	v41 =	vld [tilespmem:$0x2930];
	v20 =	vadd.f32 v6, v18;
	[tilespmem:$0xFC40] =	vst v2  }
0x14d: {  	v15 =	vunpack.i.l.bf16.f32 v51;
	v62 =	vunpack.i.l.bf16.f32 v47;
	v47 =	vld [tilespmem:$0x2940];
	v1 =	vadd.f32 v38, v37;
	[tilespmem:$0xF890] =	vst v48  }
0x14e: {  	v55 =	vunpack.i.l.bf16.f32 v39;
	v61 =	vunpack.i.l.bf16.f32 v45;
	v29 =	vld [tilespmem:$0x2910];
	v2 =	vadd.f32 v44, v43;
	[tilespmem:$0xFC90] =	vst v20  }
0x14f: {  	v16 =	vunpack.i.l.bf16.f32 v53;
	v25 =	vld [tilespmem:$0x9100];
	v36 =	vunpack.i.u.bf16.f32 v17;
	[tilespmem:$0xFC60] =	vst v1;
	v1 =	vadd.f32 v50, v49  }
0x150: {  	v31 =	vld [tilespmem:$0x9110];
	v3 =	vunpack.i.u.bf16.f32 v59;
	v24 =	vunpack.i.u.bf16.f32 v57;
	[tilespmem:$0xF880] =	vst v2;
	v2 =	vadd.f32 v56, v55  }
0x151: {  	v53 =	vld [tilespmem:$0x2950];
	v30 =	vunpack.i.u.bf16.f32 v63;
	v4 =	vunpack.i.u.bf16.f32 v13;
	v26 =	vadd.f32 v3, v24;
	[tilespmem:$0xF8A0] =	vst v1  }
0x152: {  	v22 =	vunpack.i.l.bf16.f32 v59;
	v59 =	vld [tilespmem:$0x2960];
	v7 =	vunpack.i.u.bf16.f32 v19;
	v32 =	vadd.f32 v4, v30;
	[tilespmem:$0xF8C0] =	vst v2  }
0x153: {  	v33 =	vunpack.i.l.bf16.f32 v17;
	v27 =	vunpack.i.l.bf16.f32 v63;
	v37 =	vld [tilespmem:$0x9120];
	v38 =	vadd.f32 v7, v36;
	[tilespmem:$0xFCB0] =	vst v26  }
0x154: {  	v42 =	vunpack.i.u.bf16.f32 v23;
	v43 =	vld [tilespmem:$0x9130];
	v28 =	vunpack.i.l.bf16.f32 v13;
	v1 =	vadd.f32 v62, v61;
	[tilespmem:$0xFCD0] =	vst v32  }
0x155: {  	v34 =	vunpack.i.l.bf16.f32 v19;
	v13 =	vld [tilespmem:$0x2970];
	v6 =	vunpack.i.u.bf16.f32 v25;
	v2 =	vadd.f32 v16, v15;
	[tilespmem:$0xFCF0] =	vst v38  }
0x156: {  	v19 =	vld [tilespmem:$0x2980];
	v48 =	vunpack.i.u.bf16.f32 v29;
	v3 =	vunpack.i.u.bf16.f32 v31;
	v44 =	vadd.f32 v6, v42;
	[tilespmem:$0xF8E0] =	vst v1  }
0x157: {  	v39 =	vunpack.i.l.bf16.f32 v23;
	v21 =	vunpack.i.l.bf16.f32 v57;
	v49 =	vld [tilespmem:$0x9140];
	v50 =	vadd.f32 v3, v48;
	[tilespmem:$0xFC80] =	vst v2  }
0x158: {  	v54 =	vunpack.i.u.bf16.f32 v35;
	v60 =	vunpack.i.u.bf16.f32 v41;
	v55 =	vld [tilespmem:$0x9150];
	v1 =	vadd.f32 v22, v21;
	[tilespmem:$0xF910] =	vst v44  }
0x159: {  	v40 =	vunpack.i.l.bf16.f32 v25;
	v25 =	vld [tilespmem:$0x2990];
	v4 =	vunpack.i.u.bf16.f32 v37;
	v2 =	vadd.f32 v28, v27;
	[tilespmem:$0xF930] =	vst v50  }
0x15a: {  	v46 =	vunpack.i.l.bf16.f32 v31;
	v31 =	vld [tilespmem:$0x29A0];
	v7 =	vunpack.i.u.bf16.f32 v43;
	v56 =	vadd.f32 v4, v54;
	[tilespmem:$0xFCA0] =	vst v1  }
0x15b: {  	v51 =	vunpack.i.l.bf16.f32 v35;
	v57 =	vunpack.i.l.bf16.f32 v41;
	v61 =	vld [tilespmem:$0x9160];
	v62 =	vadd.f32 v7, v60;
	[tilespmem:$0xFCC0] =	vst v2  }
0x15c: {  	v14 =	vunpack.i.u.bf16.f32 v47;
	v20 =	vunpack.i.u.bf16.f32 v53;
	v15 =	vld [tilespmem:$0x9170];
	v1 =	vadd.f32 v34, v33;
	[tilespmem:$0xF950] =	vst v56  }
0x15d: {  	v52 =	vunpack.i.l.bf16.f32 v37;
	v37 =	vld [tilespmem:$0x29B0];
	v6 =	vunpack.i.u.bf16.f32 v49;
	v2 =	vadd.f32 v40, v39;
	[tilespmem:$0xF970] =	vst v62  }
0x15e: {  	v58 =	vunpack.i.l.bf16.f32 v43;
	v43 =	vld [tilespmem:$0x29C0];
	v3 =	vunpack.i.u.bf16.f32 v55;
	v16 =	vadd.f32 v6, v14;
	[tilespmem:$0xFCE0] =	vst v1  }
0x15f: {  	v63 =	vunpack.i.l.bf16.f32 v47;
	v45 =	vunpack.i.l.bf16.f32 v29;
	v21 =	vld [tilespmem:$0x9180];
	v22 =	vadd.f32 v3, v20;
	[tilespmem:$0xF900] =	vst v2  }
0x160: {  	v26 =	vunpack.i.u.bf16.f32 v59;
	v27 =	vld [tilespmem:$0x9190];
	v32 =	vunpack.i.u.bf16.f32 v13;
	v1 =	vadd.f32 v46, v45;
	[tilespmem:$0xFD10] =	vst v16  }
0x161: {  	v12 =	vunpack.i.l.bf16.f32 v49;
	v49 =	vld [tilespmem:$0x29D0];
	v4 =	vunpack.i.u.bf16.f32 v61;
	v2 =	vadd.f32 v52, v51;
	[tilespmem:$0xFD30] =	vst v22  }
0x162: {  	v18 =	vunpack.i.l.bf16.f32 v55;
	v55 =	vld [tilespmem:$0x29E0];
	v7 =	vunpack.i.u.bf16.f32 v15;
	v28 =	vadd.f32 v4, v26;
	[tilespmem:$0xF920] =	vst v1  }
0x163: {  	v17 =	vunpack.i.l.bf16.f32 v53;
	v23 =	vunpack.i.l.bf16.f32 v59;
	v33 =	vld [tilespmem:$0x91A0];
	v34 =	vadd.f32 v7, v32;
	[tilespmem:$0xF940] =	vst v2  }
0x164: {  	v38 =	vunpack.i.u.bf16.f32 v19;
	v39 =	vld [tilespmem:$0x91B0];
	v44 =	vunpack.i.u.bf16.f32 v25;
	v1 =	vadd.f32 v58, v57;
	[tilespmem:$0xFD50] =	vst v28  }
0x165: {  	v24 =	vunpack.i.l.bf16.f32 v61;
	v61 =	vld [tilespmem:$0x29F0];
	v6 =	vunpack.i.u.bf16.f32 v21;
	v2 =	vadd.f32 v12, v63;
	[tilespmem:$0xFD70] =	vst v34  }
0x166: {  	v30 =	vunpack.i.l.bf16.f32 v15;
	v15 =	vld [tilespmem:$0x2A00];
	v3 =	vunpack.i.u.bf16.f32 v27;
	v40 =	vadd.f32 v6, v38;
	[tilespmem:$0xF960] =	vst v1  }
0x167: {  	v29 =	vunpack.i.l.bf16.f32 v13;
	v35 =	vunpack.i.l.bf16.f32 v19;
	v45 =	vld [tilespmem:$0x91C0];
	v46 =	vadd.f32 v3, v44;
	[tilespmem:$0xFD00] =	vst v2  }
0x168: {  	v50 =	vunpack.i.u.bf16.f32 v31;
	v51 =	vld [tilespmem:$0x91D0];
	v56 =	vunpack.i.u.bf16.f32 v37;
	v1 =	vadd.f32 v18, v17;
	[tilespmem:$0xF990] =	vst v40  }
0x169: {  	v36 =	vunpack.i.l.bf16.f32 v21;
	v21 =	vld [tilespmem:$0x2A10];
	v4 =	vunpack.i.u.bf16.f32 v33;
	v2 =	vadd.f32 v24, v23;
	[tilespmem:$0xF9B0] =	vst v46  }
0x16a: {  	v42 =	vunpack.i.l.bf16.f32 v27;
	v27 =	vld [tilespmem:$0x2A20];
	v7 =	vunpack.i.u.bf16.f32 v39;
	v52 =	vadd.f32 v4, v50;
	[tilespmem:$0xFD20] =	vst v1  }
0x16b: {  	v41 =	vunpack.i.l.bf16.f32 v25;
	v47 =	vunpack.i.l.bf16.f32 v31;
	v57 =	vld [tilespmem:$0x91E0];
	v58 =	vadd.f32 v7, v56;
	[tilespmem:$0xFD40] =	vst v2  }
0x16c: {  	v62 =	vunpack.i.u.bf16.f32 v43;
	v63 =	vld [tilespmem:$0x91F0];
	v16 =	vunpack.i.u.bf16.f32 v49;
	v1 =	vadd.f32 v30, v29;
	[tilespmem:$0xF9D0] =	vst v52  }
0x16d: {  	v48 =	vunpack.i.l.bf16.f32 v33;
	v33 =	vld [tilespmem:$0x2A30];
	v6 =	vunpack.i.u.bf16.f32 v45;
	v2 =	vadd.f32 v36, v35;
	[tilespmem:$0xF9F0] =	vst v58  }
0x16e: {  	v54 =	vunpack.i.l.bf16.f32 v39;
	v39 =	vld [tilespmem:$0x2A40];
	v3 =	vunpack.i.u.bf16.f32 v51;
	v12 =	vadd.f32 v6, v62;
	[tilespmem:$0xFD60] =	vst v1  }
0x16f: {  	v53 =	vunpack.i.l.bf16.f32 v37;
	v59 =	vunpack.i.l.bf16.f32 v43;
	v17 =	vld [tilespmem:$0x9200];
	v18 =	vadd.f32 v3, v16;
	[tilespmem:$0xF980] =	vst v2  }
0x170: {  	v22 =	vunpack.i.u.bf16.f32 v55;
	v23 =	vld [tilespmem:$0x9210];
	v28 =	vunpack.i.u.bf16.f32 v61;
	v1 =	vadd.f32 v42, v41;
	[tilespmem:$0xFD90] =	vst v12  }
0x171: {  	v60 =	vunpack.i.l.bf16.f32 v45;
	v45 =	vld [tilespmem:$0x2A50];
	v4 =	vunpack.i.u.bf16.f32 v57;
	v2 =	vadd.f32 v48, v47;
	[tilespmem:$0xFDB0] =	vst v18  }
0x172: {  	v14 =	vunpack.i.l.bf16.f32 v51;
	v51 =	vld [tilespmem:$0x2A60];
	v7 =	vunpack.i.u.bf16.f32 v63;
	v24 =	vadd.f32 v4, v22;
	[tilespmem:$0xF9A0] =	vst v1  }
0x173: {  	v13 =	vunpack.i.l.bf16.f32 v49;
	v19 =	vunpack.i.l.bf16.f32 v55;
	v29 =	vld [tilespmem:$0x9220];
	v30 =	vadd.f32 v7, v28;
	[tilespmem:$0xF9C0] =	vst v2  }
0x174: {  	v34 =	vunpack.i.u.bf16.f32 v15;
	v35 =	vld [tilespmem:$0x9230];
	v40 =	vunpack.i.u.bf16.f32 v21;
	v1 =	vadd.f32 v54, v53;
	[tilespmem:$0xFDD0] =	vst v24  }
0x175: {  	v20 =	vunpack.i.l.bf16.f32 v57;
	v57 =	vld [tilespmem:$0x2A70];
	v6 =	vunpack.i.u.bf16.f32 v17;
	v2 =	vadd.f32 v60, v59;
	[tilespmem:$0xFDF0] =	vst v30  }
0x176: {  	v26 =	vunpack.i.l.bf16.f32 v63;
	v63 =	vld [tilespmem:$0x2A80];
	v3 =	vunpack.i.u.bf16.f32 v23;
	v36 =	vadd.f32 v6, v34;
	[tilespmem:$0xF9E0] =	vst v1  }
0x177: {  	v25 =	vunpack.i.l.bf16.f32 v61;
	v31 =	vunpack.i.l.bf16.f32 v15;
	v41 =	vld [tilespmem:$0x9240];
	v42 =	vadd.f32 v3, v40;
	[tilespmem:$0xFD80] =	vst v2  }
0x178: {  	v46 =	vunpack.i.u.bf16.f32 v27;
	v47 =	vld [tilespmem:$0x9250];
	v52 =	vunpack.i.u.bf16.f32 v33;
	v1 =	vadd.f32 v14, v13;
	[tilespmem:$0xFA10] =	vst v36  }
0x179: {  	v32 =	vunpack.i.l.bf16.f32 v17;
	v17 =	vld [tilespmem:$0x2A90];
	v4 =	vunpack.i.u.bf16.f32 v29;
	v2 =	vadd.f32 v20, v19;
	[tilespmem:$0xFA30] =	vst v42  }
0x17a: {  	v38 =	vunpack.i.l.bf16.f32 v23;
	v23 =	vld [tilespmem:$0x2AA0];
	v7 =	vunpack.i.u.bf16.f32 v35;
	v48 =	vadd.f32 v4, v46;
	[tilespmem:$0xFDA0] =	vst v1  }
0x17b: {  	v37 =	vunpack.i.l.bf16.f32 v21;
	v43 =	vunpack.i.l.bf16.f32 v27;
	v53 =	vld [tilespmem:$0x9260];
	v54 =	vadd.f32 v7, v52;
	[tilespmem:$0xFDC0] =	vst v2  }
0x17c: {  	v58 =	vunpack.i.u.bf16.f32 v39;
	v59 =	vld [tilespmem:$0x9270];
	v12 =	vunpack.i.u.bf16.f32 v45;
	v1 =	vadd.f32 v26, v25;
	[tilespmem:$0xFA50] =	vst v48  }
0x17d: {  	v44 =	vunpack.i.l.bf16.f32 v29;
	v29 =	vld [tilespmem:$0x2AB0];
	v6 =	vunpack.i.u.bf16.f32 v41;
	v2 =	vadd.f32 v32, v31;
	[tilespmem:$0xFA70] =	vst v54  }
0x17e: {  	v50 =	vunpack.i.l.bf16.f32 v35;
	v35 =	vld [tilespmem:$0x2AC0];
	v3 =	vunpack.i.u.bf16.f32 v47;
	v60 =	vadd.f32 v6, v58;
	[tilespmem:$0xFDE0] =	vst v1  }
0x17f: {  	v49 =	vunpack.i.l.bf16.f32 v33;
	v55 =	vunpack.i.l.bf16.f32 v39;
	v13 =	vld [tilespmem:$0x9280];
	v14 =	vadd.f32 v3, v12;
	[tilespmem:$0xFA00] =	vst v2  }
0x180: {  	v18 =	vunpack.i.u.bf16.f32 v51;
	v19 =	vld [tilespmem:$0x9290];
	v24 =	vunpack.i.u.bf16.f32 v57;
	v1 =	vadd.f32 v38, v37;
	[tilespmem:$0xFE10] =	vst v60  }
0x181: {  	v56 =	vunpack.i.l.bf16.f32 v41;
	v41 =	vld [tilespmem:$0x2AD0];
	v4 =	vunpack.i.u.bf16.f32 v53;
	v2 =	vadd.f32 v44, v43;
	[tilespmem:$0xFE30] =	vst v14  }
0x182: {  	v62 =	vunpack.i.l.bf16.f32 v47;
	v47 =	vld [tilespmem:$0x2AE0];
	v7 =	vunpack.i.u.bf16.f32 v59;
	v20 =	vadd.f32 v4, v18;
	[tilespmem:$0xFA20] =	vst v1  }
0x183: {  	v61 =	vunpack.i.l.bf16.f32 v45;
	v15 =	vunpack.i.l.bf16.f32 v51;
	v25 =	vld [tilespmem:$0x92A0];
	v26 =	vadd.f32 v7, v24;
	[tilespmem:$0xFA40] =	vst v2  }
0x184: {  	v30 =	vunpack.i.u.bf16.f32 v63;
	v31 =	vld [tilespmem:$0x92B0];
	v36 =	vunpack.i.u.bf16.f32 v17;
	v1 =	vadd.f32 v50, v49;
	[tilespmem:$0xFE50] =	vst v20  }
0x185: {  	v16 =	vunpack.i.l.bf16.f32 v53;
	v53 =	vld [tilespmem:$0x2AF0];
	v6 =	vunpack.i.u.bf16.f32 v13;
	v2 =	vadd.f32 v56, v55;
	[tilespmem:$0xFE70] =	vst v26  }
0x186: {  	v22 =	vunpack.i.l.bf16.f32 v59;
	v59 =	vld [tilespmem:$0x2B00];
	v3 =	vunpack.i.u.bf16.f32 v19;
	v32 =	vadd.f32 v6, v30;
	[tilespmem:$0xFA60] =	vst v1  }
0x187: {  	v21 =	vunpack.i.l.bf16.f32 v57;
	v27 =	vunpack.i.l.bf16.f32 v63;
	v37 =	vld [tilespmem:$0x92C0];
	v38 =	vadd.f32 v3, v36;
	[tilespmem:$0xFE00] =	vst v2  }
0x188: {  	v42 =	vunpack.i.u.bf16.f32 v23;
	v43 =	vld [tilespmem:$0x92D0];
	v48 =	vunpack.i.u.bf16.f32 v29;
	v1 =	vadd.f32 v62, v61;
	[tilespmem:$0xFA90] =	vst v32  }
0x189: {  	v28 =	vunpack.i.l.bf16.f32 v13;
	v13 =	vld [tilespmem:$0x2B10];
	v4 =	vunpack.i.u.bf16.f32 v25;
	v2 =	vadd.f32 v16, v15;
	[tilespmem:$0xFAB0] =	vst v38  }
0x18a: {  	v34 =	vunpack.i.l.bf16.f32 v19;
	v19 =	vld [tilespmem:$0x2B20];
	v7 =	vunpack.i.u.bf16.f32 v31;
	v44 =	vadd.f32 v4, v42;
	[tilespmem:$0xFE20] =	vst v1  }
0x18b: {  	v33 =	vunpack.i.l.bf16.f32 v17;
	v39 =	vunpack.i.l.bf16.f32 v23;
	v49 =	vld [tilespmem:$0x92E0];
	v50 =	vadd.f32 v7, v48;
	[tilespmem:$0xFE40] =	vst v2  }
0x18c: {  	v54 =	vunpack.i.u.bf16.f32 v35;
	v55 =	vld [tilespmem:$0x92F0];
	v60 =	vunpack.i.u.bf16.f32 v41;
	v1 =	vadd.f32 v22, v21;
	[tilespmem:$0xFAD0] =	vst v44  }
0x18d: {  	v40 =	vunpack.i.l.bf16.f32 v25;
	v25 =	vld [tilespmem:$0x2B30];
	v6 =	vunpack.i.u.bf16.f32 v37;
	v2 =	vadd.f32 v28, v27;
	[tilespmem:$0xFAF0] =	vst v50  }
0x18e: {  	v46 =	vunpack.i.l.bf16.f32 v31;
	v31 =	vld [tilespmem:$0x2B40];
	v3 =	vunpack.i.u.bf16.f32 v43;
	v56 =	vadd.f32 v6, v54;
	[tilespmem:$0xFE60] =	vst v1  }
0x18f: {  	v45 =	vunpack.i.l.bf16.f32 v29;
	v51 =	vunpack.i.l.bf16.f32 v35;
	v61 =	vld [tilespmem:$0x9300];
	v62 =	vadd.f32 v3, v60;
	[tilespmem:$0xFA80] =	vst v2  }
0x190: {  	v14 =	vunpack.i.u.bf16.f32 v47;
	v15 =	vld [tilespmem:$0x9310];
	v20 =	vunpack.i.u.bf16.f32 v53;
	v1 =	vadd.f32 v34, v33;
	[tilespmem:$0xFE90] =	vst v56  }
0x191: {  	v52 =	vunpack.i.l.bf16.f32 v37;
	v37 =	vld [tilespmem:$0x2B50];
	v4 =	vunpack.i.u.bf16.f32 v49;
	v2 =	vadd.f32 v40, v39;
	[tilespmem:$0xFEB0] =	vst v62  }
0x192: {  	v58 =	vunpack.i.l.bf16.f32 v43;
	v43 =	vld [tilespmem:$0x2B60];
	v7 =	vunpack.i.u.bf16.f32 v55;
	v16 =	vadd.f32 v4, v14;
	[tilespmem:$0xFAA0] =	vst v1  }
0x193: {  	v57 =	vunpack.i.l.bf16.f32 v41;
	v63 =	vunpack.i.l.bf16.f32 v47;
	v21 =	vld [tilespmem:$0x9320];
	v22 =	vadd.f32 v7, v20;
	[tilespmem:$0xFAC0] =	vst v2  }
0x194: {  	v26 =	vunpack.i.u.bf16.f32 v59;
	v27 =	vld [tilespmem:$0x9330];
	v32 =	vunpack.i.u.bf16.f32 v13;
	v1 =	vadd.f32 v46, v45;
	[tilespmem:$0xFED0] =	vst v16  }
0x195: {  	v12 =	vunpack.i.l.bf16.f32 v49;
	v49 =	vld [tilespmem:$0x2B70];
	v6 =	vunpack.i.u.bf16.f32 v61;
	v2 =	vadd.f32 v52, v51;
	[tilespmem:$0xFEF0] =	vst v22  }
0x196: {  	v18 =	vunpack.i.l.bf16.f32 v55;
	v55 =	vld [tilespmem:$0x2B80];
	v3 =	vunpack.i.u.bf16.f32 v15;
	v28 =	vadd.f32 v6, v26;
	[tilespmem:$0xFAE0] =	vst v1  }
0x197: {  	v17 =	vunpack.i.l.bf16.f32 v53;
	v23 =	vunpack.i.l.bf16.f32 v59;
	v33 =	vld [tilespmem:$0x9340];
	v34 =	vadd.f32 v3, v32;
	[tilespmem:$0xFE80] =	vst v2  }
0x198: {  	v29 =	vunpack.i.l.bf16.f32 v13;
	v35 =	vunpack.i.l.bf16.f32 v19;
	v39 =	vld [tilespmem:$0x9350];
	v1 =	vadd.f32 v58, v57;
	[tilespmem:$0xFB10] =	vst v28  }
0x199: {  	v38 =	vunpack.i.u.bf16.f32 v19;
	v14 =	vld [tilespmem:$0x2BA0];
	v4 =	vunpack.i.u.bf16.f32 v21;
	v2 =	vadd.f32 v12, v63;
	[tilespmem:$0xFB30] =	vst v34  }
0x19a: {  	v44 =	vunpack.i.u.bf16.f32 v25;
	v20 =	vld [tilespmem:$0x2BB0];
	v7 =	vunpack.i.u.bf16.f32 v27;
	v40 =	vadd.f32 v4, v38;
	[tilespmem:$0xFEA0] =	vst v1  }
0x19b: {  	v41 =	vunpack.i.l.bf16.f32 v25;
	v24 =	vunpack.i.l.bf16.f32 v61;
	v61 =	vld [tilespmem:$0x2B90];
	v46 =	vadd.f32 v7, v44;
	[tilespmem:$0xFEC0] =	vst v2  }
0x19c: {  	v47 =	vunpack.i.l.bf16.f32 v31;
	v50 =	vunpack.i.u.bf16.f32 v31;
	v45 =	vld [tilespmem:$0x9360];
	v1 =	vadd.f32 v18, v17;
	[tilespmem:$0xFB50] =	vst v40  }
0x19d: {  	v30 =	vunpack.i.l.bf16.f32 v15;
	v51 =	vld [tilespmem:$0x9370];
	v6 =	vunpack.i.u.bf16.f32 v33;
	v2 =	vadd.f32 v24, v23;
	[tilespmem:$0xFB70] =	vst v46  }
0x19e: {  	v56 =	vunpack.i.u.bf16.f32 v37;
	v16 =	vld [tilespmem:$0x93A0];
	v3 =	vunpack.i.u.bf16.f32 v39;
	v52 =	vadd.f32 v6, v50;
	[tilespmem:$0xFEE0] =	vst v1  }
0x19f: {  	v53 =	vunpack.i.l.bf16.f32 v37;
	v59 =	vunpack.i.l.bf16.f32 v43;
	v22 =	vld [tilespmem:$0x93B0];
	v58 =	vadd.f32 v3, v56;
	[tilespmem:$0xFB00] =	vst v2  }
0x1a0: {  	v62 =	vunpack.i.u.bf16.f32 v43;
	v26 =	vld [tilespmem:$0x2BC0];
	v36 =	vunpack.i.l.bf16.f32 v21;
	v1 =	vadd.f32 v30, v29;
	[tilespmem:$0xFF10] =	vst v52  }
0x1a1: {  	v57 =	vld [tilespmem:$0x9380];
	v15 =	vunpack.i.u.bf16.f32 v49;
	v4 =	vunpack.i.u.bf16.f32 v45;
	v2 =	vadd.f32 v36, v35;
	[tilespmem:$0xFF30] =	vst v58  }
0x1a2: {  	v63 =	vld [tilespmem:$0x9390];
	v48 =	vunpack.i.l.bf16.f32 v33;
	v7 =	vunpack.i.u.bf16.f32 v51;
	v11 =	vadd.f32 v4, v62;
	[tilespmem:$0xFB20] =	vst v1  }
0x1a3: {  	v32 =	vld [tilespmem:$0x2BD0];
	v33 =	vunpack.i.u.bf16.f32 v14;
	v17 =	vadd.f32 v7, v15;
	v4 =	vunpack.i.u.bf16.f32 v16;
	[tilespmem:$0xFB40] =	vst v2  }
0x1a4: {  	v42 =	vunpack.i.l.bf16.f32 v27;
	v21 =	vunpack.i.u.bf16.f32 v55;
	v28 =	vld [tilespmem:$0x93C0];
	v35 =	vadd.f32 v4, v33;
	[tilespmem:$0xFF50] =	vst v11  }
0x1a5: {  	v34 =	vld [tilespmem:$0x93D0];
	v54 =	vunpack.i.l.bf16.f32 v39;
	v39 =	vunpack.i.u.bf16.f32 v20;
	v1 =	vadd.f32 v42, v41;
	[tilespmem:$0xFF70] =	vst v17  }
0x1a6: {  	v38 =	vld [tilespmem:$0x2BE0];
	v18 =	vunpack.i.l.bf16.f32 v55;
	v6 =	vunpack.i.u.bf16.f32 v57;
	v2 =	vadd.f32 v48, v47;
	[tilespmem:$0xFBD0] =	vst v35  }
0x1a7: {  	v44 =	vld [tilespmem:$0x2BF0];
	v27 =	vunpack.i.u.bf16.f32 v61;
	v3 =	vunpack.i.u.bf16.f32 v63;
	v23 =	vadd.f32 v6, v21;
	[tilespmem:$0xFB60] =	vst v1  }
0x1a8: {  	v40 =	vld [tilespmem:$0x93E0];
	v60 =	vunpack.i.l.bf16.f32 v45;
	v7 =	vunpack.i.u.bf16.f32 v22;
	v29 =	vadd.f32 v3, v27;
	[tilespmem:$0xFF00] =	vst v2  }
0x1a9: {  	v46 =	vld [tilespmem:$0x93F0];
	v45 =	vunpack.i.u.bf16.f32 v26;
	v41 =	vadd.f32 v7, v39;
	v6 =	vunpack.i.u.bf16.f32 v28;
	[tilespmem:$0xFB90] =	vst v23  }
0x1aa: {  	v50 =	vunpack.i.u.bf16.f32 v32;
	v3 =	vunpack.i.u.bf16.f32 v34;
	v47 =	vadd.f32 v6, v45;
	[tilespmem:$0xFBB0] =	vst v29  }
0x1ab: {  	v24 =	vunpack.i.l.bf16.f32 v61;
	v13 =	vunpack.i.l.bf16.f32 v51;
	v51 =	vadd.f32 v3, v50;
	[tilespmem:$0xFBF0] =	vst v41  }
0x1ac: {  	v19 =	vunpack.i.l.bf16.f32 v57;
	v25 =	vunpack.i.l.bf16.f32 v63;
	v1 =	vadd.f32 v54, v53;
	[tilespmem:$0xFF90] =	vst v47  }
0x1ad: {  	v55 =	vunpack.i.u.bf16.f32 v38;
	v56 =	vunpack.i.u.bf16.f32 v40;
	v2 =	vadd.f32 v60, v59;
	[tilespmem:$0xFFB0] =	vst v51  }
0x1ae: {  	v61 =	vunpack.i.u.bf16.f32 v44;
	v62 =	vunpack.i.u.bf16.f32 v46;
	v57 =	vadd.f32 v56, v55;
	[tilespmem:$0xFF20] =	vst v1  }
0x1af: {  	v52 =	vunpack.i.l.bf16.f32 v38;
	v53 =	vunpack.i.l.bf16.f32 v40;
	v63 =	vadd.f32 v62, v61;
	[tilespmem:$0xFF40] =	vst v2  }
0x1b0: {  	v58 =	vunpack.i.l.bf16.f32 v44;
	v59 =	vunpack.i.l.bf16.f32 v46;
	v54 =	vadd.f32 v53, v52;
	[tilespmem:$0xFFD0] =	vst v57  }
0x1b1: {  	v12 =	vunpack.i.l.bf16.f32 v49;
	v60 =	vadd.f32 v59, v58;
	[tilespmem:$0xFFF0] =	vst v63  }
0x1b2: {  	v1 =	vadd.f32 v13, v12;
	[tilespmem:$0xFFC0] =	vst v54  }
0x1b3: {  	v2 =	vadd.f32 v19, v18;
	[tilespmem:$0xFFE0] =	vst v60  }
0x1b4: {  	v31 =	vunpack.i.l.bf16.f32 v16;
	v30 =	vunpack.i.l.bf16.f32 v14;
	[tilespmem:$0xFF60] =	vst v1;
	v1 =	vadd.f32 v25, v24  }
0x1b5: {  	v37 =	vunpack.i.l.bf16.f32 v22;
	v36 =	vunpack.i.l.bf16.f32 v20;
	[tilespmem:$0xFB80] =	vst v2;
	v2 =	vadd.f32 v31, v30  }
0x1b6: {  	v43 =	vunpack.i.l.bf16.f32 v28;
	v42 =	vunpack.i.l.bf16.f32 v26;
	[tilespmem:$0xFBA0] =	vst v1;
	v1 =	vadd.f32 v37, v36  }
0x1b7: {  	v49 =	vunpack.i.l.bf16.f32 v34;
	v48 =	vunpack.i.l.bf16.f32 v32;
	[tilespmem:$0xFBC0] =	vst v2;
	v2 =	vadd.f32 v43, v42  }
0x1b8: {  	s26 =	sadd.s32 $0x1, s26;
	[tilespmem:$0xFBE0] =	vst v1;
	v1 =	vadd.f32 v49, v48  }
0x1b9: {  	p0 =	sne.s32 s26, s9;
	[tilespmem:$0xFF80] =	vst v2  }
.Ltmp3:
0x1ba: {  	[tilespmem:$0xFFA0] =	vst v1;
	(pc) =	sbr.rel @p0 .LBB2_1-.Ltmp3, $4  }
0x1bb: {  	[hbm4b:s8+s3] =	stream.linear.scatter [tilespmem:s18], [sflag:$0x5], $0x800, $0x38;
	[tilespmem:$0x1C800] =	vst v63  }
0x1bc: {  	_ =	swait.ge [sflag:s10], $0x800  }
0x1bd: {  	[sflag:s10] =	ssyncset.done $0x0  }
0x1be: {  	[sflag:s10] =	ssyncadd.s32 $0xFFFFF800  }
0x1bf: {  	_ =	sfence.sel $0x180000  }
0x1c0: {  	[bflag:$0x0] =	sbarrier.arrive $0xFFFF  }
0x1c1: {  	_ =	strace $0x90000047  }
0x1c2: {  	s0 =	stileid.u32;
	[bflag:$0x2] =	sbarrier.arrive $0xFFFF  }
0x1c3: {  	p0 =	sne.s32 s0, $0x0;
	s0 =	rddreg [dreg:$0x2]  }
0x1c4: {  	s0 =	sadd.s32 @!p0 $0x100000, s0  }
0x1c5: {  	[sflag:s0] =	ssyncadd.tile.s32 @!p0 $0x1;
	_ =	shalt  }
.Lfunc_end2:
_tile_overlayer_lowered:
.L_overlay_start_2:
0x1c6: {  	(tag) =	ssettag $0x2  }
0x1c7: {  	s0 =	rddreg [dreg:$0x0];
	s2 =	stileid.u32  }
0x1c8: {  	s1 =	rddreg [dreg:$0x1];
	p0 =	sne.s32 s2, $0x0  }
0x1c9: {  	s3 =	rddreg [dreg:$0x2];
	[bflag:$0x3] =	sbarrier.arrive $0xFFFF;
	s2 =	simm.s32 @!p0 $0x1C05  }
0x1ca: {  	[timem:s3], [sflag:s2] =	dma.local @!p0 [hbm:s0], s1  }
0x1cb: {  	s0 =	simm.s32 @!p0 $0x5  }
0x1cc: {  	_ =	swait.ge @!p0 [sflag:s0], s1  }
0x1cd: {  	s1 =	ssub.s32 @!p0 $0x0, s1;
	[sflag:s0] =	ssyncset.done @!p0 $0x0  }
0x1ce: {  	[sflag:s0] =	ssyncadd.s32 @!p0 s1  }
0x1cf: {  	[bflag:$0x3] =	sbarrier.arrive $0xFFFF  }
0x1d0: {  	_ =	shalt  }

// kernel: sparse-core-data-format-call.cloned.1.call-start
scs
called_computation_lowered:
.L_overlay_start_0:
0x0: {  	s2 =	sld [smem:$0x3FD9]  }
0x1: {  	s3 =	sld [smem:$0x3FFE];
	_ =	sdelay $0x1  }
0x2: {  	s1 =	srdreg.scid  }
0x3: {  	s0 =	sand.u32 $0x1, s1  }
0x4: {  	s18 =	sshll.u32 s0, $0xA;
	s2 =	sadd.s32 s3, s2  }
0x5: {  	s2 =	sadd.s32 s2, s18  }
0x6: {  	[smem:$0x3FC1] =	sst s2  }
0x7: {  	_ = 	snop  }
0x8: {  	s2 =	sld [smem:$0x3FD0];
	(tm) =	ssettm $0x1  }
0x9: {  	s19 =	sld [smem:$0x3FFB];
	_ =	sdelay $0x3  }
0xa: {  	_ =	strace s19  }
0xb: {  	s3 =	sld [smem:$0x3FFC];
	_ =	sdelay $0x3  }
0xc: {  	_ =	strace s3  }
0xd: {  	s3 =	sld [smem:$0x3FFD];
	_ =	sdelay $0x3  }
0xe: {  	_ =	strace s3  }
0xf: {  	_ =	strace $0x8FFFFFFF  }
0x10: {  	s20 =	sld [smem:$0x3FDB];
	_ =	sdelay $0x1  }
0x11: {  	s4 =	simm.s32 $_scs_section_size  }
0x12: {  	s5 =	simm.s32 $_size__tile_overlayer_lowered;
	s6 =	simm.s32 $_tile_overlayer_lowered  }
0x13: {  	s23 =	simm.s32 $0x1BFF;
	s22 =	sshll.u32 s6, $0x1;
	s3 =	sadd.s32 s4, s20  }
0x14: {  	s7 =	simm.s32 $0x0;
	s21 =	sshll.u32 s5, $0x1;
	s5 =	sadd.s32 s22, s3  }
0x15: {  	[timem:s7], [sflag:s23] =	dma.local [hbm:s5], s21  }
0x16: {  	_ =	swait.ge [sflag:s23], s21  }
0x17: {  	s4 =	ssub.s32 $0x0, s21;
	[sflag:s23] =	ssyncset.done $0x0  }
0x18: {  	[sflag:s23] =	ssyncadd.s32 s4;
	_ =	sdelay $0x1  }
0x19: {  	s24 =	simm.s32 $0x1B8B  }
0x1a: {  	_ =	swait.ge [sflag:s24], $0x1  }
0x1b: {  	[sflag:s24] =	ssyncset.done $0x0  }
0x1c: {  	s26 =	simm.s32 $0x1B8E;
	s25 =	sld [smem:$0x3FFE];
	[sflag:s24] =	ssyncadd.s32 $0xFFFFFFFF  }
0x1d: {  	s27 =	simm.s32 $execute0_lowered;
	[smem:$0x3FD2] =	sst s26  }
0x1e: {  	s5 =	sshll.u32 s27, $0x1;
	_ =	strace $0x80000049;
	[dreg:$0x1] =	wrdreg $0xFFFFFFFF  }
0x1f: {  	s28 =	simm.s32 $_size_execute0_lowered;
	s3 =	sadd.s32 s3, s5;
	[dreg:$0x0] =	wrdreg $0x0  }
0x20: {  	s5 =	sshll.u32 s28, $0x1;
	[dreg:$0x2] =	wrdreg s3  }
0x21: {  	[dreg:$0x3] =	wrdreg s5  }
0x22: {  	[dreg:$0x4] =	wrdreg $0xC0  }
0x23: {  	_ =	task [dreg:s7], $0x5FFFF  }
0x24: {  	[dreg:$0x1] =	wrdreg $0xFFFFFFFF  }
0x25: {  	[dreg:$0x0] =	wrdreg $0x60  }
0x26: {  	[dreg:$0x2] =	wrdreg s25  }
0x27: {  	[dreg:$0x3] =	wrdreg s2  }
0x28: {  	[dreg:$0x4] =	wrdreg $0x9  }
0x29: {  	_ =	task.clear_ibuf [dreg:s7], $0x5FFFF;
	_ =	strace $0x90000049  }
0x2a: {  	s29 =	simm.s32 $0x9;
	_ =	strace $0x8000004B  }
0x2b: {  	_ =	swait.ge [sflag:s29], $0x1  }
0x2c: {  	[sflag:s29] =	ssyncadd.s32 $0xFFFFFFFF  }
0x2d: {  	_ =	strace $0x9000004B  }
0x2e: {  	_ =	sfence  }
0x2f: {  	s30 =	sld [smem:$0x0];
	_ =	sdelay $0x2  }
0x30: {  	s31 =	sshll.u32 s1, $0xD;
	s1 =	sshrl.u32 s1, $0x2  }
0x31: {  	s3 =	sand.u32 $0x4000, s31;
	s1 =	sadd.s32 s1, s30  }
0x32: {  	s0 =	sor.u32 s3, s0;
	s1 =	sshll.u32 s1, $0x11  }
0x33: {  	s0 =	sor.u32 s1, s0  }
0x34: {  	s0 =	sadd.s32 $0x8F2B, s0  }
0x35: {  	[sflag:s0] =	ssyncadd.remote.s32 $0x1  }
0x36: {  	_ =	sfence.sel $0xFFFF  }
0x37: {  	[dreg:$0x0] =	wrdreg $0xFFFFFFFF;
	(pc) =	sbr.abs _section_cstart, $3  }
0x38: {  	[dreg:$0x1] =	wrdreg $0xFFFFFFFF  }
0x39: {  	_ =	task.clear_ibuf [dreg:s7], $0x2FFFF;
	_ =	strace $0x9FFFFFFF  }
0x3a: {  	(tm) =	ssettm $0x7FFFFFFF  }
0x3b: {  	_ =	shalt  }
tec
execute0_lowered:
.L_overlay_start_1:
0x0: {  	(tag) =	ssettag $0x1  }
0x1: {  	s0 =	srdreg.scid  }
0x2: {  	s1 =	sshll.u32 s0, $0x4  }
0x3: {  	s6 =	rddreg [dreg:$0x0];
	s0 =	stileid.u32;
	s1 =	sand.u32 $0x10, s1  }
0x4: {  	s3 =	rddreg [dreg:$0x1];
	s1 =	sor.u32 s0, s1  }
0x5: {  	s5 =	simm.s32 $0x1;
	s31 =	simm.s32 $0x2;
	s2 =	sshll.u32 s1, $0x7  }
0x6: {  	s15 =	simm.s32 $0x0;
	s8 =	simm.s32 $0x138800;
	s4 =	ssub.s32 $0x27100, s2  }
0x7: {  	s14 =	simm.s32 $0x0;
	s9 =	simm.s32 $0x0;
	s30 =	sand.u32 $0xF80, s4  }
0x8: {  	s10 =	simm.s32 $0x0;
	s11 =	simm.s32 $0x0;
	p0 =	sne.s32 s30, $0x0  }
.Ltmp0:
0x9: {  	s7 =	sshrl.u32 s4, $0xC;
	s5 =	simm.s32 @!p0 $0x0;
	(pc) =	sbr.rel .LBB1_1-.Ltmp0, $4  }
0xa: {  	s13 =	simm.s32 $0x0;
	s1 =	rddreg [dreg:$0x2];
	s5 =	sadd.s32 s5, s7  }
0xb: {  	_ =	strace $0x8000004A;
	s4 =	simm.s32 $0x1;
	s5 =	smul.u32 $0x3, s5  }
0xc: {  	s6 =	sadd.s32 $0x513E00, s6;
	s12 =	smov.u32 s2;
	[sflag:s4] =	ssyncpa.u1 $0x0  }
0xd: {  	[sflag:s31] =	ssyncpa.u1 $0x0;
	p0 =	por $0x0, $0x0;
	s7 =	sadd.s32 $0x1, s5  }
.LBB1_4:
0xe: {  	s21 =	sshrl.u32 s9, $0x3;
	s22 =	sshll.u32 s10, $0x3  }
0xf: {  	s23 =	sshll.u32 s9, $0x7;
	s20 =	sshra.s32 s20, $0x2;
	s21 =	smul.u32 $0x138800, s21  }
0x10: {  	s28 =	sand.u32 $0x7F, s10;
	p1 =	sgt.s32 s9, $0x90;
	s22 =	sand.u32 $0xFFFFFC00, s22  }
0x11: {  	s29 =	sshra.s32 s9, $0x1F;
	s27 =	sand.u32 $0x380, s23;
	s21 =	sadd.s32 s22, s21  }
0x12: {  	s24 =	sshra.s32 s10, $0x1F;
	s19 =	sadd.s32 s20, s19;
	s21 =	sor.u32 s27, s21  }
0x13: {  	v5 =	vld [tilespmem:s17+$0xFFFFFFD0];
	s22 =	smulhi.u32 $0xD1B71759, s21;
	s20 =	sor.u32 s28, s21;
	s21 =	smov.u32 s9  }
0x14: {  	[tilespmem:s18+$0x2040 ss:$0x81] =	vst.msk $0xffff, v4;
	v58 =	vld [tilespmem:s17+$0xFFFFFFE0];
	s23 =	sand.u32 s29, s9;
	s24 =	sand.u32 s24, s10;
	s21 =	simm.s32 @!p1 $0x90  }
0x15: {  	[tilespmem:s18+$0x2850 ss:$0x81] =	vst.msk $0xffff, v3;
	p1 =	sgt.s32 s10, $0x27080;
	s30 =	smulhi.u32 $0xD1B71759, s20;
	s22 =	sshrl.u32 s22, $0x11  }
0x16: {  	v59 =	vld [tilespmem:s17+$0xFFFFFFF0];
	[tilespmem:s18+$0x3060 ss:$0x81] =	vst.msk $0xffff, v2;
	s21 =	ssub.s32 s21, s23;
	s23 =	smov.u32 s10;
	s25 =	smul.u32 $0x7879, s22  }
0x17: {  	v60 =	vld [tilespmem:s17+$0x0];
	[tilespmem:s18+$0x0 ss:$0x81] =	vst.msk $0xffff, v0;
	s23 =	simm.s32 @!p1 $0x27080;
	s31 =	sadd.s32 $0xFFFFFF70, s21;
	s18 =	sshrl.u32 s30, $0x11  }
0x18: {  	v61 =	vld [tilespmem:s17+$0x10];
	[tilespmem:s19+$0x3870 ss:$0x81] =	vst.msk $0xffff, v1;
	s23 =	ssub.s32 s23, s24;
	s28 =	smul.u32 $0x27100, s18;
	s25 =	sshrl.u32 s25, $0x17  }
0x19: {  	v62 =	vld [tilespmem:s17+$0x20];
	[tilespmem:s19+$0x810 ss:$0x81] =	vst.msk $0xffff, v5;
	p1 =	sgt.s32 s31, $0x7F;
	s26 =	sadd.s32 $0xFFFD8F80, s23;
	s27 =	smul.u32 $0x110, s25  }
0x1a: {  	v63 =	vld [tilespmem:s17+$0xFFFFFFC0];
	[tilespmem:s19+$0x1020 ss:$0x81] =	vst.msk $0xffff, v58;
	s18 =	ssub.s32 $0x110, s21;
	s21 =	ssub.s32 $0x27100, s23;
	p2 =	sgt.s32 s26, $0x7F  }
0x1b: {  	[tilespmem:s19+$0x1830 ss:$0x81] =	vst.msk $0xffff, v59;
	s18 =	simm.s32 @p1 $0x0;
	s21 =	simm.s32 @p2 $0x0;
	s22 =	ssub.s32 s22, s27  }
0x1c: {  	[tilespmem:s19+$0x2040 ss:$0x81] =	vst.msk $0xffff, v60;
	s17 =	ssub.s32 s20, s28;
	s18 =	smul.u32 s21, s18;
	s29 =	sand.u32 $0xFFFF, s22  }
0x1d: {  	[tilespmem:s19+$0x2850 ss:$0x81] =	vst.msk $0xffff, v61;
	s30 =	sshrl.u32 s17, $0x3;
	s17 =	sand.u32 $0x7, s17;
	s20 =	smul.u32 $0x4E20, s29  }
0x1e: {  	[tilespmem:s19+$0x3060 ss:$0x81] =	vst.msk $0xffff, v62;
	s21 =	sadd.s32 s3, s30;
	s17 =	sshll.u32 s17, $0x12  }
0x1f: {  	[tilespmem:s19+$0x0 ss:$0x81] =	vst.msk $0xffff, v63;
	s17 =	sor.u32 $0x400, s17;
	s18 =	sand.u32 $0x3FFFFFFF, s18;
	s31 =	sadd.s32 s20, s21  }
0x20: {  	[hbm4b:s31+s17] =	stream.strided.scatter [tilespmem:s16], [sflag:$0x2], s18, s8, s17, $0x20;
	[tilespmem:$0x10100] =	vst v63  }
.LBB1_5:
0x21: {  	p1 =	slt.u32 s13, $0x2  }
0x22: {  	s17 =	smov.u32 s15;
	p2 =	sgt.s32 @!p1 s15, $0x90;
	s16 =	sshra.s32 @!p1 s15, $0x1F  }
0x23: {  	p3 =	sgt.s32 @!p1 s14, $0x27080;
	s18 =	sshra.s32 @!p1 s14, $0x1F;
	p2 =	por !p2, p1  }
0x24: {  	s15 =	sand.u32 @!p1 s16, s15;
	p3 =	por !p3, p1;
	s16 =	smov.u32 s14  }
0x25: {  	s14 =	sand.u32 @!p1 s18, s14;
	s17 =	simm.s32 @p2 $0x90;
	s16 =	simm.s32 @p3 $0x27080  }
0x26: {  	s15 =	ssub.s32 @!p1 s17, s15;
	s14 =	ssub.s32 @!p1 s16, s14  }
0x27: {  	s18 =	smov.u32 s12;
	s16 =	sadd.s32 @!p1 $0xFFFFFF70, s15;
	s17 =	sadd.s32 @!p1 $0xFFFD8F80, s14  }
0x28: {  	s15 =	ssub.s32 @!p1 $0x110, s15;
	p2 =	sgt.s32 @!p1 s16, $0x7F;
	p3 =	sgt.s32 @!p1 s17, $0x7F  }
0x29: {  	s14 =	ssub.s32 @!p1 $0x27100, s14;
	p2 =	por !p2, p1;
	p3 =	por !p3, p1  }
0x2a: {  	s16 =	sadd.s32 $0x80, s11;
	s15 =	simm.s32 @!p2 $0x0;
	s14 =	simm.s32 @!p3 $0x0  }
0x2b: {  	p2 =	sgt.s32 s16, $0x10F;
	s14 =	smul.u32 @!p1 s14, s15;
	s15 =	sadd.s32 $0x1000, s12  }
0x2c: {  	s18 =	smov.u32 @p2 s15  }
0x2d: {  	s16 =	simm.s32 @p2 $0x0;
	p2 =	sgt.s32 s18, $0x270FF  }
0x2e: {  	s18 =	smov.u32 @p2 s2;
	p2 =	sne.s32 s13, s7  }
.Ltmp1:
0x2f: {  	p0 =	por !p0, !p0;
	s17 =	simm.s32 @!p1 $0x2;
	(pc) =	sbr.rel @!p2 .LBB1_6-.Ltmp1, $4  }
0x30: {  	s15 =	smov.u32 s9;
	s9 =	smov.u32 s11;
	s14 =	sand.u32 @!p1 $0x3FFFFFFF, s14  }
0x31: {  	s11 =	smov.u32 s16;
	_ =	swait.ge @!p1 [sflag:s17], s14;
	s19 =	ssub.s32 @!p1 $0x0, s14  }
0x32: {  	s14 =	smov.u32 s10;
	s13 =	sadd.s32 $0x1, s13;
	[sflag:s17] =	ssyncset.done @!p1 $0x0  }
0x33: {  	s10 =	smov.u32 s12;
	s12 =	smov.u32 s18;
	[sflag:s17] =	ssyncadd.s32 @!p1 s19  }
.LBB1_1:
0x34: {  	p1 =	sge.u32 s13, s5  }
0x35: {  	s16 =	sshrl.u32 @!p1 s12, $0x3  }
0x36: {  	s17 =	sshll.u32 @!p1 s11, $0x3;
	s16 =	smul.u32 @!p1 $0xC00, s16  }
0x37: {  	s18 =	sshll.u32 @!p1 s12, $0x7;
	s17 =	sand.u32 @!p1 $0xFFFFFC00, s17  }
0x38: {  	s16 =	sadd.s32 @!p1 s16, s17;
	s17 =	sand.u32 @!p1 $0x380, s18  }
0x39: {  	s16 =	sor.u32 @!p1 s17, s16  }
0x3a: {  	s17 =	sand.u32 @!p1 $0x7F, s11;
	s18 =	smulhi.u32 @!p1 $0xAAAAAAAB, s16  }
0x3b: {  	s16 =	sor.u32 @!p1 s17, s16  }
0x3c: {  	s17 =	smulhi.u32 @!p1 $0xAAAAAAAB, s16;
	s18 =	sshrl.u32 @!p1 s18, $0x8  }
0x3d: {  	s19 =	smulhi.u32 @!p1 $0x1A36E3, s18  }
0x3e: {  	s17 =	sshrl.u32 @!p1 s17, $0x8  }
0x3f: {  	s17 =	smul.u32 @!p1 $0x180, s17;
	s19 =	sshrl.u32 @!p1 s19, $0x6  }
0x40: {  	s19 =	smul.u32 @!p1 $0x27100, s19  }
0x41: {  	s31 =	sadd.s32 $0xFFFFFFFF, s13;
	s20 =	sxor.u32 @!p1 $0xFFFFFFFF, s13  }
0x42: {  	s16 =	ssub.s32 @!p1 s16, s17;
	s17 =	sshll.u32 @!p1 s20, $0xE;
	s18 =	ssub.s32 @!p1 s18, s19  }
0x43: {  	s19 =	sshrl.u32 @!p1 s16, $0x3;
	s16 =	sand.u32 @!p1 $0x7, s16;
	s18 =	smul.u32 @!p1 $0x30, s18  }
0x44: {  	s17 =	sand.u32 @!p1 $0x4000, s17;
	s19 =	sadd.s32 @!p1 s6, s19;
	s16 =	sshll.u32 @!p1 s16, $0x12  }
0x45: {  	s16 =	sor.u32 @!p1 $0x400, s16;
	s18 =	sadd.s32 @!p1 s18, s19;
	s19 =	simm.s32 @!p1 $0xC00  }
0x46: {  	[tilespmem:s17], [sflag:$0x1] =	stream.strided.gather @!p1 [hbm4b:s18+s16], $0x4000, s19, s16, $0x38;
	[tilespmem:$0x10100] =	vst v63  }
0x47: {  	p1 =	sge.u32 s31, s5  }
.Ltmp2:
0x48: {  	_ = 	snop;
	(pc) =	sbr.rel @p1 .LBB1_5-.Ltmp2, $1  }
0x49: {  	_ =	sdelay $0x3  }
0x4a: {  	s16 =	simm.s32 $0x1  }
0x4b: {  	_ =	swait.ge [sflag:s4], $0x4000;
	s16 =	simm.s32 @!p0 $0x0  }
0x4c: {  	[sflag:s4] =	ssyncset.done $0x0;
	s17 =	sshll.u32 s16, $0xE  }
0x4d: {  	[sflag:s4] =	ssyncadd.s32 $0xFFFFC000;
	s17 =	sor.u32 $0x40, s17  }
0x4e: {  	s16 =	smul.u32 $0x10200, s16;
	v0 =	vld [tilespmem:s17+$0x30]  }
0x4f: {  	v1 =	vld [tilespmem:s17+$0xFFFFFFD0]  }
0x50: {  	s16 =	sshrl.u32 s16, $0x2;
	v5 =	vld [tilespmem:s17+$0xFFFFFFE0]  }
0x51: {  	v6 =	vld [tilespmem:s17+$0xFFFFFFF0];
	s19 =	sor.u32 $0x8000, s16  }
0x52: {  	s31 =	sand.u32 $0x1, s13;
	v4 =	vld [tilespmem:s17+$0x0];
	s18 =	sadd.s32 $0x0, s19  }
0x53: {  	v3 =	vld [tilespmem:s17+$0x10];
	s16 =	smul.u32 $0x10200, s31;
	[tilespmem:s18+$0x3870 ss:$0x81] =	vst.msk $0xffff, v0  }
0x54: {  	v2 =	vld [tilespmem:s17+$0x20];
	[tilespmem:s18+$0x810 ss:$0x81] =	vst.msk $0xffff, v1  }
0x55: {  	s16 =	sshrl.u32 s16, $0x2;
	v0 =	vld [tilespmem:s17+$0xFFFFFFC0];
	[tilespmem:s18+$0x1020 ss:$0x81] =	vst.msk $0xffff, v5;
	s17 =	sadd.s32 $0x80, s17  }
0x56: {  	s20 =	simm.s32 $0x4;
	s21 =	simm.s32 $0x8;
	s16 =	sor.u32 $0x8000, s16;
	[tilespmem:s18+$0x1830 ss:$0x81] =	vst.msk $0xffff, v6;
	v1 =	vld [tilespmem:s17+$0x30]  }
.LBB1_3:
0x57: {  	p1 =	sne.s32 s21, $0x1FC;
	v5 =	vld [tilespmem:s17+$0xFFFFFFD0];
	[tilespmem:s18+$0x2040 ss:$0x81] =	vst.msk $0xffff, v4  }
0x58: {  	v6 =	vld [tilespmem:s17+$0xFFFFFFE0];
	[tilespmem:s18+$0x2850 ss:$0x81] =	vst.msk $0xffff, v3  }
0x59: {  	s22 =	sshra.s32 s20, $0x2;
	s20 =	smov.u32 s21;
	v7 =	vld [tilespmem:s17+$0xFFFFFFF0];
	[tilespmem:s18+$0x3060 ss:$0x81] =	vst.msk $0xffff, v2  }
.Ltmp3:
0x5a: {  	v4 =	vld [tilespmem:s17+$0x0];
	[tilespmem:s18+$0x0 ss:$0x81] =	vst.msk $0xffff, v0;
	s18 =	sadd.s32 s22, s19;
	(pc) =	sbr.rel @p1 .LBB1_3-.Ltmp3, $4  }
0x5b: {  	v3 =	vld [tilespmem:s17+$0x10];
	[tilespmem:s18+$0x3870 ss:$0x81] =	vst.msk $0xffff, v1  }
0x5c: {  	[tilespmem:s18+$0x810 ss:$0x81] =	vst.msk $0xffff, v5;
	v2 =	vld [tilespmem:s17+$0x20]  }
0x5d: {  	v0 =	vld [tilespmem:s17+$0xFFFFFFC0];
	[tilespmem:s18+$0x1020 ss:$0x81] =	vst.msk $0xffff, v6;
	s17 =	sadd.s32 $0x80, s17  }
0x5e: {  	s21 =	sadd.s32 $0x4, s21;
	v1 =	vld [tilespmem:s17+$0x30];
	[tilespmem:s18+$0x1830 ss:$0x81] =	vst.msk $0xffff, v7  }
.Ltmp4:
0x5f: {  	_ = 	snop;
	(pc) =	sbr.rel .LBB1_4-.Ltmp4, $1  }
0x60: {  	_ =	sdelay $0x3  }
.LBB1_6:
0x61: {  	_ =	sfence.sel $0x180000  }
0x62: {  	s2 =	simm.s32 $0x1;
	[bflag:$0x0] =	sbarrier.arrive $0xFFFF  }
0x63: {  	s31 =	simm.s32 $0x2;
	[sflag:s2] =	ssyncpa.u1 $0x1  }
0x64: {  	[sflag:s31] =	ssyncpa.u1 $0x1  }
0x65: {  	p0 =	sne.s32 s0, $0x0;
	_ =	strace $0x9000004A  }
0x66: {  	s0 =	sadd.s32 @!p0 $0x100000, s1;
	[bflag:$0x2] =	sbarrier.arrive $0xFFFF  }
0x67: {  	[sflag:s0] =	ssyncadd.tile.s32 @!p0 $0x1;
	_ =	shalt  }
.Lfunc_end1:
_tile_overlayer_lowered:
.L_overlay_start_2:
0x68: {  	(tag) =	ssettag $0x2  }
0x69: {  	s0 =	rddreg [dreg:$0x0];
	s2 =	stileid.u32  }
0x6a: {  	s1 =	rddreg [dreg:$0x1];
	p0 =	sne.s32 s2, $0x0  }
0x6b: {  	s3 =	rddreg [dreg:$0x2];
	[bflag:$0x3] =	sbarrier.arrive $0xFFFF;
	s2 =	simm.s32 @!p0 $0x1C01  }
0x6c: {  	[timem:s3], [sflag:s2] =	dma.local @!p0 [hbm:s0], s1  }
0x6d: {  	s0 =	simm.s32 @!p0 $0x1  }
0x6e: {  	_ =	swait.ge @!p0 [sflag:s0], s1  }
0x6f: {  	s1 =	ssub.s32 @!p0 $0x0, s1;
	[sflag:s0] =	ssyncset.done @!p0 $0x0  }
0x70: {  	[sflag:s0] =	ssyncadd.s32 @!p0 s1  }
0x71: {  	[bflag:$0x3] =	sbarrier.arrive $0xFFFF  }
0x72: {  	_ =	shalt  }

</sc_bundles>
